<compile_context>
chip_gen: v7x
topology: tpu7x:2x2x1
jax: 0.10.2.dev20260603
libtpu: 0.0.44.dev20260713+nightly
codegen_flags: <defaults>
</compile_context>

<pallas_src>
import jax
import jax.numpy as jnp
from jax import lax
from jax.experimental import pallas as pl
from jax.experimental.pallas import tpu as pltpu
from jax.experimental.pallas import tpu_sc as plsc

B = 4096
L = 200
D = 128
V = 100000
NC = 2
NS = 16
NW = NC * NS
BPW = B // NW
U0 = 128
U1 = L - U0
NB = 8
NG = D // 32

VPW = V // NW
CH = 125
NCHK = VPW // CH

_PARAMS = pltpu.CompilerParams(
    use_tc_tiling_on_sc=False, needs_layout_passes=False)


def _convert_body(table_hbm, out_hbm, fin0, fin1, fout0, fout1,
                  si0, si1, so0, so1):
    wid = lax.axis_index("s") * NC + lax.axis_index("c")
    base = wid * VPW

    ins = ((fin0, si0), (fin1, si1))
    outs = ((fout0, so0), (fout1, so1))

    def start_in(k, b):
        buf, sem = ins[b]
        pltpu.async_copy(table_hbm.at[pl.ds(base + k * CH, CH), :], buf, sem)

    def wait_in(b):
        buf, sem = ins[b]
        pltpu.make_async_copy(table_hbm.at[pl.ds(base, CH), :], buf,
                              sem).wait()

    def start_out(k, b):
        buf, sem = outs[b]
        pltpu.async_copy(buf, out_hbm.at[pl.ds(base + k * CH, CH), :], sem)

    def wait_out(b):
        buf, sem = outs[b]
        pltpu.make_async_copy(buf, out_hbm.at[pl.ds(base, CH), :],
                              sem).wait()

    def convert(b):
        fin, fout = ins[b][0], outs[b][0]

        def row(rr, carry):
            for g in range(NG):
                a = fin[rr, pl.ds(g * 32, 16)]
                c = fin[rr, pl.ds(g * 32 + 16, 16)]
                fout[rr, pl.ds(g * 32, 32)] = plsc.pack(
                    a, c, format=plsc.PackFormat.INTERLEAVED)
            return carry

        lax.fori_loop(0, CH, row, 0)

    start_in(0, 0)
    start_in(1, 1)

    def pair(i, carry):
        for b in range(2):
            k = 2 * i + b
            wait_in(b)

            @pl.when(k >= 2)
            def _():
                wait_out(b)

            convert(b)
            start_out(k, b)
            start_in(jnp.minimum(k + 2, NCHK - 1), b)
        return carry

    lax.fori_loop(0, (NCHK - 1) // 2, pair, 0)
    wait_in(0)
    wait_out(0)
    convert(0)
    start_out(NCHK - 1, 0)
    wait_in(1)
    wait_out(0)
    wait_out(1)


def _pool_body(x_hbm, table_hbm, out_hbm, idx_v, b0, b1, b2, b3, b4, b5, b6,
               b7, out_v, s0, s1, s2, s3, s4, s5, s6, s7):
    wid = lax.axis_index("s") * NC + lax.axis_index("c")
    base = wid * BPW

    pltpu.sync_copy(x_hbm.at[pl.ds(base, BPW), :], idx_v)

    bufs = ((b0, s0), (b1, s1), (b2, s2), (b3, s3),
            (b4, s4), (b5, s5), (b6, s6), (b7, s7))
    sizes = tuple(U0 if b % 2 == 0 else U1 for b in range(NB))
    offs = tuple(0 if b % 2 == 0 else U0 for b in range(NB))

    def start(u, b):
        buf, sem = bufs[b]
        r = jnp.minimum(u // 2, BPW - 1)
        pltpu.async_copy(
            table_hbm.at[idx_v.at[r, pl.ds(offs[b], sizes[b])]],
            buf.at[pl.ds(0, sizes[b])], sem)

    def wait(b):
        buf, sem = bufs[b]
        pltpu.make_async_copy(
            table_hbm.at[idx_v.at[0, pl.ds(offs[b], sizes[b])]],
            buf.at[pl.ds(0, sizes[b])], sem).wait()

    def accumulate(buf, n, accs):
        def acc_body(j, accs):
            new = []
            for g in range(NG):
                va = buf[j, pl.ds(g * 32, 32)]
                vb = buf[j + n // 2, pl.ds(g * 32, 32)]
                lo, hi = plsc.unpack(va + vb,
                                     format=plsc.PackFormat.INTERLEAVED)
                new.append(accs[2 * g] + lo)
                new.append(accs[2 * g + 1] + hi)
            return tuple(new)

        return lax.fori_loop(0, n // 2, acc_body, accs)

    for b in range(NB):
        start(b, b)

    def block(i, carry):
        for half in range(NB // 2):
            r = (NB // 2) * i + half
            accs = tuple(jnp.zeros((16,), jnp.float32) for _ in range(2 * NG))
            for p in range(2):
                b = 2 * half + p
                u = 2 * r + p
                wait(b)
                accs = accumulate(bufs[b][0], sizes[b], accs)
                start(u + NB, b)
            for g in range(NG):
                out_v[r, pl.ds(g * 32, 16)] = accs[2 * g]
                out_v[r, pl.ds(g * 32 + 16, 16)] = accs[2 * g + 1]
        return carry

    lax.fori_loop(0, BPW // (NB // 2), block, 0)
    for b in range(NB):
        wait(b)

    pltpu.sync_copy(out_v, out_hbm.at[pl.ds(base, BPW), :])


def kernel(x, table):
    mesh = plsc.VectorSubcoreMesh(core_axis_name="c", subcore_axis_name="s")
    convert = pl.kernel(
        _convert_body,
        out_type=jax.ShapeDtypeStruct((V, D), jnp.bfloat16),
        mesh=mesh,
        scratch_types=[
            pltpu.VMEM((CH, D), jnp.float32),
            pltpu.VMEM((CH, D), jnp.float32),
            pltpu.VMEM((CH, D), jnp.bfloat16),
            pltpu.VMEM((CH, D), jnp.bfloat16),
            pltpu.SemaphoreType.DMA,
            pltpu.SemaphoreType.DMA,
            pltpu.SemaphoreType.DMA,
            pltpu.SemaphoreType.DMA,
        ],
        compiler_params=_PARAMS,
    )
    pool = pl.kernel(
        _pool_body,
        out_type=jax.ShapeDtypeStruct((B, D), jnp.float32),
        mesh=mesh,
        scratch_types=[
            pltpu.VMEM((BPW, L), jnp.int32),
            pltpu.VMEM((U0, D), jnp.bfloat16),
            pltpu.VMEM((U0, D), jnp.bfloat16),
            pltpu.VMEM((U0, D), jnp.bfloat16),
            pltpu.VMEM((U0, D), jnp.bfloat16),
            pltpu.VMEM((U0, D), jnp.bfloat16),
            pltpu.VMEM((U0, D), jnp.bfloat16),
            pltpu.VMEM((U0, D), jnp.bfloat16),
            pltpu.VMEM((U0, D), jnp.bfloat16),
            pltpu.VMEM((BPW, D), jnp.float32),
            pltpu.SemaphoreType.DMA,
            pltpu.SemaphoreType.DMA,
            pltpu.SemaphoreType.DMA,
            pltpu.SemaphoreType.DMA,
            pltpu.SemaphoreType.DMA,
            pltpu.SemaphoreType.DMA,
            pltpu.SemaphoreType.DMA,
            pltpu.SemaphoreType.DMA,
        ],
        compiler_params=_PARAMS,
    )
    return pool(x, convert(table))

# --- scband reference (transcript-rebuilt; emitter-appended) ---
"""Pipeline reference for scband-text-embedding-encoder-41094247088213 (READ-ONLY COPY).

The authoritative reference and input builder live on the scoring server;
editing this copy changes nothing except your own understanding.
"""

import jax, jax.numpy as jnp
import numpy as np

VOCAB = 100000
EMBED_DIM = 128
BATCH = 4096
HIST_LEN = 200


def setup_inputs(seed: int = 0) -> dict:
    key = jax.random.key(seed)
    k1, k2 = jax.random.split(key)
    x = jax.random.randint(k1, (BATCH, HIST_LEN), 0, VOCAB, dtype=jnp.int32)
    table = jax.random.normal(k2, (VOCAB, EMBED_DIM), dtype=jnp.float32) * 0.02
    return {"x": x, "table": table}


def reference(x, table):
    # TextEmbedding lookup: [B, L] -> [B, L, D]
    emb = jnp.take(table, x, axis=0)
    # operator == 'sum': reduce over sequence dim -> [B, D]
    out = emb.sum(axis=1)
    # .squeeze()
    return jnp.squeeze(out)

if __name__ == "__main__":
    import jax
    _d = setup_inputs()
    print(jax.jit(kernel)(*tuple(_d.values())))

</pallas_src>

<mosaic_0001>
#map = affine_map<(d0, d1) -> (0, 0)>
module attributes {stable_mosaic.version = 14 : i64} {
  func.func @_convert_body(%arg0: i32, %arg1: i32, %arg2: memref<100000x128xf32, #tpu.memory_space<hbm>>, %arg3: memref<100000x128xbf16, #tpu.memory_space<hbm>>, %arg4: memref<125x128xf32, #tpu.memory_space<vmem>>, %arg5: memref<125x128xf32, #tpu.memory_space<vmem>>, %arg6: memref<125x128xbf16, #tpu.memory_space<vmem>>, %arg7: memref<125x128xbf16, #tpu.memory_space<vmem>>, %arg8: memref<!tpu.dma_semaphore, #tpu.memory_space<semaphore_mem>>, %arg9: memref<!tpu.dma_semaphore, #tpu.memory_space<semaphore_mem>>, %arg10: memref<!tpu.dma_semaphore, #tpu.memory_space<semaphore_mem>>, %arg11: memref<!tpu.dma_semaphore, #tpu.memory_space<semaphore_mem>>) attributes {dimension_semantics = [#tpu.dimension_semantics<core_parallel>, #tpu.dimension_semantics<subcore_parallel>], iteration_bounds = array<i64: 2, 16>, scalar_prefetch = 0 : i64, scratch_operands = 8 : i64, tpu.core_type = #tpu.core_type<sc_vector_subcore>, window_params = [{transform_indices = #map}, {transform_indices = #map}]} {
    %mul3A = arith.constant 2 : i32
    %mul3A_0 = arith.muli %arg1, %mul3A : i32
    %add3A = arith.addi %mul3A_0, %arg0 : i32
    %mul3A_1 = arith.constant 3125 : i32
    %mul3A_2 = arith.muli %add3A, %mul3A_1 : i32
    %add3A_3 = arith.constant 0 : i32
    %add3A_4 = arith.addi %mul3A_2, %add3A_3 : i32
    %dma_start3A = arith.constant 0 : i32
    %dma_start3A_5 = tpu.memref_slice %arg2[%add3A_4, %dma_start3A] : memref<100000x128xf32, #tpu.memory_space<hbm>> -> memref<125x128xf32, #tpu.memory_space<hbm>>
    %dma_start3A_6 = arith.constant 0 : i32
    %dma_start3A_7 = tpu.memref_slice %arg2[%add3A_4, %dma_start3A_6] : memref<100000x128xf32, #tpu.memory_space<hbm>> -> memref<125x128xf32, #tpu.memory_space<hbm>>
    tpu.enqueue_dma source(%dma_start3A_7 : memref<125x128xf32, #tpu.memory_space<hbm>>) target(%arg4 : memref<125x128xf32, #tpu.memory_space<vmem>>) target_semaphore(%arg8 : memref<!tpu.dma_semaphore, #tpu.memory_space<semaphore_mem>>)
    %add3A_8 = arith.constant 125 : i32
    %add3A_9 = arith.addi %mul3A_2, %add3A_8 : i32
    %dma_start3A_10 = arith.constant 0 : i32
    %dma_start3A_11 = tpu.memref_slice %arg2[%add3A_9, %dma_start3A_10] : memref<100000x128xf32, #tpu.memory_space<hbm>> -> memref<125x128xf32, #tpu.memory_space<hbm>>
    %dma_start3A_12 = arith.constant 0 : i32
    %dma_start3A_13 = tpu.memref_slice %arg2[%add3A_9, %dma_start3A_12] : memref<100000x128xf32, #tpu.memory_space<hbm>> -> memref<125x128xf32, #tpu.memory_space<hbm>>
    tpu.enqueue_dma source(%dma_start3A_13 : memref<125x128xf32, #tpu.memory_space<hbm>>) target(%arg5 : memref<125x128xf32, #tpu.memory_space<vmem>>) target_semaphore(%arg9 : memref<!tpu.dma_semaphore, #tpu.memory_space<semaphore_mem>>)
    %scan3A = arith.constant 0 : i32
    %scan3A_14 = arith.constant 0 : i32
    %scan3A_15 = arith.constant 12 : i32
    %scan3A_16 = arith.addi %scan3A_14, %scan3A_15 : i32
    %scan3A_17 = arith.constant 1 : i32
    scf.for %scan3A_50 = %scan3A_14 to %scan3A_16 step %scan3A_17  : i32 {
      %mul3A_51 = arith.constant 2 : i32
      %mul3A_52 = arith.muli %mul3A_51, %scan3A_50 : i32
      %add3A_53 = arith.constant 0 : i32
      %add3A_54 = arith.addi %mul3A_52, %add3A_53 : i32
      %dma_wait3A_55 = arith.constant 0 : i32
      %dma_wait3A_56 = tpu.memref_slice %arg2[%mul3A_2, %dma_wait3A_55] : memref<100000x128xf32, #tpu.memory_space<hbm>> -> memref<125x128xf32, #tpu.memory_space<hbm>>
      %dma_wait3A_57 = arith.constant 0 : i32
      %dma_wait3A_58 = tpu.memref_slice %arg2[%mul3A_2, %dma_wait3A_57] : memref<100000x128xf32, #tpu.memory_space<hbm>> -> memref<125x128xf32, #tpu.memory_space<hbm>>
      tpu.wait_dma2 semaphore(%arg8 : memref<!tpu.dma_semaphore, #tpu.memory_space<semaphore_mem>>) src(%dma_wait3A_58 : memref<125x128xf32, #tpu.memory_space<hbm>>) dst(%arg4 : memref<125x128xf32, #tpu.memory_space<vmem>>)
      %ge3A = arith.constant 2 : i32
      %ge3A_59 = arith.cmpi sge, %add3A_54, %ge3A : i32
      %convert_element_type3A = arith.extui %ge3A_59 : i1 to i32
      %cond3A = arith.constant 0 : i32
      %cond3A_60 = arith.cmpi ne, %convert_element_type3A, %cond3A : i32
      scf.if %cond3A_60 {
        %dma_wait3A_121 = arith.constant 0 : i32
        %dma_wait3A_122 = tpu.memref_slice %arg3[%mul3A_2, %dma_wait3A_121] : memref<100000x128xbf16, #tpu.memory_space<hbm>> -> memref<125x128xbf16, #tpu.memory_space<hbm>>
        %dma_wait3A_123 = arith.constant 0 : i32
        %dma_wait3A_124 = tpu.memref_slice %arg3[%mul3A_2, %dma_wait3A_123] : memref<100000x128xbf16, #tpu.memory_space<hbm>> -> memref<125x128xbf16, #tpu.memory_space<hbm>>
        tpu.wait_dma2 semaphore(%arg10 : memref<!tpu.dma_semaphore, #tpu.memory_space<semaphore_mem>>) src(%arg6 : memref<125x128xbf16, #tpu.memory_space<vmem>>) dst(%dma_wait3A_124 : memref<125x128xbf16, #tpu.memory_space<hbm>>)
      } else {
      }
      %scan3A_61 = arith.constant 0 : i32
      %scan3A_62 = arith.constant 0 : i32
      %scan3A_63 = arith.constant 125 : i32
      %scan3A_64 = arith.addi %scan3A_62, %scan3A_63 : i32
      %scan3A_65 = arith.constant 1 : i32
      scf.for %scan3A_121 = %scan3A_62 to %scan3A_64 step %scan3A_65  : i32 {
        %get3A = arith.index_cast %scan3A_121 : i32 to index
        %get3A_122 = arith.constant 0 : index
        %get3A_123 = tpu.vector_load %arg4[%get3A, %get3A_122] {strides = array<i32>} : memref<125x128xf32, #tpu.memory_space<vmem>>, vector<16xf32>,
        %get3A_124 = arith.index_cast %scan3A_121 : i32 to index
        %get3A_125 = arith.constant 16 : index
        %get3A_126 = tpu.vector_load %arg4[%get3A_124, %get3A_125] {strides = array<i32>} : memref<125x128xf32, #tpu.memory_space<vmem>>, vector<16xf32>,
        %pack3A = tpu.pack_subelements %get3A_123, %get3A_126 {pack_format = #tpu.pack_format<interleaved>, positions = array<i32: 0, 1>} : vector<16xf32>, vector<16xf32> -> vector<32xbf16>
        %swap3A = arith.index_cast %scan3A_121 : i32 to index
        %swap3A_127 = arith.constant 0 : index
        %swap3A_128 = tpu.vector_load %arg6[%swap3A, %swap3A_127] {strides = array<i32>} : memref<125x128xbf16, #tpu.memory_space<vmem>>, vector<32xbf16>,
        tpu.vector_store %arg6[%swap3A, %swap3A_127], %pack3A {strides = array<i32>} : memref<125x128xbf16, #tpu.memory_space<vmem>>, vector<32xbf16>,
        %get3A_129 = arith.index_cast %scan3A_121 : i32 to index
        %get3A_130 = arith.constant 32 : index
        %get3A_131 = tpu.vector_load %arg4[%get3A_129, %get3A_130] {strides = array<i32>} : memref<125x128xf32, #tpu.memory_space<vmem>>, vector<16xf32>,
        %get3A_132 = arith.index_cast %scan3A_121 : i32 to index
        %get3A_133 = arith.constant 48 : index
        %get3A_134 = tpu.vector_load %arg4[%get3A_132, %get3A_133] {strides = array<i32>} : memref<125x128xf32, #tpu.memory_space<vmem>>, vector<16xf32>,
        %pack3A_135 = tpu.pack_subelements %get3A_131, %get3A_134 {pack_format = #tpu.pack_format<interleaved>, positions = array<i32: 0, 1>} : vector<16xf32>, vector<16xf32> -> vector<32xbf16>
        %swap3A_136 = arith.index_cast %scan3A_121 : i32 to index
        %swap3A_137 = arith.constant 32 : index
        %swap3A_138 = tpu.vector_load %arg6[%swap3A_136, %swap3A_137] {strides = array<i32>} : memref<125x128xbf16, #tpu.memory_space<vmem>>, vector<32xbf16>,
        tpu.vector_store %arg6[%swap3A_136, %swap3A_137], %pack3A_135 {strides = array<i32>} : memref<125x128xbf16, #tpu.memory_space<vmem>>, vector<32xbf16>,
        %get3A_139 = arith.index_cast %scan3A_121 : i32 to index
        %get3A_140 = arith.constant 64 : index
        %get3A_141 = tpu.vector_load %arg4[%get3A_139, %get3A_140] {strides = array<i32>} : memref<125x128xf32, #tpu.memory_space<vmem>>, vector<16xf32>,
        %get3A_142 = arith.index_cast %scan3A_121 : i32 to index
        %get3A_143 = arith.constant 80 : index
        %get3A_144 = tpu.vector_load %arg4[%get3A_142, %get3A_143] {strides = array<i32>} : memref<125x128xf32, #tpu.memory_space<vmem>>, vector<16xf32>,
        %pack3A_145 = tpu.pack_subelements %get3A_141, %get3A_144 {pack_format = #tpu.pack_format<interleaved>, positions = array<i32: 0, 1>} : vector<16xf32>, vector<16xf32> -> vector<32xbf16>
        %swap3A_146 = arith.index_cast %scan3A_121 : i32 to index
        %swap3A_147 = arith.constant 64 : index
        %swap3A_148 = tpu.vector_load %arg6[%swap3A_146, %swap3A_147] {strides = array<i32>} : memref<125x128xbf16, #tpu.memory_space<vmem>>, vector<32xbf16>,
        tpu.vector_store %arg6[%swap3A_146, %swap3A_147], %pack3A_145 {strides = array<i32>} : memref<125x128xbf16, #tpu.memory_space<vmem>>, vector<32xbf16>,
        %get3A_149 = arith.index_cast %scan3A_121 : i32 to index
        %get3A_150 = arith.constant 96 : index
        %get3A_151 = tpu.vector_load %arg4[%get3A_149, %get3A_150] {strides = array<i32>} : memref<125x128xf32, #tpu.memory_space<vmem>>, vector<16xf32>,
        %get3A_152 = arith.index_cast %scan3A_121 : i32 to index
        %get3A_153 = arith.constant 112 : index
        %get3A_154 = tpu.vector_load %arg4[%get3A_152, %get3A_153] {strides = array<i32>} : memref<125x128xf32, #tpu.memory_space<vmem>>, vector<16xf32>,
        %pack3A_155 = tpu.pack_subelements %get3A_151, %get3A_154 {pack_format = #tpu.pack_format<interleaved>, positions = array<i32: 0, 1>} : vector<16xf32>, vector<16xf32> -> vector<32xbf16>
        %swap3A_156 = arith.index_cast %scan3A_121 : i32 to index
        %swap3A_157 = arith.constant 96 : index
        %swap3A_158 = tpu.vector_load %arg6[%swap3A_156, %swap3A_157] {strides = array<i32>} : memref<125x128xbf16, #tpu.memory_space<vmem>>, vector<32xbf16>,
        tpu.vector_store %arg6[%swap3A_156, %swap3A_157], %pack3A_155 {strides = array<i32>} : memref<125x128xbf16, #tpu.memory_space<vmem>>, vector<32xbf16>,
      }
      %scan3A_66 = arith.constant 125 : i32
      %mul3A_67 = arith.constant 125 : i32
      %mul3A_68 = arith.muli %add3A_54, %mul3A_67 : i32
      %add3A_69 = arith.addi %mul3A_2, %mul3A_68 : i32
      %dma_start3A_70 = arith.constant 0 : i32
      %dma_start3A_71 = tpu.memref_slice %arg3[%add3A_69, %dma_start3A_70] : memref<100000x128xbf16, #tpu.memory_space<hbm>> -> memref<125x128xbf16, #tpu.memory_space<hbm>>
      %dma_start3A_72 = arith.constant 0 : i32
      %dma_start3A_73 = tpu.memref_slice %arg3[%add3A_69, %dma_start3A_72] : memref<100000x128xbf16, #tpu.memory_space<hbm>> -> memref<125x128xbf16, #tpu.memory_space<hbm>>
      tpu.enqueue_dma source(%arg6 : memref<125x128xbf16, #tpu.memory_space<vmem>>) target(%dma_start3A_73 : memref<125x128xbf16, #tpu.memory_space<hbm>>) target_semaphore(%arg10 : memref<!tpu.dma_semaphore, #tpu.memory_space<semaphore_mem>>)
      %add3A_74 = arith.constant 2 : i32
      %add3A_75 = arith.addi %add3A_54, %add3A_74 : i32
      %min3A = arith.constant 24 : i32
      %min3A_76 = arith.minsi %add3A_75, %min3A : i32
      %mul3A_77 = arith.constant 125 : i32
      %mul3A_78 = arith.muli %min3A_76, %mul3A_77 : i32
      %add3A_79 = arith.addi %mul3A_2, %mul3A_78 : i32
      %dma_start3A_80 = arith.constant 0 : i32
      %dma_start3A_81 = tpu.memref_slice %arg2[%add3A_79, %dma_start3A_80] : memref<100000x128xf32, #tpu.memory_space<hbm>> -> memref<125x128xf32, #tpu.memory_space<hbm>>
      %dma_start3A_82 = arith.constant 0 : i32
      %dma_start3A_83 = tpu.memref_slice %arg2[%add3A_79, %dma_start3A_82] : memref<100000x128xf32, #tpu.memory_space<hbm>> -> memref<125x128xf32, #tpu.memory_space<hbm>>
      tpu.enqueue_dma source(%dma_start3A_83 : memref<125x128xf32, #tpu.memory_space<hbm>>) target(%arg4 : memref<125x128xf32, #tpu.memory_space<vmem>>) target_semaphore(%arg8 : memref<!tpu.dma_semaphore, #tpu.memory_space<semaphore_mem>>)
      %mul3A_84 = arith.constant 2 : i32
      %mul3A_85 = arith.muli %mul3A_84, %scan3A_50 : i32
      %add3A_86 = arith.constant 1 : i32
      %add3A_87 = arith.addi %mul3A_85, %add3A_86 : i32
      %dma_wait3A_88 = arith.constant 0 : i32
      %dma_wait3A_89 = tpu.memref_slice %arg2[%mul3A_2, %dma_wait3A_88] : memref<100000x128xf32, #tpu.memory_space<hbm>> -> memref<125x128xf32, #tpu.memory_space<hbm>>
      %dma_wait3A_90 = arith.constant 0 : i32
      %dma_wait3A_91 = tpu.memref_slice %arg2[%mul3A_2, %dma_wait3A_90] : memref<100000x128xf32, #tpu.memory_space<hbm>> -> memref<125x128xf32, #tpu.memory_space<hbm>>
      tpu.wait_dma2 semaphore(%arg9 : memref<!tpu.dma_semaphore, #tpu.memory_space<semaphore_mem>>) src(%dma_wait3A_91 : memref<125x128xf32, #tpu.memory_space<hbm>>) dst(%arg5 : memref<125x128xf32, #tpu.memory_space<vmem>>)
      %ge3A_92 = arith.constant 2 : i32
      %ge3A_93 = arith.cmpi sge, %add3A_87, %ge3A_92 : i32
      %convert_element_type3A_94 = arith.extui %ge3A_93 : i1 to i32
      %cond3A_95 = arith.constant 0 : i32
      %cond3A_96 = arith.cmpi ne, %convert_element_type3A_94, %cond3A_95 : i32
      scf.if %cond3A_96 {
        %dma_wait3A_121 = arith.constant 0 : i32
        %dma_wait3A_122 = tpu.memref_slice %arg3[%mul3A_2, %dma_wait3A_121] : memref<100000x128xbf16, #tpu.memory_space<hbm>> -> memref<125x128xbf16, #tpu.memory_space<hbm>>
        %dma_wait3A_123 = arith.constant 0 : i32
        %dma_wait3A_124 = tpu.memref_slice %arg3[%mul3A_2, %dma_wait3A_123] : memref<100000x128xbf16, #tpu.memory_space<hbm>> -> memref<125x128xbf16, #tpu.memory_space<hbm>>
        tpu.wait_dma2 semaphore(%arg11 : memref<!tpu.dma_semaphore, #tpu.memory_space<semaphore_mem>>) src(%arg7 : memref<125x128xbf16, #tpu.memory_space<vmem>>) dst(%dma_wait3A_124 : memref<125x128xbf16, #tpu.memory_space<hbm>>)
      } else {
      }
      %scan3A_97 = arith.constant 0 : i32
      %scan3A_98 = arith.constant 0 : i32
      %scan3A_99 = arith.constant 125 : i32
      %scan3A_100 = arith.addi %scan3A_98, %scan3A_99 : i32
      %scan3A_101 = arith.constant 1 : i32
      scf.for %scan3A_121 = %scan3A_98 to %scan3A_100 step %scan3A_101  : i32 {
        %get3A = arith.index_cast %scan3A_121 : i32 to index
        %get3A_122 = arith.constant 0 : index
        %get3A_123 = tpu.vector_load %arg5[%get3A, %get3A_122] {strides = array<i32>} : memref<125x128xf32, #tpu.memory_space<vmem>>, vector<16xf32>,
        %get3A_124 = arith.index_cast %scan3A_121 : i32 to index
        %get3A_125 = arith.constant 16 : index
        %get3A_126 = tpu.vector_load %arg5[%get3A_124, %get3A_125] {strides = array<i32>} : memref<125x128xf32, #tpu.memory_space<vmem>>, vector<16xf32>,
        %pack3A = tpu.pack_subelements %get3A_123, %get3A_126 {pack_format = #tpu.pack_format<interleaved>, positions = array<i32: 0, 1>} : vector<16xf32>, vector<16xf32> -> vector<32xbf16>
        %swap3A = arith.index_cast %scan3A_121 : i32 to index
        %swap3A_127 = arith.constant 0 : index
        %swap3A_128 = tpu.vector_load %arg7[%swap3A, %swap3A_127] {strides = array<i32>} : memref<125x128xbf16, #tpu.memory_space<vmem>>, vector<32xbf16>,
        tpu.vector_store %arg7[%swap3A, %swap3A_127], %pack3A {strides = array<i32>} : memref<125x128xbf16, #tpu.memory_space<vmem>>, vector<32xbf16>,
        %get3A_129 = arith.index_cast %scan3A_121 : i32 to index
        %get3A_130 = arith.constant 32 : index
        %get3A_131 = tpu.vector_load %arg5[%get3A_129, %get3A_130] {strides = array<i32>} : memref<125x128xf32, #tpu.memory_space<vmem>>, vector<16xf32>,
        %get3A_132 = arith.index_cast %scan3A_121 : i32 to index
        %get3A_133 = arith.constant 48 : index
        %get3A_134 = tpu.vector_load %arg5[%get3A_132, %get3A_133] {strides = array<i32>} : memref<125x128xf32, #tpu.memory_space<vmem>>, vector<16xf32>,
        %pack3A_135 = tpu.pack_subelements %get3A_131, %get3A_134 {pack_format = #tpu.pack_format<interleaved>, positions = array<i32: 0, 1>} : vector<16xf32>, vector<16xf32> -> vector<32xbf16>
        %swap3A_136 = arith.index_cast %scan3A_121 : i32 to index
        %swap3A_137 = arith.constant 32 : index
        %swap3A_138 = tpu.vector_load %arg7[%swap3A_136, %swap3A_137] {strides = array<i32>} : memref<125x128xbf16, #tpu.memory_space<vmem>>, vector<32xbf16>,
        tpu.vector_store %arg7[%swap3A_136, %swap3A_137], %pack3A_135 {strides = array<i32>} : memref<125x128xbf16, #tpu.memory_space<vmem>>, vector<32xbf16>,
        %get3A_139 = arith.index_cast %scan3A_121 : i32 to index
        %get3A_140 = arith.constant 64 : index
        %get3A_141 = tpu.vector_load %arg5[%get3A_139, %get3A_140] {strides = array<i32>} : memref<125x128xf32, #tpu.memory_space<vmem>>, vector<16xf32>,
        %get3A_142 = arith.index_cast %scan3A_121 : i32 to index
        %get3A_143 = arith.constant 80 : index
        %get3A_144 = tpu.vector_load %arg5[%get3A_142, %get3A_143] {strides = array<i32>} : memref<125x128xf32, #tpu.memory_space<vmem>>, vector<16xf32>,
        %pack3A_145 = tpu.pack_subelements %get3A_141, %get3A_144 {pack_format = #tpu.pack_format<interleaved>, positions = array<i32: 0, 1>} : vector<16xf32>, vector<16xf32> -> vector<32xbf16>
        %swap3A_146 = arith.index_cast %scan3A_121 : i32 to index
        %swap3A_147 = arith.constant 64 : index
        %swap3A_148 = tpu.vector_load %arg7[%swap3A_146, %swap3A_147] {strides = array<i32>} : memref<125x128xbf16, #tpu.memory_space<vmem>>, vector<32xbf16>,
        tpu.vector_store %arg7[%swap3A_146, %swap3A_147], %pack3A_145 {strides = array<i32>} : memref<125x128xbf16, #tpu.memory_space<vmem>>, vector<32xbf16>,
        %get3A_149 = arith.index_cast %scan3A_121 : i32 to index
        %get3A_150 = arith.constant 96 : index
        %get3A_151 = tpu.vector_load %arg5[%get3A_149, %get3A_150] {strides = array<i32>} : memref<125x128xf32, #tpu.memory_space<vmem>>, vector<16xf32>,
        %get3A_152 = arith.index_cast %scan3A_121 : i32 to index
        %get3A_153 = arith.constant 112 : index
        %get3A_154 = tpu.vector_load %arg5[%get3A_152, %get3A_153] {strides = array<i32>} : memref<125x128xf32, #tpu.memory_space<vmem>>, vector<16xf32>,
        %pack3A_155 = tpu.pack_subelements %get3A_151, %get3A_154 {pack_format = #tpu.pack_format<interleaved>, positions = array<i32: 0, 1>} : vector<16xf32>, vector<16xf32> -> vector<32xbf16>
        %swap3A_156 = arith.index_cast %scan3A_121 : i32 to index
        %swap3A_157 = arith.constant 96 : index
        %swap3A_158 = tpu.vector_load %arg7[%swap3A_156, %swap3A_157] {strides = array<i32>} : memref<125x128xbf16, #tpu.memory_space<vmem>>, vector<32xbf16>,
        tpu.vector_store %arg7[%swap3A_156, %swap3A_157], %pack3A_155 {strides = array<i32>} : memref<125x128xbf16, #tpu.memory_space<vmem>>, vector<32xbf16>,
      }
      %scan3A_102 = arith.constant 125 : i32
      %mul3A_103 = arith.constant 125 : i32
      %mul3A_104 = arith.muli %add3A_87, %mul3A_103 : i32
      %add3A_105 = arith.addi %mul3A_2, %mul3A_104 : i32
      %dma_start3A_106 = arith.constant 0 : i32
      %dma_start3A_107 = tpu.memref_slice %arg3[%add3A_105, %dma_start3A_106] : memref<100000x128xbf16, #tpu.memory_space<hbm>> -> memref<125x128xbf16, #tpu.memory_space<hbm>>
      %dma_start3A_108 = arith.constant 0 : i32
      %dma_start3A_109 = tpu.memref_slice %arg3[%add3A_105, %dma_start3A_108] : memref<100000x128xbf16, #tpu.memory_space<hbm>> -> memref<125x128xbf16, #tpu.memory_space<hbm>>
      tpu.enqueue_dma source(%arg7 : memref<125x128xbf16, #tpu.memory_space<vmem>>) target(%dma_start3A_109 : memref<125x128xbf16, #tpu.memory_space<hbm>>) target_semaphore(%arg11 : memref<!tpu.dma_semaphore, #tpu.memory_space<semaphore_mem>>)
      %add3A_110 = arith.constant 2 : i32
      %add3A_111 = arith.addi %add3A_87, %add3A_110 : i32
      %min3A_112 = arith.constant 24 : i32
      %min3A_113 = arith.minsi %add3A_111, %min3A_112 : i32
      %mul3A_114 = arith.constant 125 : i32
      %mul3A_115 = arith.muli %min3A_113, %mul3A_114 : i32
      %add3A_116 = arith.addi %mul3A_2, %mul3A_115 : i32
      %dma_start3A_117 = arith.constant 0 : i32
      %dma_start3A_118 = tpu.memref_slice %arg2[%add3A_116, %dma_start3A_117] : memref<100000x128xf32, #tpu.memory_space<hbm>> -> memref<125x128xf32, #tpu.memory_space<hbm>>
      %dma_start3A_119 = arith.constant 0 : i32
      %dma_start3A_120 = tpu.memref_slice %arg2[%add3A_116, %dma_start3A_119] : memref<100000x128xf32, #tpu.memory_space<hbm>> -> memref<125x128xf32, #tpu.memory_space<hbm>>
      tpu.enqueue_dma source(%dma_start3A_120 : memref<125x128xf32, #tpu.memory_space<hbm>>) target(%arg5 : memref<125x128xf32, #tpu.memory_space<vmem>>) target_semaphore(%arg9 : memref<!tpu.dma_semaphore, #tpu.memory_space<semaphore_mem>>)
    }
    %scan3A_18 = arith.constant 12 : i32
    %dma_wait3A = arith.constant 0 : i32
    %dma_wait3A_19 = tpu.memref_slice %arg2[%mul3A_2, %dma_wait3A] : memref<100000x128xf32, #tpu.memory_space<hbm>> -> memref<125x128xf32, #tpu.memory_space<hbm>>
    %dma_wait3A_20 = arith.constant 0 : i32
    %dma_wait3A_21 = tpu.memref_slice %arg2[%mul3A_2, %dma_wait3A_20] : memref<100000x128xf32, #tpu.memory_space<hbm>> -> memref<125x128xf32, #tpu.memory_space<hbm>>
    tpu.wait_dma2 semaphore(%arg8 : memref<!tpu.dma_semaphore, #tpu.memory_space<semaphore_mem>>) src(%dma_wait3A_21 : memref<125x128xf32, #tpu.memory_space<hbm>>) dst(%arg4 : memref<125x128xf32, #tpu.memory_space<vmem>>)
    %dma_wait3A_22 = arith.constant 0 : i32
    %dma_wait3A_23 = tpu.memref_slice %arg3[%mul3A_2, %dma_wait3A_22] : memref<100000x128xbf16, #tpu.memory_space<hbm>> -> memref<125x128xbf16, #tpu.memory_space<hbm>>
    %dma_wait3A_24 = arith.constant 0 : i32
    %dma_wait3A_25 = tpu.memref_slice %arg3[%mul3A_2, %dma_wait3A_24] : memref<100000x128xbf16, #tpu.memory_space<hbm>> -> memref<125x128xbf16, #tpu.memory_space<hbm>>
    tpu.wait_dma2 semaphore(%arg10 : memref<!tpu.dma_semaphore, #tpu.memory_space<semaphore_mem>>) src(%arg6 : memref<125x128xbf16, #tpu.memory_space<vmem>>) dst(%dma_wait3A_25 : memref<125x128xbf16, #tpu.memory_space<hbm>>)
    %scan3A_26 = arith.constant 0 : i32
    %scan3A_27 = arith.constant 0 : i32
    %scan3A_28 = arith.constant 125 : i32
    %scan3A_29 = arith.addi %scan3A_27, %scan3A_28 : i32
    %scan3A_30 = arith.constant 1 : i32
    scf.for %scan3A_50 = %scan3A_27 to %scan3A_29 step %scan3A_30  : i32 {
      %get3A = arith.index_cast %scan3A_50 : i32 to index
      %get3A_51 = arith.constant 0 : index
      %get3A_52 = tpu.vector_load %arg4[%get3A, %get3A_51] {strides = array<i32>} : memref<125x128xf32, #tpu.memory_space<vmem>>, vector<16xf32>,
      %get3A_53 = arith.index_cast %scan3A_50 : i32 to index
      %get3A_54 = arith.constant 16 : index
      %get3A_55 = tpu.vector_load %arg4[%get3A_53, %get3A_54] {strides = array<i32>} : memref<125x128xf32, #tpu.memory_space<vmem>>, vector<16xf32>,
      %pack3A = tpu.pack_subelements %get3A_52, %get3A_55 {pack_format = #tpu.pack_format<interleaved>, positions = array<i32: 0, 1>} : vector<16xf32>, vector<16xf32> -> vector<32xbf16>
      %swap3A = arith.index_cast %scan3A_50 : i32 to index
      %swap3A_56 = arith.constant 0 : index
      %swap3A_57 = tpu.vector_load %arg6[%swap3A, %swap3A_56] {strides = array<i32>} : memref<125x128xbf16, #tpu.memory_space<vmem>>, vector<32xbf16>,
      tpu.vector_store %arg6[%swap3A, %swap3A_56], %pack3A {strides = array<i32>} : memref<125x128xbf16, #tpu.memory_space<vmem>>, vector<32xbf16>,
      %get3A_58 = arith.index_cast %scan3A_50 : i32 to index
      %get3A_59 = arith.constant 32 : index
      %get3A_60 = tpu.vector_load %arg4[%get3A_58, %get3A_59] {strides = array<i32>} : memref<125x128xf32, #tpu.memory_space<vmem>>, vector<16xf32>,
      %get3A_61 = arith.index_cast %scan3A_50 : i32 to index
      %get3A_62 = arith.constant 48 : index
      %get3A_63 = tpu.vector_load %arg4[%get3A_61, %get3A_62] {strides = array<i32>} : memref<125x128xf32, #tpu.memory_space<vmem>>, vector<16xf32>,
      %pack3A_64 = tpu.pack_subelements %get3A_60, %get3A_63 {pack_format = #tpu.pack_format<interleaved>, positions = array<i32: 0, 1>} : vector<16xf32>, vector<16xf32> -> vector<32xbf16>
      %swap3A_65 = arith.index_cast %scan3A_50 : i32 to index
      %swap3A_66 = arith.constant 32 : index
      %swap3A_67 = tpu.vector_load %arg6[%swap3A_65, %swap3A_66] {strides = array<i32>} : memref<125x128xbf16, #tpu.memory_space<vmem>>, vector<32xbf16>,
      tpu.vector_store %arg6[%swap3A_65, %swap3A_66], %pack3A_64 {strides = array<i32>} : memref<125x128xbf16, #tpu.memory_space<vmem>>, vector<32xbf16>,
      %get3A_68 = arith.index_cast %scan3A_50 : i32 to index
      %get3A_69 = arith.constant 64 : index
      %get3A_70 = tpu.vector_load %arg4[%get3A_68, %get3A_69] {strides = array<i32>} : memref<125x128xf32, #tpu.memory_space<vmem>>, vector<16xf32>,
      %get3A_71 = arith.index_cast %scan3A_50 : i32 to index
      %get3A_72 = arith.constant 80 : index
      %get3A_73 = tpu.vector_load %arg4[%get3A_71, %get3A_72] {strides = array<i32>} : memref<125x128xf32, #tpu.memory_space<vmem>>, vector<16xf32>,
      %pack3A_74 = tpu.pack_subelements %get3A_70, %get3A_73 {pack_format = #tpu.pack_format<interleaved>, positions = array<i32: 0, 1>} : vector<16xf32>, vector<16xf32> -> vector<32xbf16>
      %swap3A_75 = arith.index_cast %scan3A_50 : i32 to index
      %swap3A_76 = arith.constant 64 : index
      %swap3A_77 = tpu.vector_load %arg6[%swap3A_75, %swap3A_76] {strides = array<i32>} : memref<125x128xbf16, #tpu.memory_space<vmem>>, vector<32xbf16>,
      tpu.vector_store %arg6[%swap3A_75, %swap3A_76], %pack3A_74 {strides = array<i32>} : memref<125x128xbf16, #tpu.memory_space<vmem>>, vector<32xbf16>,
      %get3A_78 = arith.index_cast %scan3A_50 : i32 to index
      %get3A_79 = arith.constant 96 : index
      %get3A_80 = tpu.vector_load %arg4[%get3A_78, %get3A_79] {strides = array<i32>} : memref<125x128xf32, #tpu.memory_space<vmem>>, vector<16xf32>,
      %get3A_81 = arith.index_cast %scan3A_50 : i32 to index
      %get3A_82 = arith.constant 112 : index
      %get3A_83 = tpu.vector_load %arg4[%get3A_81, %get3A_82] {strides = array<i32>} : memref<125x128xf32, #tpu.memory_space<vmem>>, vector<16xf32>,
      %pack3A_84 = tpu.pack_subelements %get3A_80, %get3A_83 {pack_format = #tpu.pack_format<interleaved>, positions = array<i32: 0, 1>} : vector<16xf32>, vector<16xf32> -> vector<32xbf16>
      %swap3A_85 = arith.index_cast %scan3A_50 : i32 to index
      %swap3A_86 = arith.constant 96 : index
      %swap3A_87 = tpu.vector_load %arg6[%swap3A_85, %swap3A_86] {strides = array<i32>} : memref<125x128xbf16, #tpu.memory_space<vmem>>, vector<32xbf16>,
      tpu.vector_store %arg6[%swap3A_85, %swap3A_86], %pack3A_84 {strides = array<i32>} : memref<125x128xbf16, #tpu.memory_space<vmem>>, vector<32xbf16>,
    }
    %scan3A_31 = arith.constant 125 : i32
    %add3A_32 = arith.constant 3000 : i32
    %add3A_33 = arith.addi %mul3A_2, %add3A_32 : i32
    %dma_start3A_34 = arith.constant 0 : i32
    %dma_start3A_35 = tpu.memref_slice %arg3[%add3A_33, %dma_start3A_34] : memref<100000x128xbf16, #tpu.memory_space<hbm>> -> memref<125x128xbf16, #tpu.memory_space<hbm>>
    %dma_start3A_36 = arith.constant 0 : i32
    %dma_start3A_37 = tpu.memref_slice %arg3[%add3A_33, %dma_start3A_36] : memref<100000x128xbf16, #tpu.memory_space<hbm>> -> memref<125x128xbf16, #tpu.memory_space<hbm>>
    tpu.enqueue_dma source(%arg6 : memref<125x128xbf16, #tpu.memory_space<vmem>>) target(%dma_start3A_37 : memref<125x128xbf16, #tpu.memory_space<hbm>>) target_semaphore(%arg10 : memref<!tpu.dma_semaphore, #tpu.memory_space<semaphore_mem>>)
    %dma_wait3A_38 = arith.constant 0 : i32
    %dma_wait3A_39 = tpu.memref_slice %arg2[%mul3A_2, %dma_wait3A_38] : memref<100000x128xf32, #tpu.memory_space<hbm>> -> memref<125x128xf32, #tpu.memory_space<hbm>>
    %dma_wait3A_40 = arith.constant 0 : i32
    %dma_wait3A_41 = tpu.memref_slice %arg2[%mul3A_2, %dma_wait3A_40] : memref<100000x128xf32, #tpu.memory_space<hbm>> -> memref<125x128xf32, #tpu.memory_space<hbm>>
    tpu.wait_dma2 semaphore(%arg9 : memref<!tpu.dma_semaphore, #tpu.memory_space<semaphore_mem>>) src(%dma_wait3A_41 : memref<125x128xf32, #tpu.memory_space<hbm>>) dst(%arg5 : memref<125x128xf32, #tpu.memory_space<vmem>>)
    %dma_wait3A_42 = arith.constant 0 : i32
    %dma_wait3A_43 = tpu.memref_slice %arg3[%mul3A_2, %dma_wait3A_42] : memref<100000x128xbf16, #tpu.memory_space<hbm>> -> memref<125x128xbf16, #tpu.memory_space<hbm>>
    %dma_wait3A_44 = arith.constant 0 : i32
    %dma_wait3A_45 = tpu.memref_slice %arg3[%mul3A_2, %dma_wait3A_44] : memref<100000x128xbf16, #tpu.memory_space<hbm>> -> memref<125x128xbf16, #tpu.memory_space<hbm>>
    tpu.wait_dma2 semaphore(%arg10 : memref<!tpu.dma_semaphore, #tpu.memory_space<semaphore_mem>>) src(%arg6 : memref<125x128xbf16, #tpu.memory_space<vmem>>) dst(%dma_wait3A_45 : memref<125x128xbf16, #tpu.memory_space<hbm>>)
    %dma_wait3A_46 = arith.constant 0 : i32
    %dma_wait3A_47 = tpu.memref_slice %arg3[%mul3A_2, %dma_wait3A_46] : memref<100000x128xbf16, #tpu.memory_space<hbm>> -> memref<125x128xbf16, #tpu.memory_space<hbm>>
    %dma_wait3A_48 = arith.constant 0 : i32
    %dma_wait3A_49 = tpu.memref_slice %arg3[%mul3A_2, %dma_wait3A_48] : memref<100000x128xbf16, #tpu.memory_space<hbm>> -> memref<125x128xbf16, #tpu.memory_space<hbm>>
    tpu.wait_dma2 semaphore(%arg11 : memref<!tpu.dma_semaphore, #tpu.memory_space<semaphore_mem>>) src(%arg7 : memref<125x128xbf16, #tpu.memory_space<vmem>>) dst(%dma_wait3A_49 : memref<125x128xbf16, #tpu.memory_space<hbm>>)
    return
  }
}

#map = affine_map<(d0, d1) -> (0, 0)>
module attributes {stable_mosaic.version = 14 : i64} {
  func.func @_pool_body(%arg0: i32, %arg1: i32, %arg2: memref<4096x200xi32, #tpu.memory_space<hbm>>, %arg3: memref<100000x128xbf16, #tpu.memory_space<hbm>>, %arg4: memref<4096x128xf32, #tpu.memory_space<hbm>>, %arg5: memref<128x200xi32, #tpu.memory_space<vmem>>, %arg6: memref<128x128xbf16, #tpu.memory_space<vmem>>, %arg7: memref<128x128xbf16, #tpu.memory_space<vmem>>, %arg8: memref<128x128xbf16, #tpu.memory_space<vmem>>, %arg9: memref<128x128xbf16, #tpu.memory_space<vmem>>, %arg10: memref<128x128xbf16, #tpu.memory_space<vmem>>, %arg11: memref<128x128xbf16, #tpu.memory_space<vmem>>, %arg12: memref<128x128xbf16, #tpu.memory_space<vmem>>, %arg13: memref<128x128xbf16, #tpu.memory_space<vmem>>, %arg14: memref<128x128xf32, #tpu.memory_space<vmem>>, %arg15: memref<!tpu.dma_semaphore, #tpu.memory_space<semaphore_mem>>, %arg16: memref<!tpu.dma_semaphore, #tpu.memory_space<semaphore_mem>>, %arg17: memref<!tpu.dma_semaphore, #tpu.memory_space<semaphore_mem>>, %arg18: memref<!tpu.dma_semaphore, #tpu.memory_space<semaphore_mem>>, %arg19: memref<!tpu.dma_semaphore, #tpu.memory_space<semaphore_mem>>, %arg20: memref<!tpu.dma_semaphore, #tpu.memory_space<semaphore_mem>>, %arg21: memref<!tpu.dma_semaphore, #tpu.memory_space<semaphore_mem>>, %arg22: memref<!tpu.dma_semaphore, #tpu.memory_space<semaphore_mem>>) attributes {dimension_semantics = [#tpu.dimension_semantics<core_parallel>, #tpu.dimension_semantics<subcore_parallel>], iteration_bounds = array<i64: 2, 16>, scalar_prefetch = 0 : i64, scratch_operands = 18 : i64, tpu.core_type = #tpu.core_type<sc_vector_subcore>, window_params = [{transform_indices = #map}, {transform_indices = #map}, {transform_indices = #map}]} {
    %mul3A = arith.constant 2 : i32
    %mul3A_0 = arith.muli %arg1, %mul3A : i32
    %add3A = arith.addi %mul3A_0, %arg0 : i32
    %mul3A_1 = arith.constant 128 : i32
    %mul3A_2 = arith.muli %add3A, %mul3A_1 : i32
    "tpu.region"() ({
      %run_scoped3A = tpu.sem_alloc : memref<!tpu.dma_semaphore, #tpu.memory_space<semaphore_mem>>
      %dma_start3A_181 = arith.constant 0 : i32
      %dma_start3A_182 = tpu.memref_slice %arg2[%mul3A_2, %dma_start3A_181] : memref<4096x200xi32, #tpu.memory_space<hbm>> -> memref<128x200xi32, #tpu.memory_space<hbm>>
      %dma_start3A_183 = arith.constant 0 : i32
      %dma_start3A_184 = tpu.memref_slice %arg2[%mul3A_2, %dma_start3A_183] : memref<4096x200xi32, #tpu.memory_space<hbm>> -> memref<128x200xi32, #tpu.memory_space<hbm>>
      tpu.enqueue_dma source(%dma_start3A_184 : memref<128x200xi32, #tpu.memory_space<hbm>>) target(%arg5 : memref<128x200xi32, #tpu.memory_space<vmem>>) target_semaphore(%run_scoped3A : memref<!tpu.dma_semaphore, #tpu.memory_space<semaphore_mem>>)
      %dma_wait3A_185 = arith.constant 0 : i32
      %dma_wait3A_186 = tpu.memref_slice %arg2[%mul3A_2, %dma_wait3A_185] : memref<4096x200xi32, #tpu.memory_space<hbm>> -> memref<128x200xi32, #tpu.memory_space<hbm>>
      %dma_wait3A_187 = arith.constant 0 : i32
      %dma_wait3A_188 = tpu.memref_slice %arg2[%mul3A_2, %dma_wait3A_187] : memref<4096x200xi32, #tpu.memory_space<hbm>> -> memref<128x200xi32, #tpu.memory_space<hbm>>
      tpu.wait_dma2 semaphore(%run_scoped3A : memref<!tpu.dma_semaphore, #tpu.memory_space<semaphore_mem>>) src(%dma_wait3A_188 : memref<128x200xi32, #tpu.memory_space<hbm>>) dst(%arg5 : memref<128x200xi32, #tpu.memory_space<vmem>>)
      tpu.yield
    }) : () -> ()
    %min3A = arith.constant 0 : i32
    %min3A_3 = arith.constant 127 : i32
    %min3A_4 = arith.minsi %min3A, %min3A_3 : i32
    %dma_start3A = arith.constant 0 : i32
    %dma_start3A_5 = arith.constant 0 : i32
    %dma_start3A_6 = tpu.memref_slice %arg6[%dma_start3A, %dma_start3A_5] : memref<128x128xbf16, #tpu.memory_space<vmem>> -> memref<128x128xbf16, #tpu.memory_space<vmem>>
    %dma_start3A_7 = arith.constant 0 : i32
    %dma_start3A_8 = tpu.memref_slice %arg5[%min3A_4, %dma_start3A_7] : memref<128x200xi32, #tpu.memory_space<vmem>> -> memref<1x128xi32, #tpu.memory_space<vmem>>
    %dma_start3A_9 = tpu.memref_squeeze %dma_start3A_8 : memref<1x128xi32, #tpu.memory_space<vmem>> -> memref<128xi32, #tpu.memory_space<vmem>>
    %dma_start3A_10 = arith.constant 0 : i32
    %dma_start3A_11 = arith.constant 0 : i32
    %dma_start3A_12 = tpu.memref_slice %arg3[%dma_start3A_10, %dma_start3A_11] : memref<100000x128xbf16, #tpu.memory_space<hbm>> -> memref<100000x128xbf16, #tpu.memory_space<hbm>>
    tpu.enqueue_indirect_dma source(%dma_start3A_12 : memref<100000x128xbf16, #tpu.memory_space<hbm>>) target(%dma_start3A_6 : memref<128x128xbf16, #tpu.memory_space<vmem>>) offsets(%dma_start3A_9 : memref<128xi32, #tpu.memory_space<vmem>>) semaphore(%arg15 : memref<!tpu.dma_semaphore, #tpu.memory_space<semaphore_mem>>)
    %min3A_13 = arith.constant 0 : i32
    %min3A_14 = arith.constant 127 : i32
    %min3A_15 = arith.minsi %min3A_13, %min3A_14 : i32
    %dma_start3A_16 = arith.constant 0 : i32
    %dma_start3A_17 = arith.constant 0 : i32
    %dma_start3A_18 = tpu.memref_slice %arg7[%dma_start3A_16, %dma_start3A_17] : memref<128x128xbf16, #tpu.memory_space<vmem>> -> memref<72x128xbf16, #tpu.memory_space<vmem>>
    %dma_start3A_19 = arith.constant 128 : i32
    %dma_start3A_20 = tpu.memref_slice %arg5[%min3A_15, %dma_start3A_19] : memref<128x200xi32, #tpu.memory_space<vmem>> -> memref<1x72xi32, #tpu.memory_space<vmem>>
    %dma_start3A_21 = tpu.memref_squeeze %dma_start3A_20 : memref<1x72xi32, #tpu.memory_space<vmem>> -> memref<72xi32, #tpu.memory_space<vmem>>
    %dma_start3A_22 = arith.constant 0 : i32
    %dma_start3A_23 = arith.constant 0 : i32
    %dma_start3A_24 = tpu.memref_slice %arg3[%dma_start3A_22, %dma_start3A_23] : memref<100000x128xbf16, #tpu.memory_space<hbm>> -> memref<100000x128xbf16, #tpu.memory_space<hbm>>
    tpu.enqueue_indirect_dma source(%dma_start3A_24 : memref<100000x128xbf16, #tpu.memory_space<hbm>>) target(%dma_start3A_18 : memref<72x128xbf16, #tpu.memory_space<vmem>>) offsets(%dma_start3A_21 : memref<72xi32, #tpu.memory_space<vmem>>) semaphore(%arg16 : memref<!tpu.dma_semaphore, #tpu.memory_space<semaphore_mem>>)
    %min3A_25 = arith.constant 1 : i32
    %min3A_26 = arith.constant 127 : i32
    %min3A_27 = arith.minsi %min3A_25, %min3A_26 : i32
    %dma_start3A_28 = arith.constant 0 : i32
    %dma_start3A_29 = arith.constant 0 : i32
    %dma_start3A_30 = tpu.memref_slice %arg8[%dma_start3A_28, %dma_start3A_29] : memref<128x128xbf16, #tpu.memory_space<vmem>> -> memref<128x128xbf16, #tpu.memory_space<vmem>>
    %dma_start3A_31 = arith.constant 0 : i32
    %dma_start3A_32 = tpu.memref_slice %arg5[%min3A_27, %dma_start3A_31] : memref<128x200xi32, #tpu.memory_space<vmem>> -> memref<1x128xi32, #tpu.memory_space<vmem>>
    %dma_start3A_33 = tpu.memref_squeeze %dma_start3A_32 : memref<1x128xi32, #tpu.memory_space<vmem>> -> memref<128xi32, #tpu.memory_space<vmem>>
    %dma_start3A_34 = arith.constant 0 : i32
    %dma_start3A_35 = arith.constant 0 : i32
    %dma_start3A_36 = tpu.memref_slice %arg3[%dma_start3A_34, %dma_start3A_35] : memref<100000x128xbf16, #tpu.memory_space<hbm>> -> memref<100000x128xbf16, #tpu.memory_space<hbm>>
    tpu.enqueue_indirect_dma source(%dma_start3A_36 : memref<100000x128xbf16, #tpu.memory_space<hbm>>) target(%dma_start3A_30 : memref<128x128xbf16, #tpu.memory_space<vmem>>) offsets(%dma_start3A_33 : memref<128xi32, #tpu.memory_space<vmem>>) semaphore(%arg17 : memref<!tpu.dma_semaphore, #tpu.memory_space<semaphore_mem>>)
    %min3A_37 = arith.constant 1 : i32
    %min3A_38 = arith.constant 127 : i32
    %min3A_39 = arith.minsi %min3A_37, %min3A_38 : i32
    %dma_start3A_40 = arith.constant 0 : i32
    %dma_start3A_41 = arith.constant 0 : i32
    %dma_start3A_42 = tpu.memref_slice %arg9[%dma_start3A_40, %dma_start3A_41] : memref<128x128xbf16, #tpu.memory_space<vmem>> -> memref<72x128xbf16, #tpu.memory_space<vmem>>
    %dma_start3A_43 = arith.constant 128 : i32
    %dma_start3A_44 = tpu.memref_slice %arg5[%min3A_39, %dma_start3A_43] : memref<128x200xi32, #tpu.memory_space<vmem>> -> memref<1x72xi32, #tpu.memory_space<vmem>>
    %dma_start3A_45 = tpu.memref_squeeze %dma_start3A_44 : memref<1x72xi32, #tpu.memory_space<vmem>> -> memref<72xi32, #tpu.memory_space<vmem>>
    %dma_start3A_46 = arith.constant 0 : i32
    %dma_start3A_47 = arith.constant 0 : i32
    %dma_start3A_48 = tpu.memref_slice %arg3[%dma_start3A_46, %dma_start3A_47] : memref<100000x128xbf16, #tpu.memory_space<hbm>> -> memref<100000x128xbf16, #tpu.memory_space<hbm>>
    tpu.enqueue_indirect_dma source(%dma_start3A_48 : memref<100000x128xbf16, #tpu.memory_space<hbm>>) target(%dma_start3A_42 : memref<72x128xbf16, #tpu.memory_space<vmem>>) offsets(%dma_start3A_45 : memref<72xi32, #tpu.memory_space<vmem>>) semaphore(%arg18 : memref<!tpu.dma_semaphore, #tpu.memory_space<semaphore_mem>>)
    %min3A_49 = arith.constant 2 : i32
    %min3A_50 = arith.constant 127 : i32
    %min3A_51 = arith.minsi %min3A_49, %min3A_50 : i32
    %dma_start3A_52 = arith.constant 0 : i32
    %dma_start3A_53 = arith.constant 0 : i32
    %dma_start3A_54 = tpu.memref_slice %arg10[%dma_start3A_52, %dma_start3A_53] : memref<128x128xbf16, #tpu.memory_space<vmem>> -> memref<128x128xbf16, #tpu.memory_space<vmem>>
    %dma_start3A_55 = arith.constant 0 : i32
    %dma_start3A_56 = tpu.memref_slice %arg5[%min3A_51, %dma_start3A_55] : memref<128x200xi32, #tpu.memory_space<vmem>> -> memref<1x128xi32, #tpu.memory_space<vmem>>
    %dma_start3A_57 = tpu.memref_squeeze %dma_start3A_56 : memref<1x128xi32, #tpu.memory_space<vmem>> -> memref<128xi32, #tpu.memory_space<vmem>>
    %dma_start3A_58 = arith.constant 0 : i32
    %dma_start3A_59 = arith.constant 0 : i32
    %dma_start3A_60 = tpu.memref_slice %arg3[%dma_start3A_58, %dma_start3A_59] : memref<100000x128xbf16, #tpu.memory_space<hbm>> -> memref<100000x128xbf16, #tpu.memory_space<hbm>>
    tpu.enqueue_indirect_dma source(%dma_start3A_60 : memref<100000x128xbf16, #tpu.memory_space<hbm>>) target(%dma_start3A_54 : memref<128x128xbf16, #tpu.memory_space<vmem>>) offsets(%dma_start3A_57 : memref<128xi32, #tpu.memory_space<vmem>>) semaphore(%arg19 : memref<!tpu.dma_semaphore, #tpu.memory_space<semaphore_mem>>)
    %min3A_61 = arith.constant 2 : i32
    %min3A_62 = arith.constant 127 : i32
    %min3A_63 = arith.minsi %min3A_61, %min3A_62 : i32
    %dma_start3A_64 = arith.constant 0 : i32
    %dma_start3A_65 = arith.constant 0 : i32
    %dma_start3A_66 = tpu.memref_slice %arg11[%dma_start3A_64, %dma_start3A_65] : memref<128x128xbf16, #tpu.memory_space<vmem>> -> memref<72x128xbf16, #tpu.memory_space<vmem>>
    %dma_start3A_67 = arith.constant 128 : i32
    %dma_start3A_68 = tpu.memref_slice %arg5[%min3A_63, %dma_start3A_67] : memref<128x200xi32, #tpu.memory_space<vmem>> -> memref<1x72xi32, #tpu.memory_space<vmem>>
    %dma_start3A_69 = tpu.memref_squeeze %dma_start3A_68 : memref<1x72xi32, #tpu.memory_space<vmem>> -> memref<72xi32, #tpu.memory_space<vmem>>
    %dma_start3A_70 = arith.constant 0 : i32
    %dma_start3A_71 = arith.constant 0 : i32
    %dma_start3A_72 = tpu.memref_slice %arg3[%dma_start3A_70, %dma_start3A_71] : memref<100000x128xbf16, #tpu.memory_space<hbm>> -> memref<100000x128xbf16, #tpu.memory_space<hbm>>
    tpu.enqueue_indirect_dma source(%dma_start3A_72 : memref<100000x128xbf16, #tpu.memory_space<hbm>>) target(%dma_start3A_66 : memref<72x128xbf16, #tpu.memory_space<vmem>>) offsets(%dma_start3A_69 : memref<72xi32, #tpu.memory_space<vmem>>) semaphore(%arg20 : memref<!tpu.dma_semaphore, #tpu.memory_space<semaphore_mem>>)
    %min3A_73 = arith.constant 3 : i32
    %min3A_74 = arith.constant 127 : i32
    %min3A_75 = arith.minsi %min3A_73, %min3A_74 : i32
    %dma_start3A_76 = arith.constant 0 : i32
    %dma_start3A_77 = arith.constant 0 : i32
    %dma_start3A_78 = tpu.memref_slice %arg12[%dma_start3A_76, %dma_start3A_77] : memref<128x128xbf16, #tpu.memory_space<vmem>> -> memref<128x128xbf16, #tpu.memory_space<vmem>>
    %dma_start3A_79 = arith.constant 0 : i32
    %dma_start3A_80 = tpu.memref_slice %arg5[%min3A_75, %dma_start3A_79] : memref<128x200xi32, #tpu.memory_space<vmem>> -> memref<1x128xi32, #tpu.memory_space<vmem>>
    %dma_start3A_81 = tpu.memref_squeeze %dma_start3A_80 : memref<1x128xi32, #tpu.memory_space<vmem>> -> memref<128xi32, #tpu.memory_space<vmem>>
    %dma_start3A_82 = arith.constant 0 : i32
    %dma_start3A_83 = arith.constant 0 : i32
    %dma_start3A_84 = tpu.memref_slice %arg3[%dma_start3A_82, %dma_start3A_83] : memref<100000x128xbf16, #tpu.memory_space<hbm>> -> memref<100000x128xbf16, #tpu.memory_space<hbm>>
    tpu.enqueue_indirect_dma source(%dma_start3A_84 : memref<100000x128xbf16, #tpu.memory_space<hbm>>) target(%dma_start3A_78 : memref<128x128xbf16, #tpu.memory_space<vmem>>) offsets(%dma_start3A_81 : memref<128xi32, #tpu.memory_space<vmem>>) semaphore(%arg21 : memref<!tpu.dma_semaphore, #tpu.memory_space<semaphore_mem>>)
    %min3A_85 = arith.constant 3 : i32
    %min3A_86 = arith.constant 127 : i32
    %min3A_87 = arith.minsi %min3A_85, %min3A_86 : i32
    %dma_start3A_88 = arith.constant 0 : i32
    %dma_start3A_89 = arith.constant 0 : i32
    %dma_start3A_90 = tpu.memref_slice %arg13[%dma_start3A_88, %dma_start3A_89] : memref<128x128xbf16, #tpu.memory_space<vmem>> -> memref<72x128xbf16, #tpu.memory_space<vmem>>
    %dma_start3A_91 = arith.constant 128 : i32
    %dma_start3A_92 = tpu.memref_slice %arg5[%min3A_87, %dma_start3A_91] : memref<128x200xi32, #tpu.memory_space<vmem>> -> memref<1x72xi32, #tpu.memory_space<vmem>>
    %dma_start3A_93 = tpu.memref_squeeze %dma_start3A_92 : memref<1x72xi32, #tpu.memory_space<vmem>> -> memref<72xi32, #tpu.memory_space<vmem>>
    %dma_start3A_94 = arith.constant 0 : i32
    %dma_start3A_95 = arith.constant 0 : i32
    %dma_start3A_96 = tpu.memref_slice %arg3[%dma_start3A_94, %dma_start3A_95] : memref<100000x128xbf16, #tpu.memory_space<hbm>> -> memref<100000x128xbf16, #tpu.memory_space<hbm>>
    tpu.enqueue_indirect_dma source(%dma_start3A_96 : memref<100000x128xbf16, #tpu.memory_space<hbm>>) target(%dma_start3A_90 : memref<72x128xbf16, #tpu.memory_space<vmem>>) offsets(%dma_start3A_93 : memref<72xi32, #tpu.memory_space<vmem>>) semaphore(%arg22 : memref<!tpu.dma_semaphore, #tpu.memory_space<semaphore_mem>>)
    %scan3A = arith.constant 0 : i32
    %scan3A_97 = arith.constant 0 : i32
    %scan3A_98 = arith.constant 32 : i32
    %scan3A_99 = arith.addi %scan3A_97, %scan3A_98 : i32
    %scan3A_100 = arith.constant 1 : i32
    scf.for %scan3A_181 = %scan3A_97 to %scan3A_99 step %scan3A_100  : i32 {
      %mul3A_182 = arith.constant 4 : i32
      %mul3A_183 = arith.muli %mul3A_182, %scan3A_181 : i32
      %add3A_184 = arith.constant 0 : i32
      %add3A_185 = arith.addi %mul3A_183, %add3A_184 : i32
      %broadcast_in_dim3A = arith.constant 0.000000e+00 : f32
      %broadcast_in_dim3A_186 = vector.broadcast %broadcast_in_dim3A : f32 to vector<16xf32>
      %broadcast_in_dim3A_187 = arith.constant 0.000000e+00 : f32
      %broadcast_in_dim3A_188 = vector.broadcast %broadcast_in_dim3A_187 : f32 to vector<16xf32>
      %broadcast_in_dim3A_189 = arith.constant 0.000000e+00 : f32
      %broadcast_in_dim3A_190 = vector.broadcast %broadcast_in_dim3A_189 : f32 to vector<16xf32>
      %broadcast_in_dim3A_191 = arith.constant 0.000000e+00 : f32
      %broadcast_in_dim3A_192 = vector.broadcast %broadcast_in_dim3A_191 : f32 to vector<16xf32>
      %broadcast_in_dim3A_193 = arith.constant 0.000000e+00 : f32
      %broadcast_in_dim3A_194 = vector.broadcast %broadcast_in_dim3A_193 : f32 to vector<16xf32>
      %broadcast_in_dim3A_195 = arith.constant 0.000000e+00 : f32
      %broadcast_in_dim3A_196 = vector.broadcast %broadcast_in_dim3A_195 : f32 to vector<16xf32>
      %broadcast_in_dim3A_197 = arith.constant 0.000000e+00 : f32
      %broadcast_in_dim3A_198 = vector.broadcast %broadcast_in_dim3A_197 : f32 to vector<16xf32>
      %broadcast_in_dim3A_199 = arith.constant 0.000000e+00 : f32
      %broadcast_in_dim3A_200 = vector.broadcast %broadcast_in_dim3A_199 : f32 to vector<16xf32>
      %mul3A_201 = arith.constant 2 : i32
      %mul3A_202 = arith.muli %mul3A_201, %add3A_185 : i32
      %add3A_203 = arith.constant 0 : i32
      %add3A_204 = arith.addi %mul3A_202, %add3A_203 : i32
      %dma_wait3A_205 = arith.constant 0 : i32
      %dma_wait3A_206 = arith.constant 0 : i32
      %dma_wait3A_207 = arith.constant 0 : i32
      %dma_wait3A_208 = tpu.memref_slice %arg6[%dma_wait3A_206, %dma_wait3A_207] : memref<128x128xbf16, #tpu.memory_space<vmem>> -> memref<128x128xbf16, #tpu.memory_space<vmem>>
      %dma_wait3A_209 = arith.constant 0 : i32
      %dma_wait3A_210 = tpu.memref_slice %arg5[%dma_wait3A_205, %dma_wait3A_209] : memref<128x200xi32, #tpu.memory_space<vmem>> -> memref<1x128xi32, #tpu.memory_space<vmem>>
      %dma_wait3A_211 = tpu.memref_squeeze %dma_wait3A_210 : memref<1x128xi32, #tpu.memory_space<vmem>> -> memref<128xi32, #tpu.memory_space<vmem>>
      %dma_wait3A_212 = arith.constant 0 : i32
      %dma_wait3A_213 = arith.constant 0 : i32
      %dma_wait3A_214 = tpu.memref_slice %arg3[%dma_wait3A_212, %dma_wait3A_213] : memref<100000x128xbf16, #tpu.memory_space<hbm>> -> memref<100000x128xbf16, #tpu.memory_space<hbm>>
      tpu.wait_indirect_dma semaphore(%arg15 : memref<!tpu.dma_semaphore, #tpu.memory_space<semaphore_mem>>) src(%dma_wait3A_214 : memref<100000x128xbf16, #tpu.memory_space<hbm>>) dst(%dma_wait3A_208 : memref<128x128xbf16, #tpu.memory_space<vmem>>)
      %scan3A_215 = arith.constant 0 : i32
      %scan3A_216 = arith.constant 64 : i32
      %scan3A_217 = arith.addi %scan3A_215, %scan3A_216 : i32
      %scan3A_218 = arith.constant 1 : i32
      %scan3A_219:8 = scf.for %scan3A_804 = %scan3A_215 to %scan3A_217 step %scan3A_218 iter_args(%scan3A_805 = %broadcast_in_dim3A_186, %scan3A_806 = %broadcast_in_dim3A_188, %scan3A_807 = %broadcast_in_dim3A_190, %scan3A_808 = %broadcast_in_dim3A_192, %scan3A_809 = %broadcast_in_dim3A_194, %scan3A_810 = %broadcast_in_dim3A_196, %scan3A_811 = %broadcast_in_dim3A_198, %scan3A_812 = %broadcast_in_dim3A_200) -> (vector<16xf32>, vector<16xf32>, vector<16xf32>, vector<16xf32>, vector<16xf32>, vector<16xf32>, vector<16xf32>, vector<16xf32>)  : i32 {
        %get3A = arith.index_cast %scan3A_804 : i32 to index
        %get3A_813 = arith.constant 0 : index
        %get3A_814 = tpu.vector_load %arg6[%get3A, %get3A_813] {strides = array<i32>} : memref<128x128xbf16, #tpu.memory_space<vmem>>, vector<32xbf16>,
        %add3A_815 = arith.constant 64 : i32
        %add3A_816 = arith.addi %scan3A_804, %add3A_815 : i32
        %get3A_817 = arith.index_cast %add3A_816 : i32 to index
        %get3A_818 = arith.constant 0 : index
        %get3A_819 = tpu.vector_load %arg6[%get3A_817, %get3A_818] {strides = array<i32>} : memref<128x128xbf16, #tpu.memory_space<vmem>>, vector<32xbf16>,
        %add3A_820 = arith.addf %get3A_814, %get3A_819 : vector<32xbf16>
        %unpack3A = tpu.unpack_subelements %add3A_820, 0 {pack_format = #tpu.pack_format<interleaved>} : vector<32xbf16> -> vector<16xf32>
        %unpack3A_821 = tpu.unpack_subelements %add3A_820, 1 {pack_format = #tpu.pack_format<interleaved>} : vector<32xbf16> -> vector<16xf32>
        %add3A_822 = arith.addf %scan3A_805, %unpack3A : vector<16xf32>
        %add3A_823 = arith.addf %scan3A_806, %unpack3A_821 : vector<16xf32>
        %get3A_824 = arith.index_cast %scan3A_804 : i32 to index
        %get3A_825 = arith.constant 32 : index
        %get3A_826 = tpu.vector_load %arg6[%get3A_824, %get3A_825] {strides = array<i32>} : memref<128x128xbf16, #tpu.memory_space<vmem>>, vector<32xbf16>,
        %add3A_827 = arith.constant 64 : i32
        %add3A_828 = arith.addi %scan3A_804, %add3A_827 : i32
        %get3A_829 = arith.index_cast %add3A_828 : i32 to index
        %get3A_830 = arith.constant 32 : index
        %get3A_831 = tpu.vector_load %arg6[%get3A_829, %get3A_830] {strides = array<i32>} : memref<128x128xbf16, #tpu.memory_space<vmem>>, vector<32xbf16>,
        %add3A_832 = arith.addf %get3A_826, %get3A_831 : vector<32xbf16>
        %unpack3A_833 = tpu.unpack_subelements %add3A_832, 0 {pack_format = #tpu.pack_format<interleaved>} : vector<32xbf16> -> vector<16xf32>
        %unpack3A_834 = tpu.unpack_subelements %add3A_832, 1 {pack_format = #tpu.pack_format<interleaved>} : vector<32xbf16> -> vector<16xf32>
        %add3A_835 = arith.addf %scan3A_807, %unpack3A_833 : vector<16xf32>
        %add3A_836 = arith.addf %scan3A_808, %unpack3A_834 : vector<16xf32>
        %get3A_837 = arith.index_cast %scan3A_804 : i32 to index
        %get3A_838 = arith.constant 64 : index
        %get3A_839 = tpu.vector_load %arg6[%get3A_837, %get3A_838] {strides = array<i32>} : memref<128x128xbf16, #tpu.memory_space<vmem>>, vector<32xbf16>,
        %add3A_840 = arith.constant 64 : i32
        %add3A_841 = arith.addi %scan3A_804, %add3A_840 : i32
        %get3A_842 = arith.index_cast %add3A_841 : i32 to index
        %get3A_843 = arith.constant 64 : index
        %get3A_844 = tpu.vector_load %arg6[%get3A_842, %get3A_843] {strides = array<i32>} : memref<128x128xbf16, #tpu.memory_space<vmem>>, vector<32xbf16>,
        %add3A_845 = arith.addf %get3A_839, %get3A_844 : vector<32xbf16>
        %unpack3A_846 = tpu.unpack_subelements %add3A_845, 0 {pack_format = #tpu.pack_format<interleaved>} : vector<32xbf16> -> vector<16xf32>
        %unpack3A_847 = tpu.unpack_subelements %add3A_845, 1 {pack_format = #tpu.pack_format<interleaved>} : vector<32xbf16> -> vector<16xf32>
        %add3A_848 = arith.addf %scan3A_809, %unpack3A_846 : vector<16xf32>
        %add3A_849 = arith.addf %scan3A_810, %unpack3A_847 : vector<16xf32>
        %get3A_850 = arith.index_cast %scan3A_804 : i32 to index
        %get3A_851 = arith.constant 96 : index
        %get3A_852 = tpu.vector_load %arg6[%get3A_850, %get3A_851] {strides = array<i32>} : memref<128x128xbf16, #tpu.memory_space<vmem>>, vector<32xbf16>,
        %add3A_853 = arith.constant 64 : i32
        %add3A_854 = arith.addi %scan3A_804, %add3A_853 : i32
        %get3A_855 = arith.index_cast %add3A_854 : i32 to index
        %get3A_856 = arith.constant 96 : index
        %get3A_857 = tpu.vector_load %arg6[%get3A_855, %get3A_856] {strides = array<i32>} : memref<128x128xbf16, #tpu.memory_space<vmem>>, vector<32xbf16>,
        %add3A_858 = arith.addf %get3A_852, %get3A_857 : vector<32xbf16>
        %unpack3A_859 = tpu.unpack_subelements %add3A_858, 0 {pack_format = #tpu.pack_format<interleaved>} : vector<32xbf16> -> vector<16xf32>
        %unpack3A_860 = tpu.unpack_subelements %add3A_858, 1 {pack_format = #tpu.pack_format<interleaved>} : vector<32xbf16> -> vector<16xf32>
        %add3A_861 = arith.addf %scan3A_811, %unpack3A_859 : vector<16xf32>
        %add3A_862 = arith.addf %scan3A_812, %unpack3A_860 : vector<16xf32>
        scf.yield %add3A_822, %add3A_823, %add3A_835, %add3A_836, %add3A_848, %add3A_849, %add3A_861, %add3A_862 : vector<16xf32>, vector<16xf32>, vector<16xf32>, vector<16xf32>, vector<16xf32>, vector<16xf32>, vector<16xf32>, vector<16xf32>
      }
      %scan3A_220 = arith.constant 64 : i32
      %add3A_221 = arith.constant 8 : i32
      %add3A_222 = arith.addi %add3A_204, %add3A_221 : i32
      %jit3A = arith.constant 2 : i32
      %div3A = arith.divsi %add3A_222, %jit3A : i32
      %sign3A = arith.constant 0 : i32
      %sign3A_223 = arith.cmpi sgt, %add3A_222, %sign3A : i32
      %sign3A_224 = arith.extui %sign3A_223 : i1 to i32
      %sign3A_225 = arith.constant 0 : i32
      %sign3A_226 = arith.cmpi slt, %add3A_222, %sign3A_225 : i32
      %sign3A_227 = arith.extui %sign3A_226 : i1 to i32
      %sign3A_228 = arith.subi %sign3A_224, %sign3A_227 : i32
      %sign3A_229 = arith.constant 0 : i32
      %sign3A_230 = arith.cmpi sgt, %jit3A, %sign3A_229 : i32
      %sign3A_231 = arith.extui %sign3A_230 : i1 to i32
      %sign3A_232 = arith.constant 0 : i32
      %sign3A_233 = arith.cmpi slt, %jit3A, %sign3A_232 : i32
      %sign3A_234 = arith.extui %sign3A_233 : i1 to i32
      %sign3A_235 = arith.subi %sign3A_231, %sign3A_234 : i32
      %ne3A = arith.cmpi ne, %sign3A_228, %sign3A_235 : i32
      %rem3A = arith.remsi %add3A_222, %jit3A : i32
      %ne3A_236 = arith.constant 0 : i32
      %ne3A_237 = arith.cmpi ne, %rem3A, %ne3A_236 : i32
      %and3A = arith.andi %ne3A, %ne3A_237 : i1
      %sub3A = arith.constant 1 : i32
      %sub3A_238 = arith.subi %div3A, %sub3A : i32
      %select_n3A = arith.select %and3A, %sub3A_238, %div3A : i32
      %min3A_239 = arith.constant 127 : i32
      %min3A_240 = arith.minsi %select_n3A, %min3A_239 : i32
      %dma_start3A_241 = arith.constant 0 : i32
      %dma_start3A_242 = arith.constant 0 : i32
      %dma_start3A_243 = tpu.memref_slice %arg6[%dma_start3A_241, %dma_start3A_242] : memref<128x128xbf16, #tpu.memory_space<vmem>> -> memref<128x128xbf16, #tpu.memory_space<vmem>>
      %dma_start3A_244 = arith.constant 0 : i32
      %dma_start3A_245 = tpu.memref_slice %arg5[%min3A_240, %dma_start3A_244] : memref<128x200xi32, #tpu.memory_space<vmem>> -> memref<1x128xi32, #tpu.memory_space<vmem>>
      %dma_start3A_246 = tpu.memref_squeeze %dma_start3A_245 : memref<1x128xi32, #tpu.memory_space<vmem>> -> memref<128xi32, #tpu.memory_space<vmem>>
      %dma_start3A_247 = arith.constant 0 : i32
      %dma_start3A_248 = arith.constant 0 : i32
      %dma_start3A_249 = tpu.memref_slice %arg3[%dma_start3A_247, %dma_start3A_248] : memref<100000x128xbf16, #tpu.memory_space<hbm>> -> memref<100000x128xbf16, #tpu.memory_space<hbm>>
      tpu.enqueue_indirect_dma source(%dma_start3A_249 : memref<100000x128xbf16, #tpu.memory_space<hbm>>) target(%dma_start3A_243 : memref<128x128xbf16, #tpu.memory_space<vmem>>) offsets(%dma_start3A_246 : memref<128xi32, #tpu.memory_space<vmem>>) semaphore(%arg15 : memref<!tpu.dma_semaphore, #tpu.memory_space<semaphore_mem>>)
      %mul3A_250 = arith.constant 2 : i32
      %mul3A_251 = arith.muli %mul3A_250, %add3A_185 : i32
      %add3A_252 = arith.constant 1 : i32
      %add3A_253 = arith.addi %mul3A_251, %add3A_252 : i32
      %dma_wait3A_254 = arith.constant 0 : i32
      %dma_wait3A_255 = arith.constant 0 : i32
      %dma_wait3A_256 = arith.constant 0 : i32
      %dma_wait3A_257 = tpu.memref_slice %arg7[%dma_wait3A_255, %dma_wait3A_256] : memref<128x128xbf16, #tpu.memory_space<vmem>> -> memref<72x128xbf16, #tpu.memory_space<vmem>>
      %dma_wait3A_258 = arith.constant 128 : i32
      %dma_wait3A_259 = tpu.memref_slice %arg5[%dma_wait3A_254, %dma_wait3A_258] : memref<128x200xi32, #tpu.memory_space<vmem>> -> memref<1x72xi32, #tpu.memory_space<vmem>>
      %dma_wait3A_260 = tpu.memref_squeeze %dma_wait3A_259 : memref<1x72xi32, #tpu.memory_space<vmem>> -> memref<72xi32, #tpu.memory_space<vmem>>
      %dma_wait3A_261 = arith.constant 0 : i32
      %dma_wait3A_262 = arith.constant 0 : i32
      %dma_wait3A_263 = tpu.memref_slice %arg3[%dma_wait3A_261, %dma_wait3A_262] : memref<100000x128xbf16, #tpu.memory_space<hbm>> -> memref<100000x128xbf16, #tpu.memory_space<hbm>>
      tpu.wait_indirect_dma semaphore(%arg16 : memref<!tpu.dma_semaphore, #tpu.memory_space<semaphore_mem>>) src(%dma_wait3A_263 : memref<100000x128xbf16, #tpu.memory_space<hbm>>) dst(%dma_wait3A_257 : memref<72x128xbf16, #tpu.memory_space<vmem>>)
      %scan3A_264 = arith.constant 0 : i32
      %scan3A_265 = arith.constant 36 : i32
      %scan3A_266 = arith.addi %scan3A_264, %scan3A_265 : i32
      %scan3A_267 = arith.constant 1 : i32
      %scan3A_268:8 = scf.for %scan3A_804 = %scan3A_264 to %scan3A_266 step %scan3A_267 iter_args(%scan3A_805 = %scan3A_219#0, %scan3A_806 = %scan3A_219#1, %scan3A_807 = %scan3A_219#2, %scan3A_808 = %scan3A_219#3, %scan3A_809 = %scan3A_219#4, %scan3A_810 = %scan3A_219#5, %scan3A_811 = %scan3A_219#6, %scan3A_812 = %scan3A_219#7) -> (vector<16xf32>, vector<16xf32>, vector<16xf32>, vector<16xf32>, vector<16xf32>, vector<16xf32>, vector<16xf32>, vector<16xf32>)  : i32 {
        %get3A = arith.index_cast %scan3A_804 : i32 to index
        %get3A_813 = arith.constant 0 : index
        %get3A_814 = tpu.vector_load %arg7[%get3A, %get3A_813] {strides = array<i32>} : memref<128x128xbf16, #tpu.memory_space<vmem>>, vector<32xbf16>,
        %add3A_815 = arith.constant 36 : i32
        %add3A_816 = arith.addi %scan3A_804, %add3A_815 : i32
        %get3A_817 = arith.index_cast %add3A_816 : i32 to index
        %get3A_818 = arith.constant 0 : index
        %get3A_819 = tpu.vector_load %arg7[%get3A_817, %get3A_818] {strides = array<i32>} : memref<128x128xbf16, #tpu.memory_space<vmem>>, vector<32xbf16>,
        %add3A_820 = arith.addf %get3A_814, %get3A_819 : vector<32xbf16>
        %unpack3A = tpu.unpack_subelements %add3A_820, 0 {pack_format = #tpu.pack_format<interleaved>} : vector<32xbf16> -> vector<16xf32>
        %unpack3A_821 = tpu.unpack_subelements %add3A_820, 1 {pack_format = #tpu.pack_format<interleaved>} : vector<32xbf16> -> vector<16xf32>
        %add3A_822 = arith.addf %scan3A_805, %unpack3A : vector<16xf32>
        %add3A_823 = arith.addf %scan3A_806, %unpack3A_821 : vector<16xf32>
        %get3A_824 = arith.index_cast %scan3A_804 : i32 to index
        %get3A_825 = arith.constant 32 : index
        %get3A_826 = tpu.vector_load %arg7[%get3A_824, %get3A_825] {strides = array<i32>} : memref<128x128xbf16, #tpu.memory_space<vmem>>, vector<32xbf16>,
        %add3A_827 = arith.constant 36 : i32
        %add3A_828 = arith.addi %scan3A_804, %add3A_827 : i32
        %get3A_829 = arith.index_cast %add3A_828 : i32 to index
        %get3A_830 = arith.constant 32 : index
        %get3A_831 = tpu.vector_load %arg7[%get3A_829, %get3A_830] {strides = array<i32>} : memref<128x128xbf16, #tpu.memory_space<vmem>>, vector<32xbf16>,
        %add3A_832 = arith.addf %get3A_826, %get3A_831 : vector<32xbf16>
        %unpack3A_833 = tpu.unpack_subelements %add3A_832, 0 {pack_format = #tpu.pack_format<interleaved>} : vector<32xbf16> -> vector<16xf32>
        %unpack3A_834 = tpu.unpack_subelements %add3A_832, 1 {pack_format = #tpu.pack_format<interleaved>} : vector<32xbf16> -> vector<16xf32>
        %add3A_835 = arith.addf %scan3A_807, %unpack3A_833 : vector<16xf32>
        %add3A_836 = arith.addf %scan3A_808, %unpack3A_834 : vector<16xf32>
        %get3A_837 = arith.index_cast %scan3A_804 : i32 to index
        %get3A_838 = arith.constant 64 : index
        %get3A_839 = tpu.vector_load %arg7[%get3A_837, %get3A_838] {strides = array<i32>} : memref<128x128xbf16, #tpu.memory_space<vmem>>, vector<32xbf16>,
        %add3A_840 = arith.constant 36 : i32
        %add3A_841 = arith.addi %scan3A_804, %add3A_840 : i32
        %get3A_842 = arith.index_cast %add3A_841 : i32 to index
        %get3A_843 = arith.constant 64 : index
        %get3A_844 = tpu.vector_load %arg7[%get3A_842, %get3A_843] {strides = array<i32>} : memref<128x128xbf16, #tpu.memory_space<vmem>>, vector<32xbf16>,
        %add3A_845 = arith.addf %get3A_839, %get3A_844 : vector<32xbf16>
        %unpack3A_846 = tpu.unpack_subelements %add3A_845, 0 {pack_format = #tpu.pack_format<interleaved>} : vector<32xbf16> -> vector<16xf32>
        %unpack3A_847 = tpu.unpack_subelements %add3A_845, 1 {pack_format = #tpu.pack_format<interleaved>} : vector<32xbf16> -> vector<16xf32>
        %add3A_848 = arith.addf %scan3A_809, %unpack3A_846 : vector<16xf32>
        %add3A_849 = arith.addf %scan3A_810, %unpack3A_847 : vector<16xf32>
        %get3A_850 = arith.index_cast %scan3A_804 : i32 to index
        %get3A_851 = arith.constant 96 : index
        %get3A_852 = tpu.vector_load %arg7[%get3A_850, %get3A_851] {strides = array<i32>} : memref<128x128xbf16, #tpu.memory_space<vmem>>, vector<32xbf16>,
        %add3A_853 = arith.constant 36 : i32
        %add3A_854 = arith.addi %scan3A_804, %add3A_853 : i32
        %get3A_855 = arith.index_cast %add3A_854 : i32 to index
        %get3A_856 = arith.constant 96 : index
        %get3A_857 = tpu.vector_load %arg7[%get3A_855, %get3A_856] {strides = array<i32>} : memref<128x128xbf16, #tpu.memory_space<vmem>>, vector<32xbf16>,
        %add3A_858 = arith.addf %get3A_852, %get3A_857 : vector<32xbf16>
        %unpack3A_859 = tpu.unpack_subelements %add3A_858, 0 {pack_format = #tpu.pack_format<interleaved>} : vector<32xbf16> -> vector<16xf32>
        %unpack3A_860 = tpu.unpack_subelements %add3A_858, 1 {pack_format = #tpu.pack_format<interleaved>} : vector<32xbf16> -> vector<16xf32>
        %add3A_861 = arith.addf %scan3A_811, %unpack3A_859 : vector<16xf32>
        %add3A_862 = arith.addf %scan3A_812, %unpack3A_860 : vector<16xf32>
        scf.yield %add3A_822, %add3A_823, %add3A_835, %add3A_836, %add3A_848, %add3A_849, %add3A_861, %add3A_862 : vector<16xf32>, vector<16xf32>, vector<16xf32>, vector<16xf32>, vector<16xf32>, vector<16xf32>, vector<16xf32>, vector<16xf32>
      }
      %scan3A_269 = arith.constant 36 : i32
      %add3A_270 = arith.constant 8 : i32
      %add3A_271 = arith.addi %add3A_253, %add3A_270 : i32
      %jit3A_272 = arith.constant 2 : i32
      %div3A_273 = arith.divsi %add3A_271, %jit3A_272 : i32
      %sign3A_274 = arith.constant 0 : i32
      %sign3A_275 = arith.cmpi sgt, %add3A_271, %sign3A_274 : i32
      %sign3A_276 = arith.extui %sign3A_275 : i1 to i32
      %sign3A_277 = arith.constant 0 : i32
      %sign3A_278 = arith.cmpi slt, %add3A_271, %sign3A_277 : i32
      %sign3A_279 = arith.extui %sign3A_278 : i1 to i32
      %sign3A_280 = arith.subi %sign3A_276, %sign3A_279 : i32
      %sign3A_281 = arith.constant 0 : i32
      %sign3A_282 = arith.cmpi sgt, %jit3A_272, %sign3A_281 : i32
      %sign3A_283 = arith.extui %sign3A_282 : i1 to i32
      %sign3A_284 = arith.constant 0 : i32
      %sign3A_285 = arith.cmpi slt, %jit3A_272, %sign3A_284 : i32
      %sign3A_286 = arith.extui %sign3A_285 : i1 to i32
      %sign3A_287 = arith.subi %sign3A_283, %sign3A_286 : i32
      %ne3A_288 = arith.cmpi ne, %sign3A_280, %sign3A_287 : i32
      %rem3A_289 = arith.remsi %add3A_271, %jit3A_272 : i32
      %ne3A_290 = arith.constant 0 : i32
      %ne3A_291 = arith.cmpi ne, %rem3A_289, %ne3A_290 : i32
      %and3A_292 = arith.andi %ne3A_288, %ne3A_291 : i1
      %sub3A_293 = arith.constant 1 : i32
      %sub3A_294 = arith.subi %div3A_273, %sub3A_293 : i32
      %select_n3A_295 = arith.select %and3A_292, %sub3A_294, %div3A_273 : i32
      %min3A_296 = arith.constant 127 : i32
      %min3A_297 = arith.minsi %select_n3A_295, %min3A_296 : i32
      %dma_start3A_298 = arith.constant 0 : i32
      %dma_start3A_299 = arith.constant 0 : i32
      %dma_start3A_300 = tpu.memref_slice %arg7[%dma_start3A_298, %dma_start3A_299] : memref<128x128xbf16, #tpu.memory_space<vmem>> -> memref<72x128xbf16, #tpu.memory_space<vmem>>
      %dma_start3A_301 = arith.constant 128 : i32
      %dma_start3A_302 = tpu.memref_slice %arg5[%min3A_297, %dma_start3A_301] : memref<128x200xi32, #tpu.memory_space<vmem>> -> memref<1x72xi32, #tpu.memory_space<vmem>>
      %dma_start3A_303 = tpu.memref_squeeze %dma_start3A_302 : memref<1x72xi32, #tpu.memory_space<vmem>> -> memref<72xi32, #tpu.memory_space<vmem>>
      %dma_start3A_304 = arith.constant 0 : i32
      %dma_start3A_305 = arith.constant 0 : i32
      %dma_start3A_306 = tpu.memref_slice %arg3[%dma_start3A_304, %dma_start3A_305] : memref<100000x128xbf16, #tpu.memory_space<hbm>> -> memref<100000x128xbf16, #tpu.memory_space<hbm>>
      tpu.enqueue_indirect_dma source(%dma_start3A_306 : memref<100000x128xbf16, #tpu.memory_space<hbm>>) target(%dma_start3A_300 : memref<72x128xbf16, #tpu.memory_space<vmem>>) offsets(%dma_start3A_303 : memref<72xi32, #tpu.memory_space<vmem>>) semaphore(%arg16 : memref<!tpu.dma_semaphore, #tpu.memory_space<semaphore_mem>>)
      %swap3A = arith.index_cast %add3A_185 : i32 to index
      %swap3A_307 = arith.constant 0 : index
      %swap3A_308 = tpu.vector_load %arg14[%swap3A, %swap3A_307] {strides = array<i32>} : memref<128x128xf32, #tpu.memory_space<vmem>>, vector<16xf32>,
      tpu.vector_store %arg14[%swap3A, %swap3A_307], %scan3A_268#0 {strides = array<i32>} : memref<128x128xf32, #tpu.memory_space<vmem>>, vector<16xf32>,
      %swap3A_309 = arith.index_cast %add3A_185 : i32 to index
      %swap3A_310 = arith.constant 16 : index
      %swap3A_311 = tpu.vector_load %arg14[%swap3A_309, %swap3A_310] {strides = array<i32>} : memref<128x128xf32, #tpu.memory_space<vmem>>, vector<16xf32>,
      tpu.vector_store %arg14[%swap3A_309, %swap3A_310], %scan3A_268#1 {strides = array<i32>} : memref<128x128xf32, #tpu.memory_space<vmem>>, vector<16xf32>,
      %swap3A_312 = arith.index_cast %add3A_185 : i32 to index
      %swap3A_313 = arith.constant 32 : index
      %swap3A_314 = tpu.vector_load %arg14[%swap3A_312, %swap3A_313] {strides = array<i32>} : memref<128x128xf32, #tpu.memory_space<vmem>>, vector<16xf32>,
      tpu.vector_store %arg14[%swap3A_312, %swap3A_313], %scan3A_268#2 {strides = array<i32>} : memref<128x128xf32, #tpu.memory_space<vmem>>, vector<16xf32>,
      %swap3A_315 = arith.index_cast %add3A_185 : i32 to index
      %swap3A_316 = arith.constant 48 : index
      %swap3A_317 = tpu.vector_load %arg14[%swap3A_315, %swap3A_316] {strides = array<i32>} : memref<128x128xf32, #tpu.memory_space<vmem>>, vector<16xf32>,
      tpu.vector_store %arg14[%swap3A_315, %swap3A_316], %scan3A_268#3 {strides = array<i32>} : memref<128x128xf32, #tpu.memory_space<vmem>>, vector<16xf32>,
      %swap3A_318 = arith.index_cast %add3A_185 : i32 to index
      %swap3A_319 = arith.constant 64 : index
      %swap3A_320 = tpu.vector_load %arg14[%swap3A_318, %swap3A_319] {strides = array<i32>} : memref<128x128xf32, #tpu.memory_space<vmem>>, vector<16xf32>,
      tpu.vector_store %arg14[%swap3A_318, %swap3A_319], %scan3A_268#4 {strides = array<i32>} : memref<128x128xf32, #tpu.memory_space<vmem>>, vector<16xf32>,
      %swap3A_321 = arith.index_cast %add3A_185 : i32 to index
      %swap3A_322 = arith.constant 80 : index
      %swap3A_323 = tpu.vector_load %arg14[%swap3A_321, %swap3A_322] {strides = array<i32>} : memref<128x128xf32, #tpu.memory_space<vmem>>, vector<16xf32>,
      tpu.vector_store %arg14[%swap3A_321, %swap3A_322], %scan3A_268#5 {strides = array<i32>} : memref<128x128xf32, #tpu.memory_space<vmem>>, vector<16xf32>,
      %swap3A_324 = arith.index_cast %add3A_185 : i32 to index
      %swap3A_325 = arith.constant 96 : index
      %swap3A_326 = tpu.vector_load %arg14[%swap3A_324, %swap3A_325] {strides = array<i32>} : memref<128x128xf32, #tpu.memory_space<vmem>>, vector<16xf32>,
      tpu.vector_store %arg14[%swap3A_324, %swap3A_325], %scan3A_268#6 {strides = array<i32>} : memref<128x128xf32, #tpu.memory_space<vmem>>, vector<16xf32>,
      %swap3A_327 = arith.index_cast %add3A_185 : i32 to index
      %swap3A_328 = arith.constant 112 : index
      %swap3A_329 = tpu.vector_load %arg14[%swap3A_327, %swap3A_328] {strides = array<i32>} : memref<128x128xf32, #tpu.memory_space<vmem>>, vector<16xf32>,
      tpu.vector_store %arg14[%swap3A_327, %swap3A_328], %scan3A_268#7 {strides = array<i32>} : memref<128x128xf32, #tpu.memory_space<vmem>>, vector<16xf32>,
      %mul3A_330 = arith.constant 4 : i32
      %mul3A_331 = arith.muli %mul3A_330, %scan3A_181 : i32
      %add3A_332 = arith.constant 1 : i32
      %add3A_333 = arith.addi %mul3A_331, %add3A_332 : i32
      %broadcast_in_dim3A_334 = arith.constant 0.000000e+00 : f32
      %broadcast_in_dim3A_335 = vector.broadcast %broadcast_in_dim3A_334 : f32 to vector<16xf32>
      %broadcast_in_dim3A_336 = arith.constant 0.000000e+00 : f32
      %broadcast_in_dim3A_337 = vector.broadcast %broadcast_in_dim3A_336 : f32 to vector<16xf32>
      %broadcast_in_dim3A_338 = arith.constant 0.000000e+00 : f32
      %broadcast_in_dim3A_339 = vector.broadcast %broadcast_in_dim3A_338 : f32 to vector<16xf32>
      %broadcast_in_dim3A_340 = arith.constant 0.000000e+00 : f32
      %broadcast_in_dim3A_341 = vector.broadcast %broadcast_in_dim3A_340 : f32 to vector<16xf32>
      %broadcast_in_dim3A_342 = arith.constant 0.000000e+00 : f32
      %broadcast_in_dim3A_343 = vector.broadcast %broadcast_in_dim3A_342 : f32 to vector<16xf32>
      %broadcast_in_dim3A_344 = arith.constant 0.000000e+00 : f32
      %broadcast_in_dim3A_345 = vector.broadcast %broadcast_in_dim3A_344 : f32 to vector<16xf32>
      %broadcast_in_dim3A_346 = arith.constant 0.000000e+00 : f32
      %broadcast_in_dim3A_347 = vector.broadcast %broadcast_in_dim3A_346 : f32 to vector<16xf32>
      %broadcast_in_dim3A_348 = arith.constant 0.000000e+00 : f32
      %broadcast_in_dim3A_349 = vector.broadcast %broadcast_in_dim3A_348 : f32 to vector<16xf32>
      %mul3A_350 = arith.constant 2 : i32
      %mul3A_351 = arith.muli %mul3A_350, %add3A_333 : i32
      %add3A_352 = arith.constant 0 : i32
      %add3A_353 = arith.addi %mul3A_351, %add3A_352 : i32
      %dma_wait3A_354 = arith.constant 0 : i32
      %dma_wait3A_355 = arith.constant 0 : i32
      %dma_wait3A_356 = arith.constant 0 : i32
      %dma_wait3A_357 = tpu.memref_slice %arg8[%dma_wait3A_355, %dma_wait3A_356] : memref<128x128xbf16, #tpu.memory_space<vmem>> -> memref<128x128xbf16, #tpu.memory_space<vmem>>
      %dma_wait3A_358 = arith.constant 0 : i32
      %dma_wait3A_359 = tpu.memref_slice %arg5[%dma_wait3A_354, %dma_wait3A_358] : memref<128x200xi32, #tpu.memory_space<vmem>> -> memref<1x128xi32, #tpu.memory_space<vmem>>
      %dma_wait3A_360 = tpu.memref_squeeze %dma_wait3A_359 : memref<1x128xi32, #tpu.memory_space<vmem>> -> memref<128xi32, #tpu.memory_space<vmem>>
      %dma_wait3A_361 = arith.constant 0 : i32
      %dma_wait3A_362 = arith.constant 0 : i32
      %dma_wait3A_363 = tpu.memref_slice %arg3[%dma_wait3A_361, %dma_wait3A_362] : memref<100000x128xbf16, #tpu.memory_space<hbm>> -> memref<100000x128xbf16, #tpu.memory_space<hbm>>
      tpu.wait_indirect_dma semaphore(%arg17 : memref<!tpu.dma_semaphore, #tpu.memory_space<semaphore_mem>>) src(%dma_wait3A_363 : memref<100000x128xbf16, #tpu.memory_space<hbm>>) dst(%dma_wait3A_357 : memref<128x128xbf16, #tpu.memory_space<vmem>>)
      %scan3A_364 = arith.constant 0 : i32
      %scan3A_365 = arith.constant 64 : i32
      %scan3A_366 = arith.addi %scan3A_364, %scan3A_365 : i32
      %scan3A_367 = arith.constant 1 : i32
      %scan3A_368:8 = scf.for %scan3A_804 = %scan3A_364 to %scan3A_366 step %scan3A_367 iter_args(%scan3A_805 = %broadcast_in_dim3A_335, %scan3A_806 = %broadcast_in_dim3A_337, %scan3A_807 = %broadcast_in_dim3A_339, %scan3A_808 = %broadcast_in_dim3A_341, %scan3A_809 = %broadcast_in_dim3A_343, %scan3A_810 = %broadcast_in_dim3A_345, %scan3A_811 = %broadcast_in_dim3A_347, %scan3A_812 = %broadcast_in_dim3A_349) -> (vector<16xf32>, vector<16xf32>, vector<16xf32>, vector<16xf32>, vector<16xf32>, vector<16xf32>, vector<16xf32>, vector<16xf32>)  : i32 {
        %get3A = arith.index_cast %scan3A_804 : i32 to index
        %get3A_813 = arith.constant 0 : index
        %get3A_814 = tpu.vector_load %arg8[%get3A, %get3A_813] {strides = array<i32>} : memref<128x128xbf16, #tpu.memory_space<vmem>>, vector<32xbf16>,
        %add3A_815 = arith.constant 64 : i32
        %add3A_816 = arith.addi %scan3A_804, %add3A_815 : i32
        %get3A_817 = arith.index_cast %add3A_816 : i32 to index
        %get3A_818 = arith.constant 0 : index
        %get3A_819 = tpu.vector_load %arg8[%get3A_817, %get3A_818] {strides = array<i32>} : memref<128x128xbf16, #tpu.memory_space<vmem>>, vector<32xbf16>,
        %add3A_820 = arith.addf %get3A_814, %get3A_819 : vector<32xbf16>
        %unpack3A = tpu.unpack_subelements %add3A_820, 0 {pack_format = #tpu.pack_format<interleaved>} : vector<32xbf16> -> vector<16xf32>
        %unpack3A_821 = tpu.unpack_subelements %add3A_820, 1 {pack_format = #tpu.pack_format<interleaved>} : vector<32xbf16> -> vector<16xf32>
        %add3A_822 = arith.addf %scan3A_805, %unpack3A : vector<16xf32>
        %add3A_823 = arith.addf %scan3A_806, %unpack3A_821 : vector<16xf32>
        %get3A_824 = arith.index_cast %scan3A_804 : i32 to index
        %get3A_825 = arith.constant 32 : index
        %get3A_826 = tpu.vector_load %arg8[%get3A_824, %get3A_825] {strides = array<i32>} : memref<128x128xbf16, #tpu.memory_space<vmem>>, vector<32xbf16>,
        %add3A_827 = arith.constant 64 : i32
        %add3A_828 = arith.addi %scan3A_804, %add3A_827 : i32
        %get3A_829 = arith.index_cast %add3A_828 : i32 to index
        %get3A_830 = arith.constant 32 : index
        %get3A_831 = tpu.vector_load %arg8[%get3A_829, %get3A_830] {strides = array<i32>} : memref<128x128xbf16, #tpu.memory_space<vmem>>, vector<32xbf16>,
        %add3A_832 = arith.addf %get3A_826, %get3A_831 : vector<32xbf16>
        %unpack3A_833 = tpu.unpack_subelements %add3A_832, 0 {pack_format = #tpu.pack_format<interleaved>} : vector<32xbf16> -> vector<16xf32>
        %unpack3A_834 = tpu.unpack_subelements %add3A_832, 1 {pack_format = #tpu.pack_format<interleaved>} : vector<32xbf16> -> vector<16xf32>
        %add3A_835 = arith.addf %scan3A_807, %unpack3A_833 : vector<16xf32>
        %add3A_836 = arith.addf %scan3A_808, %unpack3A_834 : vector<16xf32>
        %get3A_837 = arith.index_cast %scan3A_804 : i32 to index
        %get3A_838 = arith.constant 64 : index
        %get3A_839 = tpu.vector_load %arg8[%get3A_837, %get3A_838] {strides = array<i32>} : memref<128x128xbf16, #tpu.memory_space<vmem>>, vector<32xbf16>,
        %add3A_840 = arith.constant 64 : i32
        %add3A_841 = arith.addi %scan3A_804, %add3A_840 : i32
        %get3A_842 = arith.index_cast %add3A_841 : i32 to index
        %get3A_843 = arith.constant 64 : index
        %get3A_844 = tpu.vector_load %arg8[%get3A_842, %get3A_843] {strides = array<i32>} : memref<128x128xbf16, #tpu.memory_space<vmem>>, vector<32xbf16>,
        %add3A_845 = arith.addf %get3A_839, %get3A_844 : vector<32xbf16>
        %unpack3A_846 = tpu.unpack_subelements %add3A_845, 0 {pack_format = #tpu.pack_format<interleaved>} : vector<32xbf16> -> vector<16xf32>
        %unpack3A_847 = tpu.unpack_subelements %add3A_845, 1 {pack_format = #tpu.pack_format<interleaved>} : vector<32xbf16> -> vector<16xf32>
        %add3A_848 = arith.addf %scan3A_809, %unpack3A_846 : vector<16xf32>
        %add3A_849 = arith.addf %scan3A_810, %unpack3A_847 : vector<16xf32>
        %get3A_850 = arith.index_cast %scan3A_804 : i32 to index
        %get3A_851 = arith.constant 96 : index
        %get3A_852 = tpu.vector_load %arg8[%get3A_850, %get3A_851] {strides = array<i32>} : memref<128x128xbf16, #tpu.memory_space<vmem>>, vector<32xbf16>,
        %add3A_853 = arith.constant 64 : i32
        %add3A_854 = arith.addi %scan3A_804, %add3A_853 : i32
        %get3A_855 = arith.index_cast %add3A_854 : i32 to index
        %get3A_856 = arith.constant 96 : index
        %get3A_857 = tpu.vector_load %arg8[%get3A_855, %get3A_856] {strides = array<i32>} : memref<128x128xbf16, #tpu.memory_space<vmem>>, vector<32xbf16>,
        %add3A_858 = arith.addf %get3A_852, %get3A_857 : vector<32xbf16>
        %unpack3A_859 = tpu.unpack_subelements %add3A_858, 0 {pack_format = #tpu.pack_format<interleaved>} : vector<32xbf16> -> vector<16xf32>
        %unpack3A_860 = tpu.unpack_subelements %add3A_858, 1 {pack_format = #tpu.pack_format<interleaved>} : vector<32xbf16> -> vector<16xf32>
        %add3A_861 = arith.addf %scan3A_811, %unpack3A_859 : vector<16xf32>
        %add3A_862 = arith.addf %scan3A_812, %unpack3A_860 : vector<16xf32>
        scf.yield %add3A_822, %add3A_823, %add3A_835, %add3A_836, %add3A_848, %add3A_849, %add3A_861, %add3A_862 : vector<16xf32>, vector<16xf32>, vector<16xf32>, vector<16xf32>, vector<16xf32>, vector<16xf32>, vector<16xf32>, vector<16xf32>
      }
      %scan3A_369 = arith.constant 64 : i32
      %add3A_370 = arith.constant 8 : i32
      %add3A_371 = arith.addi %add3A_353, %add3A_370 : i32
      %jit3A_372 = arith.constant 2 : i32
      %div3A_373 = arith.divsi %add3A_371, %jit3A_372 : i32
      %sign3A_374 = arith.constant 0 : i32
      %sign3A_375 = arith.cmpi sgt, %add3A_371, %sign3A_374 : i32
      %sign3A_376 = arith.extui %sign3A_375 : i1 to i32
      %sign3A_377 = arith.constant 0 : i32
      %sign3A_378 = arith.cmpi slt, %add3A_371, %sign3A_377 : i32
      %sign3A_379 = arith.extui %sign3A_378 : i1 to i32
      %sign3A_380 = arith.subi %sign3A_376, %sign3A_379 : i32
      %sign3A_381 = arith.constant 0 : i32
      %sign3A_382 = arith.cmpi sgt, %jit3A_372, %sign3A_381 : i32
      %sign3A_383 = arith.extui %sign3A_382 : i1 to i32
      %sign3A_384 = arith.constant 0 : i32
      %sign3A_385 = arith.cmpi slt, %jit3A_372, %sign3A_384 : i32
      %sign3A_386 = arith.extui %sign3A_385 : i1 to i32
      %sign3A_387 = arith.subi %sign3A_383, %sign3A_386 : i32
      %ne3A_388 = arith.cmpi ne, %sign3A_380, %sign3A_387 : i32
      %rem3A_389 = arith.remsi %add3A_371, %jit3A_372 : i32
      %ne3A_390 = arith.constant 0 : i32
      %ne3A_391 = arith.cmpi ne, %rem3A_389, %ne3A_390 : i32
      %and3A_392 = arith.andi %ne3A_388, %ne3A_391 : i1
      %sub3A_393 = arith.constant 1 : i32
      %sub3A_394 = arith.subi %div3A_373, %sub3A_393 : i32
      %select_n3A_395 = arith.select %and3A_392, %sub3A_394, %div3A_373 : i32
      %min3A_396 = arith.constant 127 : i32
      %min3A_397 = arith.minsi %select_n3A_395, %min3A_396 : i32
      %dma_start3A_398 = arith.constant 0 : i32
      %dma_start3A_399 = arith.constant 0 : i32
      %dma_start3A_400 = tpu.memref_slice %arg8[%dma_start3A_398, %dma_start3A_399] : memref<128x128xbf16, #tpu.memory_space<vmem>> -> memref<128x128xbf16, #tpu.memory_space<vmem>>
      %dma_start3A_401 = arith.constant 0 : i32
      %dma_start3A_402 = tpu.memref_slice %arg5[%min3A_397, %dma_start3A_401] : memref<128x200xi32, #tpu.memory_space<vmem>> -> memref<1x128xi32, #tpu.memory_space<vmem>>
      %dma_start3A_403 = tpu.memref_squeeze %dma_start3A_402 : memref<1x128xi32, #tpu.memory_space<vmem>> -> memref<128xi32, #tpu.memory_space<vmem>>
      %dma_start3A_404 = arith.constant 0 : i32
      %dma_start3A_405 = arith.constant 0 : i32
      %dma_start3A_406 = tpu.memref_slice %arg3[%dma_start3A_404, %dma_start3A_405] : memref<100000x128xbf16, #tpu.memory_space<hbm>> -> memref<100000x128xbf16, #tpu.memory_space<hbm>>
      tpu.enqueue_indirect_dma source(%dma_start3A_406 : memref<100000x128xbf16, #tpu.memory_space<hbm>>) target(%dma_start3A_400 : memref<128x128xbf16, #tpu.memory_space<vmem>>) offsets(%dma_start3A_403 : memref<128xi32, #tpu.memory_space<vmem>>) semaphore(%arg17 : memref<!tpu.dma_semaphore, #tpu.memory_space<semaphore_mem>>)
      %mul3A_407 = arith.constant 2 : i32
      %mul3A_408 = arith.muli %mul3A_407, %add3A_333 : i32
      %add3A_409 = arith.constant 1 : i32
      %add3A_410 = arith.addi %mul3A_408, %add3A_409 : i32
      %dma_wait3A_411 = arith.constant 0 : i32
      %dma_wait3A_412 = arith.constant 0 : i32
      %dma_wait3A_413 = arith.constant 0 : i32
      %dma_wait3A_414 = tpu.memref_slice %arg9[%dma_wait3A_412, %dma_wait3A_413] : memref<128x128xbf16, #tpu.memory_space<vmem>> -> memref<72x128xbf16, #tpu.memory_space<vmem>>
      %dma_wait3A_415 = arith.constant 128 : i32
      %dma_wait3A_416 = tpu.memref_slice %arg5[%dma_wait3A_411, %dma_wait3A_415] : memref<128x200xi32, #tpu.memory_space<vmem>> -> memref<1x72xi32, #tpu.memory_space<vmem>>
      %dma_wait3A_417 = tpu.memref_squeeze %dma_wait3A_416 : memref<1x72xi32, #tpu.memory_space<vmem>> -> memref<72xi32, #tpu.memory_space<vmem>>
      %dma_wait3A_418 = arith.constant 0 : i32
      %dma_wait3A_419 = arith.constant 0 : i32
      %dma_wait3A_420 = tpu.memref_slice %arg3[%dma_wait3A_418, %dma_wait3A_419] : memref<100000x128xbf16, #tpu.memory_space<hbm>> -> memref<100000x128xbf16, #tpu.memory_space<hbm>>
      tpu.wait_indirect_dma semaphore(%arg18 : memref<!tpu.dma_semaphore, #tpu.memory_space<semaphore_mem>>) src(%dma_wait3A_420 : memref<100000x128xbf16, #tpu.memory_space<hbm>>) dst(%dma_wait3A_414 : memref<72x128xbf16, #tpu.memory_space<vmem>>)
      %scan3A_421 = arith.constant 0 : i32
      %scan3A_422 = arith.constant 36 : i32
      %scan3A_423 = arith.addi %scan3A_421, %scan3A_422 : i32
      %scan3A_424 = arith.constant 1 : i32
      %scan3A_425:8 = scf.for %scan3A_804 = %scan3A_421 to %scan3A_423 step %scan3A_424 iter_args(%scan3A_805 = %scan3A_368#0, %scan3A_806 = %scan3A_368#1, %scan3A_807 = %scan3A_368#2, %scan3A_808 = %scan3A_368#3, %scan3A_809 = %scan3A_368#4, %scan3A_810 = %scan3A_368#5, %scan3A_811 = %scan3A_368#6, %scan3A_812 = %scan3A_368#7) -> (vector<16xf32>, vector<16xf32>, vector<16xf32>, vector<16xf32>, vector<16xf32>, vector<16xf32>, vector<16xf32>, vector<16xf32>)  : i32 {
        %get3A = arith.index_cast %scan3A_804 : i32 to index
        %get3A_813 = arith.constant 0 : index
        %get3A_814 = tpu.vector_load %arg9[%get3A, %get3A_813] {strides = array<i32>} : memref<128x128xbf16, #tpu.memory_space<vmem>>, vector<32xbf16>,
        %add3A_815 = arith.constant 36 : i32
        %add3A_816 = arith.addi %scan3A_804, %add3A_815 : i32
        %get3A_817 = arith.index_cast %add3A_816 : i32 to index
        %get3A_818 = arith.constant 0 : index
        %get3A_819 = tpu.vector_load %arg9[%get3A_817, %get3A_818] {strides = array<i32>} : memref<128x128xbf16, #tpu.memory_space<vmem>>, vector<32xbf16>,
        %add3A_820 = arith.addf %get3A_814, %get3A_819 : vector<32xbf16>
        %unpack3A = tpu.unpack_subelements %add3A_820, 0 {pack_format = #tpu.pack_format<interleaved>} : vector<32xbf16> -> vector<16xf32>
        %unpack3A_821 = tpu.unpack_subelements %add3A_820, 1 {pack_format = #tpu.pack_format<interleaved>} : vector<32xbf16> -> vector<16xf32>
        %add3A_822 = arith.addf %scan3A_805, %unpack3A : vector<16xf32>
        %add3A_823 = arith.addf %scan3A_806, %unpack3A_821 : vector<16xf32>
        %get3A_824 = arith.index_cast %scan3A_804 : i32 to index
        %get3A_825 = arith.constant 32 : index
        %get3A_826 = tpu.vector_load %arg9[%get3A_824, %get3A_825] {strides = array<i32>} : memref<128x128xbf16, #tpu.memory_space<vmem>>, vector<32xbf16>,
        %add3A_827 = arith.constant 36 : i32
        %add3A_828 = arith.addi %scan3A_804, %add3A_827 : i32
        %get3A_829 = arith.index_cast %add3A_828 : i32 to index
        %get3A_830 = arith.constant 32 : index
        %get3A_831 = tpu.vector_load %arg9[%get3A_829, %get3A_830] {strides = array<i32>} : memref<128x128xbf16, #tpu.memory_space<vmem>>, vector<32xbf16>,
        %add3A_832 = arith.addf %get3A_826, %get3A_831 : vector<32xbf16>
        %unpack3A_833 = tpu.unpack_subelements %add3A_832, 0 {pack_format = #tpu.pack_format<interleaved>} : vector<32xbf16> -> vector<16xf32>
        %unpack3A_834 = tpu.unpack_subelements %add3A_832, 1 {pack_format = #tpu.pack_format<interleaved>} : vector<32xbf16> -> vector<16xf32>
        %add3A_835 = arith.addf %scan3A_807, %unpack3A_833 : vector<16xf32>
        %add3A_836 = arith.addf %scan3A_808, %unpack3A_834 : vector<16xf32>
        %get3A_837 = arith.index_cast %scan3A_804 : i32 to index
        %get3A_838 = arith.constant 64 : index
        %get3A_839 = tpu.vector_load %arg9[%get3A_837, %get3A_838] {strides = array<i32>} : memref<128x128xbf16, #tpu.memory_space<vmem>>, vector<32xbf16>,
        %add3A_840 = arith.constant 36 : i32
        %add3A_841 = arith.addi %scan3A_804, %add3A_840 : i32
        %get3A_842 = arith.index_cast %add3A_841 : i32 to index
        %get3A_843 = arith.constant 64 : index
        %get3A_844 = tpu.vector_load %arg9[%get3A_842, %get3A_843] {strides = array<i32>} : memref<128x128xbf16, #tpu.memory_space<vmem>>, vector<32xbf16>,
        %add3A_845 = arith.addf %get3A_839, %get3A_844 : vector<32xbf16>
        %unpack3A_846 = tpu.unpack_subelements %add3A_845, 0 {pack_format = #tpu.pack_format<interleaved>} : vector<32xbf16> -> vector<16xf32>
        %unpack3A_847 = tpu.unpack_subelements %add3A_845, 1 {pack_format = #tpu.pack_format<interleaved>} : vector<32xbf16> -> vector<16xf32>
        %add3A_848 = arith.addf %scan3A_809, %unpack3A_846 : vector<16xf32>
        %add3A_849 = arith.addf %scan3A_810, %unpack3A_847 : vector<16xf32>
        %get3A_850 = arith.index_cast %scan3A_804 : i32 to index
        %get3A_851 = arith.constant 96 : index
        %get3A_852 = tpu.vector_load %arg9[%get3A_850, %get3A_851] {strides = array<i32>} : memref<128x128xbf16, #tpu.memory_space<vmem>>, vector<32xbf16>,
        %add3A_853 = arith.constant 36 : i32
        %add3A_854 = arith.addi %scan3A_804, %add3A_853 : i32
        %get3A_855 = arith.index_cast %add3A_854 : i32 to index
        %get3A_856 = arith.constant 96 : index
        %get3A_857 = tpu.vector_load %arg9[%get3A_855, %get3A_856] {strides = array<i32>} : memref<128x128xbf16, #tpu.memory_space<vmem>>, vector<32xbf16>,
        %add3A_858 = arith.addf %get3A_852, %get3A_857 : vector<32xbf16>
        %unpack3A_859 = tpu.unpack_subelements %add3A_858, 0 {pack_format = #tpu.pack_format<interleaved>} : vector<32xbf16> -> vector<16xf32>
        %unpack3A_860 = tpu.unpack_subelements %add3A_858, 1 {pack_format = #tpu.pack_format<interleaved>} : vector<32xbf16> -> vector<16xf32>
        %add3A_861 = arith.addf %scan3A_811, %unpack3A_859 : vector<16xf32>
        %add3A_862 = arith.addf %scan3A_812, %unpack3A_860 : vector<16xf32>
        scf.yield %add3A_822, %add3A_823, %add3A_835, %add3A_836, %add3A_848, %add3A_849, %add3A_861, %add3A_862 : vector<16xf32>, vector<16xf32>, vector<16xf32>, vector<16xf32>, vector<16xf32>, vector<16xf32>, vector<16xf32>, vector<16xf32>
      }
      %scan3A_426 = arith.constant 36 : i32
      %add3A_427 = arith.constant 8 : i32
      %add3A_428 = arith.addi %add3A_410, %add3A_427 : i32
      %jit3A_429 = arith.constant 2 : i32
      %div3A_430 = arith.divsi %add3A_428, %jit3A_429 : i32
      %sign3A_431 = arith.constant 0 : i32
      %sign3A_432 = arith.cmpi sgt, %add3A_428, %sign3A_431 : i32
      %sign3A_433 = arith.extui %sign3A_432 : i1 to i32
      %sign3A_434 = arith.constant 0 : i32
      %sign3A_435 = arith.cmpi slt, %add3A_428, %sign3A_434 : i32
      %sign3A_436 = arith.extui %sign3A_435 : i1 to i32
      %sign3A_437 = arith.subi %sign3A_433, %sign3A_436 : i32
      %sign3A_438 = arith.constant 0 : i32
      %sign3A_439 = arith.cmpi sgt, %jit3A_429, %sign3A_438 : i32
      %sign3A_440 = arith.extui %sign3A_439 : i1 to i32
      %sign3A_441 = arith.constant 0 : i32
      %sign3A_442 = arith.cmpi slt, %jit3A_429, %sign3A_441 : i32
      %sign3A_443 = arith.extui %sign3A_442 : i1 to i32
      %sign3A_444 = arith.subi %sign3A_440, %sign3A_443 : i32
      %ne3A_445 = arith.cmpi ne, %sign3A_437, %sign3A_444 : i32
      %rem3A_446 = arith.remsi %add3A_428, %jit3A_429 : i32
      %ne3A_447 = arith.constant 0 : i32
      %ne3A_448 = arith.cmpi ne, %rem3A_446, %ne3A_447 : i32
      %and3A_449 = arith.andi %ne3A_445, %ne3A_448 : i1
      %sub3A_450 = arith.constant 1 : i32
      %sub3A_451 = arith.subi %div3A_430, %sub3A_450 : i32
      %select_n3A_452 = arith.select %and3A_449, %sub3A_451, %div3A_430 : i32
      %min3A_453 = arith.constant 127 : i32
      %min3A_454 = arith.minsi %select_n3A_452, %min3A_453 : i32
      %dma_start3A_455 = arith.constant 0 : i32
      %dma_start3A_456 = arith.constant 0 : i32
      %dma_start3A_457 = tpu.memref_slice %arg9[%dma_start3A_455, %dma_start3A_456] : memref<128x128xbf16, #tpu.memory_space<vmem>> -> memref<72x128xbf16, #tpu.memory_space<vmem>>
      %dma_start3A_458 = arith.constant 128 : i32
      %dma_start3A_459 = tpu.memref_slice %arg5[%min3A_454, %dma_start3A_458] : memref<128x200xi32, #tpu.memory_space<vmem>> -> memref<1x72xi32, #tpu.memory_space<vmem>>
      %dma_start3A_460 = tpu.memref_squeeze %dma_start3A_459 : memref<1x72xi32, #tpu.memory_space<vmem>> -> memref<72xi32, #tpu.memory_space<vmem>>
      %dma_start3A_461 = arith.constant 0 : i32
      %dma_start3A_462 = arith.constant 0 : i32
      %dma_start3A_463 = tpu.memref_slice %arg3[%dma_start3A_461, %dma_start3A_462] : memref<100000x128xbf16, #tpu.memory_space<hbm>> -> memref<100000x128xbf16, #tpu.memory_space<hbm>>
      tpu.enqueue_indirect_dma source(%dma_start3A_463 : memref<100000x128xbf16, #tpu.memory_space<hbm>>) target(%dma_start3A_457 : memref<72x128xbf16, #tpu.memory_space<vmem>>) offsets(%dma_start3A_460 : memref<72xi32, #tpu.memory_space<vmem>>) semaphore(%arg18 : memref<!tpu.dma_semaphore, #tpu.memory_space<semaphore_mem>>)
      %swap3A_464 = arith.index_cast %add3A_333 : i32 to index
      %swap3A_465 = arith.constant 0 : index
      %swap3A_466 = tpu.vector_load %arg14[%swap3A_464, %swap3A_465] {strides = array<i32>} : memref<128x128xf32, #tpu.memory_space<vmem>>, vector<16xf32>,
      tpu.vector_store %arg14[%swap3A_464, %swap3A_465], %scan3A_425#0 {strides = array<i32>} : memref<128x128xf32, #tpu.memory_space<vmem>>, vector<16xf32>,
      %swap3A_467 = arith.index_cast %add3A_333 : i32 to index
      %swap3A_468 = arith.constant 16 : index
      %swap3A_469 = tpu.vector_load %arg14[%swap3A_467, %swap3A_468] {strides = array<i32>} : memref<128x128xf32, #tpu.memory_space<vmem>>, vector<16xf32>,
      tpu.vector_store %arg14[%swap3A_467, %swap3A_468], %scan3A_425#1 {strides = array<i32>} : memref<128x128xf32, #tpu.memory_space<vmem>>, vector<16xf32>,
      %swap3A_470 = arith.index_cast %add3A_333 : i32 to index
      %swap3A_471 = arith.constant 32 : index
      %swap3A_472 = tpu.vector_load %arg14[%swap3A_470, %swap3A_471] {strides = array<i32>} : memref<128x128xf32, #tpu.memory_space<vmem>>, vector<16xf32>,
      tpu.vector_store %arg14[%swap3A_470, %swap3A_471], %scan3A_425#2 {strides = array<i32>} : memref<128x128xf32, #tpu.memory_space<vmem>>, vector<16xf32>,
      %swap3A_473 = arith.index_cast %add3A_333 : i32 to index
      %swap3A_474 = arith.constant 48 : index
      %swap3A_475 = tpu.vector_load %arg14[%swap3A_473, %swap3A_474] {strides = array<i32>} : memref<128x128xf32, #tpu.memory_space<vmem>>, vector<16xf32>,
      tpu.vector_store %arg14[%swap3A_473, %swap3A_474], %scan3A_425#3 {strides = array<i32>} : memref<128x128xf32, #tpu.memory_space<vmem>>, vector<16xf32>,
      %swap3A_476 = arith.index_cast %add3A_333 : i32 to index
      %swap3A_477 = arith.constant 64 : index
      %swap3A_478 = tpu.vector_load %arg14[%swap3A_476, %swap3A_477] {strides = array<i32>} : memref<128x128xf32, #tpu.memory_space<vmem>>, vector<16xf32>,
      tpu.vector_store %arg14[%swap3A_476, %swap3A_477], %scan3A_425#4 {strides = array<i32>} : memref<128x128xf32, #tpu.memory_space<vmem>>, vector<16xf32>,
      %swap3A_479 = arith.index_cast %add3A_333 : i32 to index
      %swap3A_480 = arith.constant 80 : index
      %swap3A_481 = tpu.vector_load %arg14[%swap3A_479, %swap3A_480] {strides = array<i32>} : memref<128x128xf32, #tpu.memory_space<vmem>>, vector<16xf32>,
      tpu.vector_store %arg14[%swap3A_479, %swap3A_480], %scan3A_425#5 {strides = array<i32>} : memref<128x128xf32, #tpu.memory_space<vmem>>, vector<16xf32>,
      %swap3A_482 = arith.index_cast %add3A_333 : i32 to index
      %swap3A_483 = arith.constant 96 : index
      %swap3A_484 = tpu.vector_load %arg14[%swap3A_482, %swap3A_483] {strides = array<i32>} : memref<128x128xf32, #tpu.memory_space<vmem>>, vector<16xf32>,
      tpu.vector_store %arg14[%swap3A_482, %swap3A_483], %scan3A_425#6 {strides = array<i32>} : memref<128x128xf32, #tpu.memory_space<vmem>>, vector<16xf32>,
      %swap3A_485 = arith.index_cast %add3A_333 : i32 to index
      %swap3A_486 = arith.constant 112 : index
      %swap3A_487 = tpu.vector_load %arg14[%swap3A_485, %swap3A_486] {strides = array<i32>} : memref<128x128xf32, #tpu.memory_space<vmem>>, vector<16xf32>,
      tpu.vector_store %arg14[%swap3A_485, %swap3A_486], %scan3A_425#7 {strides = array<i32>} : memref<128x128xf32, #tpu.memory_space<vmem>>, vector<16xf32>,
      %mul3A_488 = arith.constant 4 : i32
      %mul3A_489 = arith.muli %mul3A_488, %scan3A_181 : i32
      %add3A_490 = arith.constant 2 : i32
      %add3A_491 = arith.addi %mul3A_489, %add3A_490 : i32
      %broadcast_in_dim3A_492 = arith.constant 0.000000e+00 : f32
      %broadcast_in_dim3A_493 = vector.broadcast %broadcast_in_dim3A_492 : f32 to vector<16xf32>
      %broadcast_in_dim3A_494 = arith.constant 0.000000e+00 : f32
      %broadcast_in_dim3A_495 = vector.broadcast %broadcast_in_dim3A_494 : f32 to vector<16xf32>
      %broadcast_in_dim3A_496 = arith.constant 0.000000e+00 : f32
      %broadcast_in_dim3A_497 = vector.broadcast %broadcast_in_dim3A_496 : f32 to vector<16xf32>
      %broadcast_in_dim3A_498 = arith.constant 0.000000e+00 : f32
      %broadcast_in_dim3A_499 = vector.broadcast %broadcast_in_dim3A_498 : f32 to vector<16xf32>
      %broadcast_in_dim3A_500 = arith.constant 0.000000e+00 : f32
      %broadcast_in_dim3A_501 = vector.broadcast %broadcast_in_dim3A_500 : f32 to vector<16xf32>
      %broadcast_in_dim3A_502 = arith.constant 0.000000e+00 : f32
      %broadcast_in_dim3A_503 = vector.broadcast %broadcast_in_dim3A_502 : f32 to vector<16xf32>
      %broadcast_in_dim3A_504 = arith.constant 0.000000e+00 : f32
      %broadcast_in_dim3A_505 = vector.broadcast %broadcast_in_dim3A_504 : f32 to vector<16xf32>
      %broadcast_in_dim3A_506 = arith.constant 0.000000e+00 : f32
      %broadcast_in_dim3A_507 = vector.broadcast %broadcast_in_dim3A_506 : f32 to vector<16xf32>
      %mul3A_508 = arith.constant 2 : i32
      %mul3A_509 = arith.muli %mul3A_508, %add3A_491 : i32
      %add3A_510 = arith.constant 0 : i32
      %add3A_511 = arith.addi %mul3A_509, %add3A_510 : i32
      %dma_wait3A_512 = arith.constant 0 : i32
      %dma_wait3A_513 = arith.constant 0 : i32
      %dma_wait3A_514 = arith.constant 0 : i32
      %dma_wait3A_515 = tpu.memref_slice %arg10[%dma_wait3A_513, %dma_wait3A_514] : memref<128x128xbf16, #tpu.memory_space<vmem>> -> memref<128x128xbf16, #tpu.memory_space<vmem>>
      %dma_wait3A_516 = arith.constant 0 : i32
      %dma_wait3A_517 = tpu.memref_slice %arg5[%dma_wait3A_512, %dma_wait3A_516] : memref<128x200xi32, #tpu.memory_space<vmem>> -> memref<1x128xi32, #tpu.memory_space<vmem>>
      %dma_wait3A_518 = tpu.memref_squeeze %dma_wait3A_517 : memref<1x128xi32, #tpu.memory_space<vmem>> -> memref<128xi32, #tpu.memory_space<vmem>>
      %dma_wait3A_519 = arith.constant 0 : i32
      %dma_wait3A_520 = arith.constant 0 : i32
      %dma_wait3A_521 = tpu.memref_slice %arg3[%dma_wait3A_519, %dma_wait3A_520] : memref<100000x128xbf16, #tpu.memory_space<hbm>> -> memref<100000x128xbf16, #tpu.memory_space<hbm>>
      tpu.wait_indirect_dma semaphore(%arg19 : memref<!tpu.dma_semaphore, #tpu.memory_space<semaphore_mem>>) src(%dma_wait3A_521 : memref<100000x128xbf16, #tpu.memory_space<hbm>>) dst(%dma_wait3A_515 : memref<128x128xbf16, #tpu.memory_space<vmem>>)
      %scan3A_522 = arith.constant 0 : i32
      %scan3A_523 = arith.constant 64 : i32
      %scan3A_524 = arith.addi %scan3A_522, %scan3A_523 : i32
      %scan3A_525 = arith.constant 1 : i32
      %scan3A_526:8 = scf.for %scan3A_804 = %scan3A_522 to %scan3A_524 step %scan3A_525 iter_args(%scan3A_805 = %broadcast_in_dim3A_493, %scan3A_806 = %broadcast_in_dim3A_495, %scan3A_807 = %broadcast_in_dim3A_497, %scan3A_808 = %broadcast_in_dim3A_499, %scan3A_809 = %broadcast_in_dim3A_501, %scan3A_810 = %broadcast_in_dim3A_503, %scan3A_811 = %broadcast_in_dim3A_505, %scan3A_812 = %broadcast_in_dim3A_507) -> (vector<16xf32>, vector<16xf32>, vector<16xf32>, vector<16xf32>, vector<16xf32>, vector<16xf32>, vector<16xf32>, vector<16xf32>)  : i32 {
        %get3A = arith.index_cast %scan3A_804 : i32 to index
        %get3A_813 = arith.constant 0 : index
        %get3A_814 = tpu.vector_load %arg10[%get3A, %get3A_813] {strides = array<i32>} : memref<128x128xbf16, #tpu.memory_space<vmem>>, vector<32xbf16>,
        %add3A_815 = arith.constant 64 : i32
        %add3A_816 = arith.addi %scan3A_804, %add3A_815 : i32
        %get3A_817 = arith.index_cast %add3A_816 : i32 to index
        %get3A_818 = arith.constant 0 : index
        %get3A_819 = tpu.vector_load %arg10[%get3A_817, %get3A_818] {strides = array<i32>} : memref<128x128xbf16, #tpu.memory_space<vmem>>, vector<32xbf16>,
        %add3A_820 = arith.addf %get3A_814, %get3A_819 : vector<32xbf16>
        %unpack3A = tpu.unpack_subelements %add3A_820, 0 {pack_format = #tpu.pack_format<interleaved>} : vector<32xbf16> -> vector<16xf32>
        %unpack3A_821 = tpu.unpack_subelements %add3A_820, 1 {pack_format = #tpu.pack_format<interleaved>} : vector<32xbf16> -> vector<16xf32>
        %add3A_822 = arith.addf %scan3A_805, %unpack3A : vector<16xf32>
        %add3A_823 = arith.addf %scan3A_806, %unpack3A_821 : vector<16xf32>
        %get3A_824 = arith.index_cast %scan3A_804 : i32 to index
        %get3A_825 = arith.constant 32 : index
        %get3A_826 = tpu.vector_load %arg10[%get3A_824, %get3A_825] {strides = array<i32>} : memref<128x128xbf16, #tpu.memory_space<vmem>>, vector<32xbf16>,
        %add3A_827 = arith.constant 64 : i32
        %add3A_828 = arith.addi %scan3A_804, %add3A_827 : i32
        %get3A_829 = arith.index_cast %add3A_828 : i32 to index
        %get3A_830 = arith.constant 32 : index
        %get3A_831 = tpu.vector_load %arg10[%get3A_829, %get3A_830] {strides = array<i32>} : memref<128x128xbf16, #tpu.memory_space<vmem>>, vector<32xbf16>,
        %add3A_832 = arith.addf %get3A_826, %get3A_831 : vector<32xbf16>
        %unpack3A_833 = tpu.unpack_subelements %add3A_832, 0 {pack_format = #tpu.pack_format<interleaved>} : vector<32xbf16> -> vector<16xf32>
        %unpack3A_834 = tpu.unpack_subelements %add3A_832, 1 {pack_format = #tpu.pack_format<interleaved>} : vector<32xbf16> -> vector<16xf32>
        %add3A_835 = arith.addf %scan3A_807, %unpack3A_833 : vector<16xf32>
        %add3A_836 = arith.addf %scan3A_808, %unpack3A_834 : vector<16xf32>
        %get3A_837 = arith.index_cast %scan3A_804 : i32 to index
        %get3A_838 = arith.constant 64 : index
        %get3A_839 = tpu.vector_load %arg10[%get3A_837, %get3A_838] {strides = array<i32>} : memref<128x128xbf16, #tpu.memory_space<vmem>>, vector<32xbf16>,
        %add3A_840 = arith.constant 64 : i32
        %add3A_841 = arith.addi %scan3A_804, %add3A_840 : i32
        %get3A_842 = arith.index_cast %add3A_841 : i32 to index
        %get3A_843 = arith.constant 64 : index
        %get3A_844 = tpu.vector_load %arg10[%get3A_842, %get3A_843] {strides = array<i32>} : memref<128x128xbf16, #tpu.memory_space<vmem>>, vector<32xbf16>,
        %add3A_845 = arith.addf %get3A_839, %get3A_844 : vector<32xbf16>
        %unpack3A_846 = tpu.unpack_subelements %add3A_845, 0 {pack_format = #tpu.pack_format<interleaved>} : vector<32xbf16> -> vector<16xf32>
        %unpack3A_847 = tpu.unpack_subelements %add3A_845, 1 {pack_format = #tpu.pack_format<interleaved>} : vector<32xbf16> -> vector<16xf32>
        %add3A_848 = arith.addf %scan3A_809, %unpack3A_846 : vector<16xf32>
        %add3A_849 = arith.addf %scan3A_810, %unpack3A_847 : vector<16xf32>
        %get3A_850 = arith.index_cast %scan3A_804 : i32 to index
        %get3A_851 = arith.constant 96 : index
        %get3A_852 = tpu.vector_load %arg10[%get3A_850, %get3A_851] {strides = array<i32>} : memref<128x128xbf16, #tpu.memory_space<vmem>>, vector<32xbf16>,
        %add3A_853 = arith.constant 64 : i32
        %add3A_854 = arith.addi %scan3A_804, %add3A_853 : i32
        %get3A_855 = arith.index_cast %add3A_854 : i32 to index
        %get3A_856 = arith.constant 96 : index
        %get3A_857 = tpu.vector_load %arg10[%get3A_855, %get3A_856] {strides = array<i32>} : memref<128x128xbf16, #tpu.memory_space<vmem>>, vector<32xbf16>,
        %add3A_858 = arith.addf %get3A_852, %get3A_857 : vector<32xbf16>
        %unpack3A_859 = tpu.unpack_subelements %add3A_858, 0 {pack_format = #tpu.pack_format<interleaved>} : vector<32xbf16> -> vector<16xf32>
        %unpack3A_860 = tpu.unpack_subelements %add3A_858, 1 {pack_format = #tpu.pack_format<interleaved>} : vector<32xbf16> -> vector<16xf32>
        %add3A_861 = arith.addf %scan3A_811, %unpack3A_859 : vector<16xf32>
        %add3A_862 = arith.addf %scan3A_812, %unpack3A_860 : vector<16xf32>
        scf.yield %add3A_822, %add3A_823, %add3A_835, %add3A_836, %add3A_848, %add3A_849, %add3A_861, %add3A_862 : vector<16xf32>, vector<16xf32>, vector<16xf32>, vector<16xf32>, vector<16xf32>, vector<16xf32>, vector<16xf32>, vector<16xf32>
      }
      %scan3A_527 = arith.constant 64 : i32
      %add3A_528 = arith.constant 8 : i32
      %add3A_529 = arith.addi %add3A_511, %add3A_528 : i32
      %jit3A_530 = arith.constant 2 : i32
      %div3A_531 = arith.divsi %add3A_529, %jit3A_530 : i32
      %sign3A_532 = arith.constant 0 : i32
      %sign3A_533 = arith.cmpi sgt, %add3A_529, %sign3A_532 : i32
      %sign3A_534 = arith.extui %sign3A_533 : i1 to i32
      %sign3A_535 = arith.constant 0 : i32
      %sign3A_536 = arith.cmpi slt, %add3A_529, %sign3A_535 : i32
      %sign3A_537 = arith.extui %sign3A_536 : i1 to i32
      %sign3A_538 = arith.subi %sign3A_534, %sign3A_537 : i32
      %sign3A_539 = arith.constant 0 : i32
      %sign3A_540 = arith.cmpi sgt, %jit3A_530, %sign3A_539 : i32
      %sign3A_541 = arith.extui %sign3A_540 : i1 to i32
      %sign3A_542 = arith.constant 0 : i32
      %sign3A_543 = arith.cmpi slt, %jit3A_530, %sign3A_542 : i32
      %sign3A_544 = arith.extui %sign3A_543 : i1 to i32
      %sign3A_545 = arith.subi %sign3A_541, %sign3A_544 : i32
      %ne3A_546 = arith.cmpi ne, %sign3A_538, %sign3A_545 : i32
      %rem3A_547 = arith.remsi %add3A_529, %jit3A_530 : i32
      %ne3A_548 = arith.constant 0 : i32
      %ne3A_549 = arith.cmpi ne, %rem3A_547, %ne3A_548 : i32
      %and3A_550 = arith.andi %ne3A_546, %ne3A_549 : i1
      %sub3A_551 = arith.constant 1 : i32
      %sub3A_552 = arith.subi %div3A_531, %sub3A_551 : i32
      %select_n3A_553 = arith.select %and3A_550, %sub3A_552, %div3A_531 : i32
      %min3A_554 = arith.constant 127 : i32
      %min3A_555 = arith.minsi %select_n3A_553, %min3A_554 : i32
      %dma_start3A_556 = arith.constant 0 : i32
      %dma_start3A_557 = arith.constant 0 : i32
      %dma_start3A_558 = tpu.memref_slice %arg10[%dma_start3A_556, %dma_start3A_557] : memref<128x128xbf16, #tpu.memory_space<vmem>> -> memref<128x128xbf16, #tpu.memory_space<vmem>>
      %dma_start3A_559 = arith.constant 0 : i32
      %dma_start3A_560 = tpu.memref_slice %arg5[%min3A_555, %dma_start3A_559] : memref<128x200xi32, #tpu.memory_space<vmem>> -> memref<1x128xi32, #tpu.memory_space<vmem>>
      %dma_start3A_561 = tpu.memref_squeeze %dma_start3A_560 : memref<1x128xi32, #tpu.memory_space<vmem>> -> memref<128xi32, #tpu.memory_space<vmem>>
      %dma_start3A_562 = arith.constant 0 : i32
      %dma_start3A_563 = arith.constant 0 : i32
      %dma_start3A_564 = tpu.memref_slice %arg3[%dma_start3A_562, %dma_start3A_563] : memref<100000x128xbf16, #tpu.memory_space<hbm>> -> memref<100000x128xbf16, #tpu.memory_space<hbm>>
      tpu.enqueue_indirect_dma source(%dma_start3A_564 : memref<100000x128xbf16, #tpu.memory_space<hbm>>) target(%dma_start3A_558 : memref<128x128xbf16, #tpu.memory_space<vmem>>) offsets(%dma_start3A_561 : memref<128xi32, #tpu.memory_space<vmem>>) semaphore(%arg19 : memref<!tpu.dma_semaphore, #tpu.memory_space<semaphore_mem>>)
      %mul3A_565 = arith.constant 2 : i32
      %mul3A_566 = arith.muli %mul3A_565, %add3A_491 : i32
      %add3A_567 = arith.constant 1 : i32
      %add3A_568 = arith.addi %mul3A_566, %add3A_567 : i32
      %dma_wait3A_569 = arith.constant 0 : i32
      %dma_wait3A_570 = arith.constant 0 : i32
      %dma_wait3A_571 = arith.constant 0 : i32
      %dma_wait3A_572 = tpu.memref_slice %arg11[%dma_wait3A_570, %dma_wait3A_571] : memref<128x128xbf16, #tpu.memory_space<vmem>> -> memref<72x128xbf16, #tpu.memory_space<vmem>>
      %dma_wait3A_573 = arith.constant 128 : i32
      %dma_wait3A_574 = tpu.memref_slice %arg5[%dma_wait3A_569, %dma_wait3A_573] : memref<128x200xi32, #tpu.memory_space<vmem>> -> memref<1x72xi32, #tpu.memory_space<vmem>>
      %dma_wait3A_575 = tpu.memref_squeeze %dma_wait3A_574 : memref<1x72xi32, #tpu.memory_space<vmem>> -> memref<72xi32, #tpu.memory_space<vmem>>
      %dma_wait3A_576 = arith.constant 0 : i32
      %dma_wait3A_577 = arith.constant 0 : i32
      %dma_wait3A_578 = tpu.memref_slice %arg3[%dma_wait3A_576, %dma_wait3A_577] : memref<100000x128xbf16, #tpu.memory_space<hbm>> -> memref<100000x128xbf16, #tpu.memory_space<hbm>>
      tpu.wait_indirect_dma semaphore(%arg20 : memref<!tpu.dma_semaphore, #tpu.memory_space<semaphore_mem>>) src(%dma_wait3A_578 : memref<100000x128xbf16, #tpu.memory_space<hbm>>) dst(%dma_wait3A_572 : memref<72x128xbf16, #tpu.memory_space<vmem>>)
      %scan3A_579 = arith.constant 0 : i32
      %scan3A_580 = arith.constant 36 : i32
      %scan3A_581 = arith.addi %scan3A_579, %scan3A_580 : i32
      %scan3A_582 = arith.constant 1 : i32
      %scan3A_583:8 = scf.for %scan3A_804 = %scan3A_579 to %scan3A_581 step %scan3A_582 iter_args(%scan3A_805 = %scan3A_526#0, %scan3A_806 = %scan3A_526#1, %scan3A_807 = %scan3A_526#2, %scan3A_808 = %scan3A_526#3, %scan3A_809 = %scan3A_526#4, %scan3A_810 = %scan3A_526#5, %scan3A_811 = %scan3A_526#6, %scan3A_812 = %scan3A_526#7) -> (vector<16xf32>, vector<16xf32>, vector<16xf32>, vector<16xf32>, vector<16xf32>, vector<16xf32>, vector<16xf32>, vector<16xf32>)  : i32 {
        %get3A = arith.index_cast %scan3A_804 : i32 to index
        %get3A_813 = arith.constant 0 : index
        %get3A_814 = tpu.vector_load %arg11[%get3A, %get3A_813] {strides = array<i32>} : memref<128x128xbf16, #tpu.memory_space<vmem>>, vector<32xbf16>,
        %add3A_815 = arith.constant 36 : i32
        %add3A_816 = arith.addi %scan3A_804, %add3A_815 : i32
        %get3A_817 = arith.index_cast %add3A_816 : i32 to index
        %get3A_818 = arith.constant 0 : index
        %get3A_819 = tpu.vector_load %arg11[%get3A_817, %get3A_818] {strides = array<i32>} : memref<128x128xbf16, #tpu.memory_space<vmem>>, vector<32xbf16>,
        %add3A_820 = arith.addf %get3A_814, %get3A_819 : vector<32xbf16>
        %unpack3A = tpu.unpack_subelements %add3A_820, 0 {pack_format = #tpu.pack_format<interleaved>} : vector<32xbf16> -> vector<16xf32>
        %unpack3A_821 = tpu.unpack_subelements %add3A_820, 1 {pack_format = #tpu.pack_format<interleaved>} : vector<32xbf16> -> vector<16xf32>
        %add3A_822 = arith.addf %scan3A_805, %unpack3A : vector<16xf32>
        %add3A_823 = arith.addf %scan3A_806, %unpack3A_821 : vector<16xf32>
        %get3A_824 = arith.index_cast %scan3A_804 : i32 to index
        %get3A_825 = arith.constant 32 : index
        %get3A_826 = tpu.vector_load %arg11[%get3A_824, %get3A_825] {strides = array<i32>} : memref<128x128xbf16, #tpu.memory_space<vmem>>, vector<32xbf16>,
        %add3A_827 = arith.constant 36 : i32
        %add3A_828 = arith.addi %scan3A_804, %add3A_827 : i32
        %get3A_829 = arith.index_cast %add3A_828 : i32 to index
        %get3A_830 = arith.constant 32 : index
        %get3A_831 = tpu.vector_load %arg11[%get3A_829, %get3A_830] {strides = array<i32>} : memref<128x128xbf16, #tpu.memory_space<vmem>>, vector<32xbf16>,
        %add3A_832 = arith.addf %get3A_826, %get3A_831 : vector<32xbf16>
        %unpack3A_833 = tpu.unpack_subelements %add3A_832, 0 {pack_format = #tpu.pack_format<interleaved>} : vector<32xbf16> -> vector<16xf32>
        %unpack3A_834 = tpu.unpack_subelements %add3A_832, 1 {pack_format = #tpu.pack_format<interleaved>} : vector<32xbf16> -> vector<16xf32>
        %add3A_835 = arith.addf %scan3A_807, %unpack3A_833 : vector<16xf32>
        %add3A_836 = arith.addf %scan3A_808, %unpack3A_834 : vector<16xf32>
        %get3A_837 = arith.index_cast %scan3A_804 : i32 to index
        %get3A_838 = arith.constant 64 : index
        %get3A_839 = tpu.vector_load %arg11[%get3A_837, %get3A_838] {strides = array<i32>} : memref<128x128xbf16, #tpu.memory_space<vmem>>, vector<32xbf16>,
        %add3A_840 = arith.constant 36 : i32
        %add3A_841 = arith.addi %scan3A_804, %add3A_840 : i32
        %get3A_842 = arith.index_cast %add3A_841 : i32 to index
        %get3A_843 = arith.constant 64 : index
        %get3A_844 = tpu.vector_load %arg11[%get3A_842, %get3A_843] {strides = array<i32>} : memref<128x128xbf16, #tpu.memory_space<vmem>>, vector<32xbf16>,
        %add3A_845 = arith.addf %get3A_839, %get3A_844 : vector<32xbf16>
        %unpack3A_846 = tpu.unpack_subelements %add3A_845, 0 {pack_format = #tpu.pack_format<interleaved>} : vector<32xbf16> -> vector<16xf32>
        %unpack3A_847 = tpu.unpack_subelements %add3A_845, 1 {pack_format = #tpu.pack_format<interleaved>} : vector<32xbf16> -> vector<16xf32>
        %add3A_848 = arith.addf %scan3A_809, %unpack3A_846 : vector<16xf32>
        %add3A_849 = arith.addf %scan3A_810, %unpack3A_847 : vector<16xf32>
        %get3A_850 = arith.index_cast %scan3A_804 : i32 to index
        %get3A_851 = arith.constant 96 : index
        %get3A_852 = tpu.vector_load %arg11[%get3A_850, %get3A_851] {strides = array<i32>} : memref<128x128xbf16, #tpu.memory_space<vmem>>, vector<32xbf16>,
        %add3A_853 = arith.constant 36 : i32
        %add3A_854 = arith.addi %scan3A_804, %add3A_853 : i32
        %get3A_855 = arith.index_cast %add3A_854 : i32 to index
        %get3A_856 = arith.constant 96 : index
        %get3A_857 = tpu.vector_load %arg11[%get3A_855, %get3A_856] {strides = array<i32>} : memref<128x128xbf16, #tpu.memory_space<vmem>>, vector<32xbf16>,
        %add3A_858 = arith.addf %get3A_852, %get3A_857 : vector<32xbf16>
        %unpack3A_859 = tpu.unpack_subelements %add3A_858, 0 {pack_format = #tpu.pack_format<interleaved>} : vector<32xbf16> -> vector<16xf32>
        %unpack3A_860 = tpu.unpack_subelements %add3A_858, 1 {pack_format = #tpu.pack_format<interleaved>} : vector<32xbf16> -> vector<16xf32>
        %add3A_861 = arith.addf %scan3A_811, %unpack3A_859 : vector<16xf32>
        %add3A_862 = arith.addf %scan3A_812, %unpack3A_860 : vector<16xf32>
        scf.yield %add3A_822, %add3A_823, %add3A_835, %add3A_836, %add3A_848, %add3A_849, %add3A_861, %add3A_862 : vector<16xf32>, vector<16xf32>, vector<16xf32>, vector<16xf32>, vector<16xf32>, vector<16xf32>, vector<16xf32>, vector<16xf32>
      }
      %scan3A_584 = arith.constant 36 : i32
      %add3A_585 = arith.constant 8 : i32
      %add3A_586 = arith.addi %add3A_568, %add3A_585 : i32
      %jit3A_587 = arith.constant 2 : i32
      %div3A_588 = arith.divsi %add3A_586, %jit3A_587 : i32
      %sign3A_589 = arith.constant 0 : i32
      %sign3A_590 = arith.cmpi sgt, %add3A_586, %sign3A_589 : i32
      %sign3A_591 = arith.extui %sign3A_590 : i1 to i32
      %sign3A_592 = arith.constant 0 : i32
      %sign3A_593 = arith.cmpi slt, %add3A_586, %sign3A_592 : i32
      %sign3A_594 = arith.extui %sign3A_593 : i1 to i32
      %sign3A_595 = arith.subi %sign3A_591, %sign3A_594 : i32
      %sign3A_596 = arith.constant 0 : i32
      %sign3A_597 = arith.cmpi sgt, %jit3A_587, %sign3A_596 : i32
      %sign3A_598 = arith.extui %sign3A_597 : i1 to i32
      %sign3A_599 = arith.constant 0 : i32
      %sign3A_600 = arith.cmpi slt, %jit3A_587, %sign3A_599 : i32
      %sign3A_601 = arith.extui %sign3A_600 : i1 to i32
      %sign3A_602 = arith.subi %sign3A_598, %sign3A_601 : i32
      %ne3A_603 = arith.cmpi ne, %sign3A_595, %sign3A_602 : i32
      %rem3A_604 = arith.remsi %add3A_586, %jit3A_587 : i32
      %ne3A_605 = arith.constant 0 : i32
      %ne3A_606 = arith.cmpi ne, %rem3A_604, %ne3A_605 : i32
      %and3A_607 = arith.andi %ne3A_603, %ne3A_606 : i1
      %sub3A_608 = arith.constant 1 : i32
      %sub3A_609 = arith.subi %div3A_588, %sub3A_608 : i32
      %select_n3A_610 = arith.select %and3A_607, %sub3A_609, %div3A_588 : i32
      %min3A_611 = arith.constant 127 : i32
      %min3A_612 = arith.minsi %select_n3A_610, %min3A_611 : i32
      %dma_start3A_613 = arith.constant 0 : i32
      %dma_start3A_614 = arith.constant 0 : i32
      %dma_start3A_615 = tpu.memref_slice %arg11[%dma_start3A_613, %dma_start3A_614] : memref<128x128xbf16, #tpu.memory_space<vmem>> -> memref<72x128xbf16, #tpu.memory_space<vmem>>
      %dma_start3A_616 = arith.constant 128 : i32
      %dma_start3A_617 = tpu.memref_slice %arg5[%min3A_612, %dma_start3A_616] : memref<128x200xi32, #tpu.memory_space<vmem>> -> memref<1x72xi32, #tpu.memory_space<vmem>>
      %dma_start3A_618 = tpu.memref_squeeze %dma_start3A_617 : memref<1x72xi32, #tpu.memory_space<vmem>> -> memref<72xi32, #tpu.memory_space<vmem>>
      %dma_start3A_619 = arith.constant 0 : i32
      %dma_start3A_620 = arith.constant 0 : i32
      %dma_start3A_621 = tpu.memref_slice %arg3[%dma_start3A_619, %dma_start3A_620] : memref<100000x128xbf16, #tpu.memory_space<hbm>> -> memref<100000x128xbf16, #tpu.memory_space<hbm>>
      tpu.enqueue_indirect_dma source(%dma_start3A_621 : memref<100000x128xbf16, #tpu.memory_space<hbm>>) target(%dma_start3A_615 : memref<72x128xbf16, #tpu.memory_space<vmem>>) offsets(%dma_start3A_618 : memref<72xi32, #tpu.memory_space<vmem>>) semaphore(%arg20 : memref<!tpu.dma_semaphore, #tpu.memory_space<semaphore_mem>>)
      %swap3A_622 = arith.index_cast %add3A_491 : i32 to index
      %swap3A_623 = arith.constant 0 : index
      %swap3A_624 = tpu.vector_load %arg14[%swap3A_622, %swap3A_623] {strides = array<i32>} : memref<128x128xf32, #tpu.memory_space<vmem>>, vector<16xf32>,
      tpu.vector_store %arg14[%swap3A_622, %swap3A_623], %scan3A_583#0 {strides = array<i32>} : memref<128x128xf32, #tpu.memory_space<vmem>>, vector<16xf32>,
      %swap3A_625 = arith.index_cast %add3A_491 : i32 to index
      %swap3A_626 = arith.constant 16 : index
      %swap3A_627 = tpu.vector_load %arg14[%swap3A_625, %swap3A_626] {strides = array<i32>} : memref<128x128xf32, #tpu.memory_space<vmem>>, vector<16xf32>,
      tpu.vector_store %arg14[%swap3A_625, %swap3A_626], %scan3A_583#1 {strides = array<i32>} : memref<128x128xf32, #tpu.memory_space<vmem>>, vector<16xf32>,
      %swap3A_628 = arith.index_cast %add3A_491 : i32 to index
      %swap3A_629 = arith.constant 32 : index
      %swap3A_630 = tpu.vector_load %arg14[%swap3A_628, %swap3A_629] {strides = array<i32>} : memref<128x128xf32, #tpu.memory_space<vmem>>, vector<16xf32>,
      tpu.vector_store %arg14[%swap3A_628, %swap3A_629], %scan3A_583#2 {strides = array<i32>} : memref<128x128xf32, #tpu.memory_space<vmem>>, vector<16xf32>,
      %swap3A_631 = arith.index_cast %add3A_491 : i32 to index
      %swap3A_632 = arith.constant 48 : index
      %swap3A_633 = tpu.vector_load %arg14[%swap3A_631, %swap3A_632] {strides = array<i32>} : memref<128x128xf32, #tpu.memory_space<vmem>>, vector<16xf32>,
      tpu.vector_store %arg14[%swap3A_631, %swap3A_632], %scan3A_583#3 {strides = array<i32>} : memref<128x128xf32, #tpu.memory_space<vmem>>, vector<16xf32>,
      %swap3A_634 = arith.index_cast %add3A_491 : i32 to index
      %swap3A_635 = arith.constant 64 : index
      %swap3A_636 = tpu.vector_load %arg14[%swap3A_634, %swap3A_635] {strides = array<i32>} : memref<128x128xf32, #tpu.memory_space<vmem>>, vector<16xf32>,
      tpu.vector_store %arg14[%swap3A_634, %swap3A_635], %scan3A_583#4 {strides = array<i32>} : memref<128x128xf32, #tpu.memory_space<vmem>>, vector<16xf32>,
      %swap3A_637 = arith.index_cast %add3A_491 : i32 to index
      %swap3A_638 = arith.constant 80 : index
      %swap3A_639 = tpu.vector_load %arg14[%swap3A_637, %swap3A_638] {strides = array<i32>} : memref<128x128xf32, #tpu.memory_space<vmem>>, vector<16xf32>,
      tpu.vector_store %arg14[%swap3A_637, %swap3A_638], %scan3A_583#5 {strides = array<i32>} : memref<128x128xf32, #tpu.memory_space<vmem>>, vector<16xf32>,
      %swap3A_640 = arith.index_cast %add3A_491 : i32 to index
      %swap3A_641 = arith.constant 96 : index
      %swap3A_642 = tpu.vector_load %arg14[%swap3A_640, %swap3A_641] {strides = array<i32>} : memref<128x128xf32, #tpu.memory_space<vmem>>, vector<16xf32>,
      tpu.vector_store %arg14[%swap3A_640, %swap3A_641], %scan3A_583#6 {strides = array<i32>} : memref<128x128xf32, #tpu.memory_space<vmem>>, vector<16xf32>,
      %swap3A_643 = arith.index_cast %add3A_491 : i32 to index
      %swap3A_644 = arith.constant 112 : index
      %swap3A_645 = tpu.vector_load %arg14[%swap3A_643, %swap3A_644] {strides = array<i32>} : memref<128x128xf32, #tpu.memory_space<vmem>>, vector<16xf32>,
      tpu.vector_store %arg14[%swap3A_643, %swap3A_644], %scan3A_583#7 {strides = array<i32>} : memref<128x128xf32, #tpu.memory_space<vmem>>, vector<16xf32>,
      %mul3A_646 = arith.constant 4 : i32
      %mul3A_647 = arith.muli %mul3A_646, %scan3A_181 : i32
      %add3A_648 = arith.constant 3 : i32
      %add3A_649 = arith.addi %mul3A_647, %add3A_648 : i32
      %broadcast_in_dim3A_650 = arith.constant 0.000000e+00 : f32
      %broadcast_in_dim3A_651 = vector.broadcast %broadcast_in_dim3A_650 : f32 to vector<16xf32>
      %broadcast_in_dim3A_652 = arith.constant 0.000000e+00 : f32
      %broadcast_in_dim3A_653 = vector.broadcast %broadcast_in_dim3A_652 : f32 to vector<16xf32>
      %broadcast_in_dim3A_654 = arith.constant 0.000000e+00 : f32
      %broadcast_in_dim3A_655 = vector.broadcast %broadcast_in_dim3A_654 : f32 to vector<16xf32>
      %broadcast_in_dim3A_656 = arith.constant 0.000000e+00 : f32
      %broadcast_in_dim3A_657 = vector.broadcast %broadcast_in_dim3A_656 : f32 to vector<16xf32>
      %broadcast_in_dim3A_658 = arith.constant 0.000000e+00 : f32
      %broadcast_in_dim3A_659 = vector.broadcast %broadcast_in_dim3A_658 : f32 to vector<16xf32>
      %broadcast_in_dim3A_660 = arith.constant 0.000000e+00 : f32
      %broadcast_in_dim3A_661 = vector.broadcast %broadcast_in_dim3A_660 : f32 to vector<16xf32>
      %broadcast_in_dim3A_662 = arith.constant 0.000000e+00 : f32
      %broadcast_in_dim3A_663 = vector.broadcast %broadcast_in_dim3A_662 : f32 to vector<16xf32>
      %broadcast_in_dim3A_664 = arith.constant 0.000000e+00 : f32
      %broadcast_in_dim3A_665 = vector.broadcast %broadcast_in_dim3A_664 : f32 to vector<16xf32>
      %mul3A_666 = arith.constant 2 : i32
      %mul3A_667 = arith.muli %mul3A_666, %add3A_649 : i32
      %add3A_668 = arith.constant 0 : i32
      %add3A_669 = arith.addi %mul3A_667, %add3A_668 : i32
      %dma_wait3A_670 = arith.constant 0 : i32
      %dma_wait3A_671 = arith.constant 0 : i32
      %dma_wait3A_672 = arith.constant 0 : i32
      %dma_wait3A_673 = tpu.memref_slice %arg12[%dma_wait3A_671, %dma_wait3A_672] : memref<128x128xbf16, #tpu.memory_space<vmem>> -> memref<128x128xbf16, #tpu.memory_space<vmem>>
      %dma_wait3A_674 = arith.constant 0 : i32
      %dma_wait3A_675 = tpu.memref_slice %arg5[%dma_wait3A_670, %dma_wait3A_674] : memref<128x200xi32, #tpu.memory_space<vmem>> -> memref<1x128xi32, #tpu.memory_space<vmem>>
      %dma_wait3A_676 = tpu.memref_squeeze %dma_wait3A_675 : memref<1x128xi32, #tpu.memory_space<vmem>> -> memref<128xi32, #tpu.memory_space<vmem>>
      %dma_wait3A_677 = arith.constant 0 : i32
      %dma_wait3A_678 = arith.constant 0 : i32
      %dma_wait3A_679 = tpu.memref_slice %arg3[%dma_wait3A_677, %dma_wait3A_678] : memref<100000x128xbf16, #tpu.memory_space<hbm>> -> memref<100000x128xbf16, #tpu.memory_space<hbm>>
      tpu.wait_indirect_dma semaphore(%arg21 : memref<!tpu.dma_semaphore, #tpu.memory_space<semaphore_mem>>) src(%dma_wait3A_679 : memref<100000x128xbf16, #tpu.memory_space<hbm>>) dst(%dma_wait3A_673 : memref<128x128xbf16, #tpu.memory_space<vmem>>)
      %scan3A_680 = arith.constant 0 : i32
      %scan3A_681 = arith.constant 64 : i32
      %scan3A_682 = arith.addi %scan3A_680, %scan3A_681 : i32
      %scan3A_683 = arith.constant 1 : i32
      %scan3A_684:8 = scf.for %scan3A_804 = %scan3A_680 to %scan3A_682 step %scan3A_683 iter_args(%scan3A_805 = %broadcast_in_dim3A_651, %scan3A_806 = %broadcast_in_dim3A_653, %scan3A_807 = %broadcast_in_dim3A_655, %scan3A_808 = %broadcast_in_dim3A_657, %scan3A_809 = %broadcast_in_dim3A_659, %scan3A_810 = %broadcast_in_dim3A_661, %scan3A_811 = %broadcast_in_dim3A_663, %scan3A_812 = %broadcast_in_dim3A_665) -> (vector<16xf32>, vector<16xf32>, vector<16xf32>, vector<16xf32>, vector<16xf32>, vector<16xf32>, vector<16xf32>, vector<16xf32>)  : i32 {
        %get3A = arith.index_cast %scan3A_804 : i32 to index
        %get3A_813 = arith.constant 0 : index
        %get3A_814 = tpu.vector_load %arg12[%get3A, %get3A_813] {strides = array<i32>} : memref<128x128xbf16, #tpu.memory_space<vmem>>, vector<32xbf16>,
        %add3A_815 = arith.constant 64 : i32
        %add3A_816 = arith.addi %scan3A_804, %add3A_815 : i32
        %get3A_817 = arith.index_cast %add3A_816 : i32 to index
        %get3A_818 = arith.constant 0 : index
        %get3A_819 = tpu.vector_load %arg12[%get3A_817, %get3A_818] {strides = array<i32>} : memref<128x128xbf16, #tpu.memory_space<vmem>>, vector<32xbf16>,
        %add3A_820 = arith.addf %get3A_814, %get3A_819 : vector<32xbf16>
        %unpack3A = tpu.unpack_subelements %add3A_820, 0 {pack_format = #tpu.pack_format<interleaved>} : vector<32xbf16> -> vector<16xf32>
        %unpack3A_821 = tpu.unpack_subelements %add3A_820, 1 {pack_format = #tpu.pack_format<interleaved>} : vector<32xbf16> -> vector<16xf32>
        %add3A_822 = arith.addf %scan3A_805, %unpack3A : vector<16xf32>
        %add3A_823 = arith.addf %scan3A_806, %unpack3A_821 : vector<16xf32>
        %get3A_824 = arith.index_cast %scan3A_804 : i32 to index
        %get3A_825 = arith.constant 32 : index
        %get3A_826 = tpu.vector_load %arg12[%get3A_824, %get3A_825] {strides = array<i32>} : memref<128x128xbf16, #tpu.memory_space<vmem>>, vector<32xbf16>,
        %add3A_827 = arith.constant 64 : i32
        %add3A_828 = arith.addi %scan3A_804, %add3A_827 : i32
        %get3A_829 = arith.index_cast %add3A_828 : i32 to index
        %get3A_830 = arith.constant 32 : index
        %get3A_831 = tpu.vector_load %arg12[%get3A_829, %get3A_830] {strides = array<i32>} : memref<128x128xbf16, #tpu.memory_space<vmem>>, vector<32xbf16>,
        %add3A_832 = arith.addf %get3A_826, %get3A_831 : vector<32xbf16>
        %unpack3A_833 = tpu.unpack_subelements %add3A_832, 0 {pack_format = #tpu.pack_format<interleaved>} : vector<32xbf16> -> vector<16xf32>
        %unpack3A_834 = tpu.unpack_subelements %add3A_832, 1 {pack_format = #tpu.pack_format<interleaved>} : vector<32xbf16> -> vector<16xf32>
        %add3A_835 = arith.addf %scan3A_807, %unpack3A_833 : vector<16xf32>
        %add3A_836 = arith.addf %scan3A_808, %unpack3A_834 : vector<16xf32>
        %get3A_837 = arith.index_cast %scan3A_804 : i32 to index
        %get3A_838 = arith.constant 64 : index
        %get3A_839 = tpu.vector_load %arg12[%get3A_837, %get3A_838] {strides = array<i32>} : memref<128x128xbf16, #tpu.memory_space<vmem>>, vector<32xbf16>,
        %add3A_840 = arith.constant 64 : i32
        %add3A_841 = arith.addi %scan3A_804, %add3A_840 : i32
        %get3A_842 = arith.index_cast %add3A_841 : i32 to index
        %get3A_843 = arith.constant 64 : index
        %get3A_844 = tpu.vector_load %arg12[%get3A_842, %get3A_843] {strides = array<i32>} : memref<128x128xbf16, #tpu.memory_space<vmem>>, vector<32xbf16>,
        %add3A_845 = arith.addf %get3A_839, %get3A_844 : vector<32xbf16>
        %unpack3A_846 = tpu.unpack_subelements %add3A_845, 0 {pack_format = #tpu.pack_format<interleaved>} : vector<32xbf16> -> vector<16xf32>
        %unpack3A_847 = tpu.unpack_subelements %add3A_845, 1 {pack_format = #tpu.pack_format<interleaved>} : vector<32xbf16> -> vector<16xf32>
        %add3A_848 = arith.addf %scan3A_809, %unpack3A_846 : vector<16xf32>
        %add3A_849 = arith.addf %scan3A_810, %unpack3A_847 : vector<16xf32>
        %get3A_850 = arith.index_cast %scan3A_804 : i32 to index
        %get3A_851 = arith.constant 96 : index
        %get3A_852 = tpu.vector_load %arg12[%get3A_850, %get3A_851] {strides = array<i32>} : memref<128x128xbf16, #tpu.memory_space<vmem>>, vector<32xbf16>,
        %add3A_853 = arith.constant 64 : i32
        %add3A_854 = arith.addi %scan3A_804, %add3A_853 : i32
        %get3A_855 = arith.index_cast %add3A_854 : i32 to index
        %get3A_856 = arith.constant 96 : index
        %get3A_857 = tpu.vector_load %arg12[%get3A_855, %get3A_856] {strides = array<i32>} : memref<128x128xbf16, #tpu.memory_space<vmem>>, vector<32xbf16>,
        %add3A_858 = arith.addf %get3A_852, %get3A_857 : vector<32xbf16>
        %unpack3A_859 = tpu.unpack_subelements %add3A_858, 0 {pack_format = #tpu.pack_format<interleaved>} : vector<32xbf16> -> vector<16xf32>
        %unpack3A_860 = tpu.unpack_subelements %add3A_858, 1 {pack_format = #tpu.pack_format<interleaved>} : vector<32xbf16> -> vector<16xf32>
        %add3A_861 = arith.addf %scan3A_811, %unpack3A_859 : vector<16xf32>
        %add3A_862 = arith.addf %scan3A_812, %unpack3A_860 : vector<16xf32>
        scf.yield %add3A_822, %add3A_823, %add3A_835, %add3A_836, %add3A_848, %add3A_849, %add3A_861, %add3A_862 : vector<16xf32>, vector<16xf32>, vector<16xf32>, vector<16xf32>, vector<16xf32>, vector<16xf32>, vector<16xf32>, vector<16xf32>
      }
      %scan3A_685 = arith.constant 64 : i32
      %add3A_686 = arith.constant 8 : i32
      %add3A_687 = arith.addi %add3A_669, %add3A_686 : i32
      %jit3A_688 = arith.constant 2 : i32
      %div3A_689 = arith.divsi %add3A_687, %jit3A_688 : i32
      %sign3A_690 = arith.constant 0 : i32
      %sign3A_691 = arith.cmpi sgt, %add3A_687, %sign3A_690 : i32
      %sign3A_692 = arith.extui %sign3A_691 : i1 to i32
      %sign3A_693 = arith.constant 0 : i32
      %sign3A_694 = arith.cmpi slt, %add3A_687, %sign3A_693 : i32
      %sign3A_695 = arith.extui %sign3A_694 : i1 to i32
      %sign3A_696 = arith.subi %sign3A_692, %sign3A_695 : i32
      %sign3A_697 = arith.constant 0 : i32
      %sign3A_698 = arith.cmpi sgt, %jit3A_688, %sign3A_697 : i32
      %sign3A_699 = arith.extui %sign3A_698 : i1 to i32
      %sign3A_700 = arith.constant 0 : i32
      %sign3A_701 = arith.cmpi slt, %jit3A_688, %sign3A_700 : i32
      %sign3A_702 = arith.extui %sign3A_701 : i1 to i32
      %sign3A_703 = arith.subi %sign3A_699, %sign3A_702 : i32
      %ne3A_704 = arith.cmpi ne, %sign3A_696, %sign3A_703 : i32
      %rem3A_705 = arith.remsi %add3A_687, %jit3A_688 : i32
      %ne3A_706 = arith.constant 0 : i32
      %ne3A_707 = arith.cmpi ne, %rem3A_705, %ne3A_706 : i32
      %and3A_708 = arith.andi %ne3A_704, %ne3A_707 : i1
      %sub3A_709 = arith.constant 1 : i32
      %sub3A_710 = arith.subi %div3A_689, %sub3A_709 : i32
      %select_n3A_711 = arith.select %and3A_708, %sub3A_710, %div3A_689 : i32
      %min3A_712 = arith.constant 127 : i32
      %min3A_713 = arith.minsi %select_n3A_711, %min3A_712 : i32
      %dma_start3A_714 = arith.constant 0 : i32
      %dma_start3A_715 = arith.constant 0 : i32
      %dma_start3A_716 = tpu.memref_slice %arg12[%dma_start3A_714, %dma_start3A_715] : memref<128x128xbf16, #tpu.memory_space<vmem>> -> memref<128x128xbf16, #tpu.memory_space<vmem>>
      %dma_start3A_717 = arith.constant 0 : i32
      %dma_start3A_718 = tpu.memref_slice %arg5[%min3A_713, %dma_start3A_717] : memref<128x200xi32, #tpu.memory_space<vmem>> -> memref<1x128xi32, #tpu.memory_space<vmem>>
      %dma_start3A_719 = tpu.memref_squeeze %dma_start3A_718 : memref<1x128xi32, #tpu.memory_space<vmem>> -> memref<128xi32, #tpu.memory_space<vmem>>
      %dma_start3A_720 = arith.constant 0 : i32
      %dma_start3A_721 = arith.constant 0 : i32
      %dma_start3A_722 = tpu.memref_slice %arg3[%dma_start3A_720, %dma_start3A_721] : memref<100000x128xbf16, #tpu.memory_space<hbm>> -> memref<100000x128xbf16, #tpu.memory_space<hbm>>
      tpu.enqueue_indirect_dma source(%dma_start3A_722 : memref<100000x128xbf16, #tpu.memory_space<hbm>>) target(%dma_start3A_716 : memref<128x128xbf16, #tpu.memory_space<vmem>>) offsets(%dma_start3A_719 : memref<128xi32, #tpu.memory_space<vmem>>) semaphore(%arg21 : memref<!tpu.dma_semaphore, #tpu.memory_space<semaphore_mem>>)
      %mul3A_723 = arith.constant 2 : i32
      %mul3A_724 = arith.muli %mul3A_723, %add3A_649 : i32
      %add3A_725 = arith.constant 1 : i32
      %add3A_726 = arith.addi %mul3A_724, %add3A_725 : i32
      %dma_wait3A_727 = arith.constant 0 : i32
      %dma_wait3A_728 = arith.constant 0 : i32
      %dma_wait3A_729 = arith.constant 0 : i32
      %dma_wait3A_730 = tpu.memref_slice %arg13[%dma_wait3A_728, %dma_wait3A_729] : memref<128x128xbf16, #tpu.memory_space<vmem>> -> memref<72x128xbf16, #tpu.memory_space<vmem>>
      %dma_wait3A_731 = arith.constant 128 : i32
      %dma_wait3A_732 = tpu.memref_slice %arg5[%dma_wait3A_727, %dma_wait3A_731] : memref<128x200xi32, #tpu.memory_space<vmem>> -> memref<1x72xi32, #tpu.memory_space<vmem>>
      %dma_wait3A_733 = tpu.memref_squeeze %dma_wait3A_732 : memref<1x72xi32, #tpu.memory_space<vmem>> -> memref<72xi32, #tpu.memory_space<vmem>>
      %dma_wait3A_734 = arith.constant 0 : i32
      %dma_wait3A_735 = arith.constant 0 : i32
      %dma_wait3A_736 = tpu.memref_slice %arg3[%dma_wait3A_734, %dma_wait3A_735] : memref<100000x128xbf16, #tpu.memory_space<hbm>> -> memref<100000x128xbf16, #tpu.memory_space<hbm>>
      tpu.wait_indirect_dma semaphore(%arg22 : memref<!tpu.dma_semaphore, #tpu.memory_space<semaphore_mem>>) src(%dma_wait3A_736 : memref<100000x128xbf16, #tpu.memory_space<hbm>>) dst(%dma_wait3A_730 : memref<72x128xbf16, #tpu.memory_space<vmem>>)
      %scan3A_737 = arith.constant 0 : i32
      %scan3A_738 = arith.constant 36 : i32
      %scan3A_739 = arith.addi %scan3A_737, %scan3A_738 : i32
      %scan3A_740 = arith.constant 1 : i32
      %scan3A_741:8 = scf.for %scan3A_804 = %scan3A_737 to %scan3A_739 step %scan3A_740 iter_args(%scan3A_805 = %scan3A_684#0, %scan3A_806 = %scan3A_684#1, %scan3A_807 = %scan3A_684#2, %scan3A_808 = %scan3A_684#3, %scan3A_809 = %scan3A_684#4, %scan3A_810 = %scan3A_684#5, %scan3A_811 = %scan3A_684#6, %scan3A_812 = %scan3A_684#7) -> (vector<16xf32>, vector<16xf32>, vector<16xf32>, vector<16xf32>, vector<16xf32>, vector<16xf32>, vector<16xf32>, vector<16xf32>)  : i32 {
        %get3A = arith.index_cast %scan3A_804 : i32 to index
        %get3A_813 = arith.constant 0 : index
        %get3A_814 = tpu.vector_load %arg13[%get3A, %get3A_813] {strides = array<i32>} : memref<128x128xbf16, #tpu.memory_space<vmem>>, vector<32xbf16>,
        %add3A_815 = arith.constant 36 : i32
        %add3A_816 = arith.addi %scan3A_804, %add3A_815 : i32
        %get3A_817 = arith.index_cast %add3A_816 : i32 to index
        %get3A_818 = arith.constant 0 : index
        %get3A_819 = tpu.vector_load %arg13[%get3A_817, %get3A_818] {strides = array<i32>} : memref<128x128xbf16, #tpu.memory_space<vmem>>, vector<32xbf16>,
        %add3A_820 = arith.addf %get3A_814, %get3A_819 : vector<32xbf16>
        %unpack3A = tpu.unpack_subelements %add3A_820, 0 {pack_format = #tpu.pack_format<interleaved>} : vector<32xbf16> -> vector<16xf32>
        %unpack3A_821 = tpu.unpack_subelements %add3A_820, 1 {pack_format = #tpu.pack_format<interleaved>} : vector<32xbf16> -> vector<16xf32>
        %add3A_822 = arith.addf %scan3A_805, %unpack3A : vector<16xf32>
        %add3A_823 = arith.addf %scan3A_806, %unpack3A_821 : vector<16xf32>
        %get3A_824 = arith.index_cast %scan3A_804 : i32 to index
        %get3A_825 = arith.constant 32 : index
        %get3A_826 = tpu.vector_load %arg13[%get3A_824, %get3A_825] {strides = array<i32>} : memref<128x128xbf16, #tpu.memory_space<vmem>>, vector<32xbf16>,
        %add3A_827 = arith.constant 36 : i32
        %add3A_828 = arith.addi %scan3A_804, %add3A_827 : i32
        %get3A_829 = arith.index_cast %add3A_828 : i32 to index
        %get3A_830 = arith.constant 32 : index
        %get3A_831 = tpu.vector_load %arg13[%get3A_829, %get3A_830] {strides = array<i32>} : memref<128x128xbf16, #tpu.memory_space<vmem>>, vector<32xbf16>,
        %add3A_832 = arith.addf %get3A_826, %get3A_831 : vector<32xbf16>
        %unpack3A_833 = tpu.unpack_subelements %add3A_832, 0 {pack_format = #tpu.pack_format<interleaved>} : vector<32xbf16> -> vector<16xf32>
        %unpack3A_834 = tpu.unpack_subelements %add3A_832, 1 {pack_format = #tpu.pack_format<interleaved>} : vector<32xbf16> -> vector<16xf32>
        %add3A_835 = arith.addf %scan3A_807, %unpack3A_833 : vector<16xf32>
        %add3A_836 = arith.addf %scan3A_808, %unpack3A_834 : vector<16xf32>
        %get3A_837 = arith.index_cast %scan3A_804 : i32 to index
        %get3A_838 = arith.constant 64 : index
        %get3A_839 = tpu.vector_load %arg13[%get3A_837, %get3A_838] {strides = array<i32>} : memref<128x128xbf16, #tpu.memory_space<vmem>>, vector<32xbf16>,
        %add3A_840 = arith.constant 36 : i32
        %add3A_841 = arith.addi %scan3A_804, %add3A_840 : i32
        %get3A_842 = arith.index_cast %add3A_841 : i32 to index
        %get3A_843 = arith.constant 64 : index
        %get3A_844 = tpu.vector_load %arg13[%get3A_842, %get3A_843] {strides = array<i32>} : memref<128x128xbf16, #tpu.memory_space<vmem>>, vector<32xbf16>,
        %add3A_845 = arith.addf %get3A_839, %get3A_844 : vector<32xbf16>
        %unpack3A_846 = tpu.unpack_subelements %add3A_845, 0 {pack_format = #tpu.pack_format<interleaved>} : vector<32xbf16> -> vector<16xf32>
        %unpack3A_847 = tpu.unpack_subelements %add3A_845, 1 {pack_format = #tpu.pack_format<interleaved>} : vector<32xbf16> -> vector<16xf32>
        %add3A_848 = arith.addf %scan3A_809, %unpack3A_846 : vector<16xf32>
        %add3A_849 = arith.addf %scan3A_810, %unpack3A_847 : vector<16xf32>
        %get3A_850 = arith.index_cast %scan3A_804 : i32 to index
        %get3A_851 = arith.constant 96 : index
        %get3A_852 = tpu.vector_load %arg13[%get3A_850, %get3A_851] {strides = array<i32>} : memref<128x128xbf16, #tpu.memory_space<vmem>>, vector<32xbf16>,
        %add3A_853 = arith.constant 36 : i32
        %add3A_854 = arith.addi %scan3A_804, %add3A_853 : i32
        %get3A_855 = arith.index_cast %add3A_854 : i32 to index
        %get3A_856 = arith.constant 96 : index
        %get3A_857 = tpu.vector_load %arg13[%get3A_855, %get3A_856] {strides = array<i32>} : memref<128x128xbf16, #tpu.memory_space<vmem>>, vector<32xbf16>,
        %add3A_858 = arith.addf %get3A_852, %get3A_857 : vector<32xbf16>
        %unpack3A_859 = tpu.unpack_subelements %add3A_858, 0 {pack_format = #tpu.pack_format<interleaved>} : vector<32xbf16> -> vector<16xf32>
        %unpack3A_860 = tpu.unpack_subelements %add3A_858, 1 {pack_format = #tpu.pack_format<interleaved>} : vector<32xbf16> -> vector<16xf32>
        %add3A_861 = arith.addf %scan3A_811, %unpack3A_859 : vector<16xf32>
        %add3A_862 = arith.addf %scan3A_812, %unpack3A_860 : vector<16xf32>
        scf.yield %add3A_822, %add3A_823, %add3A_835, %add3A_836, %add3A_848, %add3A_849, %add3A_861, %add3A_862 : vector<16xf32>, vector<16xf32>, vector<16xf32>, vector<16xf32>, vector<16xf32>, vector<16xf32>, vector<16xf32>, vector<16xf32>
      }
      %scan3A_742 = arith.constant 36 : i32
      %add3A_743 = arith.constant 8 : i32
      %add3A_744 = arith.addi %add3A_726, %add3A_743 : i32
      %jit3A_745 = arith.constant 2 : i32
      %div3A_746 = arith.divsi %add3A_744, %jit3A_745 : i32
      %sign3A_747 = arith.constant 0 : i32
      %sign3A_748 = arith.cmpi sgt, %add3A_744, %sign3A_747 : i32
      %sign3A_749 = arith.extui %sign3A_748 : i1 to i32
      %sign3A_750 = arith.constant 0 : i32
      %sign3A_751 = arith.cmpi slt, %add3A_744, %sign3A_750 : i32
      %sign3A_752 = arith.extui %sign3A_751 : i1 to i32
      %sign3A_753 = arith.subi %sign3A_749, %sign3A_752 : i32
      %sign3A_754 = arith.constant 0 : i32
      %sign3A_755 = arith.cmpi sgt, %jit3A_745, %sign3A_754 : i32
      %sign3A_756 = arith.extui %sign3A_755 : i1 to i32
      %sign3A_757 = arith.constant 0 : i32
      %sign3A_758 = arith.cmpi slt, %jit3A_745, %sign3A_757 : i32
      %sign3A_759 = arith.extui %sign3A_758 : i1 to i32
      %sign3A_760 = arith.subi %sign3A_756, %sign3A_759 : i32
      %ne3A_761 = arith.cmpi ne, %sign3A_753, %sign3A_760 : i32
      %rem3A_762 = arith.remsi %add3A_744, %jit3A_745 : i32
      %ne3A_763 = arith.constant 0 : i32
      %ne3A_764 = arith.cmpi ne, %rem3A_762, %ne3A_763 : i32
      %and3A_765 = arith.andi %ne3A_761, %ne3A_764 : i1
      %sub3A_766 = arith.constant 1 : i32
      %sub3A_767 = arith.subi %div3A_746, %sub3A_766 : i32
      %select_n3A_768 = arith.select %and3A_765, %sub3A_767, %div3A_746 : i32
      %min3A_769 = arith.constant 127 : i32
      %min3A_770 = arith.minsi %select_n3A_768, %min3A_769 : i32
      %dma_start3A_771 = arith.constant 0 : i32
      %dma_start3A_772 = arith.constant 0 : i32
      %dma_start3A_773 = tpu.memref_slice %arg13[%dma_start3A_771, %dma_start3A_772] : memref<128x128xbf16, #tpu.memory_space<vmem>> -> memref<72x128xbf16, #tpu.memory_space<vmem>>
      %dma_start3A_774 = arith.constant 128 : i32
      %dma_start3A_775 = tpu.memref_slice %arg5[%min3A_770, %dma_start3A_774] : memref<128x200xi32, #tpu.memory_space<vmem>> -> memref<1x72xi32, #tpu.memory_space<vmem>>
      %dma_start3A_776 = tpu.memref_squeeze %dma_start3A_775 : memref<1x72xi32, #tpu.memory_space<vmem>> -> memref<72xi32, #tpu.memory_space<vmem>>
      %dma_start3A_777 = arith.constant 0 : i32
      %dma_start3A_778 = arith.constant 0 : i32
      %dma_start3A_779 = tpu.memref_slice %arg3[%dma_start3A_777, %dma_start3A_778] : memref<100000x128xbf16, #tpu.memory_space<hbm>> -> memref<100000x128xbf16, #tpu.memory_space<hbm>>
      tpu.enqueue_indirect_dma source(%dma_start3A_779 : memref<100000x128xbf16, #tpu.memory_space<hbm>>) target(%dma_start3A_773 : memref<72x128xbf16, #tpu.memory_space<vmem>>) offsets(%dma_start3A_776 : memref<72xi32, #tpu.memory_space<vmem>>) semaphore(%arg22 : memref<!tpu.dma_semaphore, #tpu.memory_space<semaphore_mem>>)
      %swap3A_780 = arith.index_cast %add3A_649 : i32 to index
      %swap3A_781 = arith.constant 0 : index
      %swap3A_782 = tpu.vector_load %arg14[%swap3A_780, %swap3A_781] {strides = array<i32>} : memref<128x128xf32, #tpu.memory_space<vmem>>, vector<16xf32>,
      tpu.vector_store %arg14[%swap3A_780, %swap3A_781], %scan3A_741#0 {strides = array<i32>} : memref<128x128xf32, #tpu.memory_space<vmem>>, vector<16xf32>,
      %swap3A_783 = arith.index_cast %add3A_649 : i32 to index
      %swap3A_784 = arith.constant 16 : index
      %swap3A_785 = tpu.vector_load %arg14[%swap3A_783, %swap3A_784] {strides = array<i32>} : memref<128x128xf32, #tpu.memory_space<vmem>>, vector<16xf32>,
      tpu.vector_store %arg14[%swap3A_783, %swap3A_784], %scan3A_741#1 {strides = array<i32>} : memref<128x128xf32, #tpu.memory_space<vmem>>, vector<16xf32>,
      %swap3A_786 = arith.index_cast %add3A_649 : i32 to index
      %swap3A_787 = arith.constant 32 : index
      %swap3A_788 = tpu.vector_load %arg14[%swap3A_786, %swap3A_787] {strides = array<i32>} : memref<128x128xf32, #tpu.memory_space<vmem>>, vector<16xf32>,
      tpu.vector_store %arg14[%swap3A_786, %swap3A_787], %scan3A_741#2 {strides = array<i32>} : memref<128x128xf32, #tpu.memory_space<vmem>>, vector<16xf32>,
      %swap3A_789 = arith.index_cast %add3A_649 : i32 to index
      %swap3A_790 = arith.constant 48 : index
      %swap3A_791 = tpu.vector_load %arg14[%swap3A_789, %swap3A_790] {strides = array<i32>} : memref<128x128xf32, #tpu.memory_space<vmem>>, vector<16xf32>,
      tpu.vector_store %arg14[%swap3A_789, %swap3A_790], %scan3A_741#3 {strides = array<i32>} : memref<128x128xf32, #tpu.memory_space<vmem>>, vector<16xf32>,
      %swap3A_792 = arith.index_cast %add3A_649 : i32 to index
      %swap3A_793 = arith.constant 64 : index
      %swap3A_794 = tpu.vector_load %arg14[%swap3A_792, %swap3A_793] {strides = array<i32>} : memref<128x128xf32, #tpu.memory_space<vmem>>, vector<16xf32>,
      tpu.vector_store %arg14[%swap3A_792, %swap3A_793], %scan3A_741#4 {strides = array<i32>} : memref<128x128xf32, #tpu.memory_space<vmem>>, vector<16xf32>,
      %swap3A_795 = arith.index_cast %add3A_649 : i32 to index
      %swap3A_796 = arith.constant 80 : index
      %swap3A_797 = tpu.vector_load %arg14[%swap3A_795, %swap3A_796] {strides = array<i32>} : memref<128x128xf32, #tpu.memory_space<vmem>>, vector<16xf32>,
      tpu.vector_store %arg14[%swap3A_795, %swap3A_796], %scan3A_741#5 {strides = array<i32>} : memref<128x128xf32, #tpu.memory_space<vmem>>, vector<16xf32>,
      %swap3A_798 = arith.index_cast %add3A_649 : i32 to index
      %swap3A_799 = arith.constant 96 : index
      %swap3A_800 = tpu.vector_load %arg14[%swap3A_798, %swap3A_799] {strides = array<i32>} : memref<128x128xf32, #tpu.memory_space<vmem>>, vector<16xf32>,
      tpu.vector_store %arg14[%swap3A_798, %swap3A_799], %scan3A_741#6 {strides = array<i32>} : memref<128x128xf32, #tpu.memory_space<vmem>>, vector<16xf32>,
      %swap3A_801 = arith.index_cast %add3A_649 : i32 to index
      %swap3A_802 = arith.constant 112 : index
      %swap3A_803 = tpu.vector_load %arg14[%swap3A_801, %swap3A_802] {strides = array<i32>} : memref<128x128xf32, #tpu.memory_space<vmem>>, vector<16xf32>,
      tpu.vector_store %arg14[%swap3A_801, %swap3A_802], %scan3A_741#7 {strides = array<i32>} : memref<128x128xf32, #tpu.memory_space<vmem>>, vector<16xf32>,
    }
    %scan3A_101 = arith.constant 32 : i32
    %dma_wait3A = arith.constant 0 : i32
    %dma_wait3A_102 = arith.constant 0 : i32
    %dma_wait3A_103 = arith.constant 0 : i32
    %dma_wait3A_104 = tpu.memref_slice %arg6[%dma_wait3A_102, %dma_wait3A_103] : memref<128x128xbf16, #tpu.memory_space<vmem>> -> memref<128x128xbf16, #tpu.memory_space<vmem>>
    %dma_wait3A_105 = arith.constant 0 : i32
    %dma_wait3A_106 = tpu.memref_slice %arg5[%dma_wait3A, %dma_wait3A_105] : memref<128x200xi32, #tpu.memory_space<vmem>> -> memref<1x128xi32, #tpu.memory_space<vmem>>
    %dma_wait3A_107 = tpu.memref_squeeze %dma_wait3A_106 : memref<1x128xi32, #tpu.memory_space<vmem>> -> memref<128xi32, #tpu.memory_space<vmem>>
    %dma_wait3A_108 = arith.constant 0 : i32
    %dma_wait3A_109 = arith.constant 0 : i32
    %dma_wait3A_110 = tpu.memref_slice %arg3[%dma_wait3A_108, %dma_wait3A_109] : memref<100000x128xbf16, #tpu.memory_space<hbm>> -> memref<100000x128xbf16, #tpu.memory_space<hbm>>
    tpu.wait_indirect_dma semaphore(%arg15 : memref<!tpu.dma_semaphore, #tpu.memory_space<semaphore_mem>>) src(%dma_wait3A_110 : memref<100000x128xbf16, #tpu.memory_space<hbm>>) dst(%dma_wait3A_104 : memref<128x128xbf16, #tpu.memory_space<vmem>>)
    %dma_wait3A_111 = arith.constant 0 : i32
    %dma_wait3A_112 = arith.constant 0 : i32
    %dma_wait3A_113 = arith.constant 0 : i32
    %dma_wait3A_114 = tpu.memref_slice %arg7[%dma_wait3A_112, %dma_wait3A_113] : memref<128x128xbf16, #tpu.memory_space<vmem>> -> memref<72x128xbf16, #tpu.memory_space<vmem>>
    %dma_wait3A_115 = arith.constant 128 : i32
    %dma_wait3A_116 = tpu.memref_slice %arg5[%dma_wait3A_111, %dma_wait3A_115] : memref<128x200xi32, #tpu.memory_space<vmem>> -> memref<1x72xi32, #tpu.memory_space<vmem>>
    %dma_wait3A_117 = tpu.memref_squeeze %dma_wait3A_116 : memref<1x72xi32, #tpu.memory_space<vmem>> -> memref<72xi32, #tpu.memory_space<vmem>>
    %dma_wait3A_118 = arith.constant 0 : i32
    %dma_wait3A_119 = arith.constant 0 : i32
    %dma_wait3A_120 = tpu.memref_slice %arg3[%dma_wait3A_118, %dma_wait3A_119] : memref<100000x128xbf16, #tpu.memory_space<hbm>> -> memref<100000x128xbf16, #tpu.memory_space<hbm>>
    tpu.wait_indirect_dma semaphore(%arg16 : memref<!tpu.dma_semaphore, #tpu.memory_space<semaphore_mem>>) src(%dma_wait3A_120 : memref<100000x128xbf16, #tpu.memory_space<hbm>>) dst(%dma_wait3A_114 : memref<72x128xbf16, #tpu.memory_space<vmem>>)
    %dma_wait3A_121 = arith.constant 0 : i32
    %dma_wait3A_122 = arith.constant 0 : i32
    %dma_wait3A_123 = arith.constant 0 : i32
    %dma_wait3A_124 = tpu.memref_slice %arg8[%dma_wait3A_122, %dma_wait3A_123] : memref<128x128xbf16, #tpu.memory_space<vmem>> -> memref<128x128xbf16, #tpu.memory_space<vmem>>
    %dma_wait3A_125 = arith.constant 0 : i32
    %dma_wait3A_126 = tpu.memref_slice %arg5[%dma_wait3A_121, %dma_wait3A_125] : memref<128x200xi32, #tpu.memory_space<vmem>> -> memref<1x128xi32, #tpu.memory_space<vmem>>
    %dma_wait3A_127 = tpu.memref_squeeze %dma_wait3A_126 : memref<1x128xi32, #tpu.memory_space<vmem>> -> memref<128xi32, #tpu.memory_space<vmem>>
    %dma_wait3A_128 = arith.constant 0 : i32
    %dma_wait3A_129 = arith.constant 0 : i32
    %dma_wait3A_130 = tpu.memref_slice %arg3[%dma_wait3A_128, %dma_wait3A_129] : memref<100000x128xbf16, #tpu.memory_space<hbm>> -> memref<100000x128xbf16, #tpu.memory_space<hbm>>
    tpu.wait_indirect_dma semaphore(%arg17 : memref<!tpu.dma_semaphore, #tpu.memory_space<semaphore_mem>>) src(%dma_wait3A_130 : memref<100000x128xbf16, #tpu.memory_space<hbm>>) dst(%dma_wait3A_124 : memref<128x128xbf16, #tpu.memory_space<vmem>>)
    %dma_wait3A_131 = arith.constant 0 : i32
    %dma_wait3A_132 = arith.constant 0 : i32
    %dma_wait3A_133 = arith.constant 0 : i32
    %dma_wait3A_134 = tpu.memref_slice %arg9[%dma_wait3A_132, %dma_wait3A_133] : memref<128x128xbf16, #tpu.memory_space<vmem>> -> memref<72x128xbf16, #tpu.memory_space<vmem>>
    %dma_wait3A_135 = arith.constant 128 : i32
    %dma_wait3A_136 = tpu.memref_slice %arg5[%dma_wait3A_131, %dma_wait3A_135] : memref<128x200xi32, #tpu.memory_space<vmem>> -> memref<1x72xi32, #tpu.memory_space<vmem>>
    %dma_wait3A_137 = tpu.memref_squeeze %dma_wait3A_136 : memref<1x72xi32, #tpu.memory_space<vmem>> -> memref<72xi32, #tpu.memory_space<vmem>>
    %dma_wait3A_138 = arith.constant 0 : i32
    %dma_wait3A_139 = arith.constant 0 : i32
    %dma_wait3A_140 = tpu.memref_slice %arg3[%dma_wait3A_138, %dma_wait3A_139] : memref<100000x128xbf16, #tpu.memory_space<hbm>> -> memref<100000x128xbf16, #tpu.memory_space<hbm>>
    tpu.wait_indirect_dma semaphore(%arg18 : memref<!tpu.dma_semaphore, #tpu.memory_space<semaphore_mem>>) src(%dma_wait3A_140 : memref<100000x128xbf16, #tpu.memory_space<hbm>>) dst(%dma_wait3A_134 : memref<72x128xbf16, #tpu.memory_space<vmem>>)
    %dma_wait3A_141 = arith.constant 0 : i32
    %dma_wait3A_142 = arith.constant 0 : i32
    %dma_wait3A_143 = arith.constant 0 : i32
    %dma_wait3A_144 = tpu.memref_slice %arg10[%dma_wait3A_142, %dma_wait3A_143] : memref<128x128xbf16, #tpu.memory_space<vmem>> -> memref<128x128xbf16, #tpu.memory_space<vmem>>
    %dma_wait3A_145 = arith.constant 0 : i32
    %dma_wait3A_146 = tpu.memref_slice %arg5[%dma_wait3A_141, %dma_wait3A_145] : memref<128x200xi32, #tpu.memory_space<vmem>> -> memref<1x128xi32, #tpu.memory_space<vmem>>
    %dma_wait3A_147 = tpu.memref_squeeze %dma_wait3A_146 : memref<1x128xi32, #tpu.memory_space<vmem>> -> memref<128xi32, #tpu.memory_space<vmem>>
    %dma_wait3A_148 = arith.constant 0 : i32
    %dma_wait3A_149 = arith.constant 0 : i32
    %dma_wait3A_150 = tpu.memref_slice %arg3[%dma_wait3A_148, %dma_wait3A_149] : memref<100000x128xbf16, #tpu.memory_space<hbm>> -> memref<100000x128xbf16, #tpu.memory_space<hbm>>
    tpu.wait_indirect_dma semaphore(%arg19 : memref<!tpu.dma_semaphore, #tpu.memory_space<semaphore_mem>>) src(%dma_wait3A_150 : memref<100000x128xbf16, #tpu.memory_space<hbm>>) dst(%dma_wait3A_144 : memref<128x128xbf16, #tpu.memory_space<vmem>>)
    %dma_wait3A_151 = arith.constant 0 : i32
    %dma_wait3A_152 = arith.constant 0 : i32
    %dma_wait3A_153 = arith.constant 0 : i32
    %dma_wait3A_154 = tpu.memref_slice %arg11[%dma_wait3A_152, %dma_wait3A_153] : memref<128x128xbf16, #tpu.memory_space<vmem>> -> memref<72x128xbf16, #tpu.memory_space<vmem>>
    %dma_wait3A_155 = arith.constant 128 : i32
    %dma_wait3A_156 = tpu.memref_slice %arg5[%dma_wait3A_151, %dma_wait3A_155] : memref<128x200xi32, #tpu.memory_space<vmem>> -> memref<1x72xi32, #tpu.memory_space<vmem>>
    %dma_wait3A_157 = tpu.memref_squeeze %dma_wait3A_156 : memref<1x72xi32, #tpu.memory_space<vmem>> -> memref<72xi32, #tpu.memory_space<vmem>>
    %dma_wait3A_158 = arith.constant 0 : i32
    %dma_wait3A_159 = arith.constant 0 : i32
    %dma_wait3A_160 = tpu.memref_slice %arg3[%dma_wait3A_158, %dma_wait3A_159] : memref<100000x128xbf16, #tpu.memory_space<hbm>> -> memref<100000x128xbf16, #tpu.memory_space<hbm>>
    tpu.wait_indirect_dma semaphore(%arg20 : memref<!tpu.dma_semaphore, #tpu.memory_space<semaphore_mem>>) src(%dma_wait3A_160 : memref<100000x128xbf16, #tpu.memory_space<hbm>>) dst(%dma_wait3A_154 : memref<72x128xbf16, #tpu.memory_space<vmem>>)
    %dma_wait3A_161 = arith.constant 0 : i32
    %dma_wait3A_162 = arith.constant 0 : i32
    %dma_wait3A_163 = arith.constant 0 : i32
    %dma_wait3A_164 = tpu.memref_slice %arg12[%dma_wait3A_162, %dma_wait3A_163] : memref<128x128xbf16, #tpu.memory_space<vmem>> -> memref<128x128xbf16, #tpu.memory_space<vmem>>
    %dma_wait3A_165 = arith.constant 0 : i32
    %dma_wait3A_166 = tpu.memref_slice %arg5[%dma_wait3A_161, %dma_wait3A_165] : memref<128x200xi32, #tpu.memory_space<vmem>> -> memref<1x128xi32, #tpu.memory_space<vmem>>
    %dma_wait3A_167 = tpu.memref_squeeze %dma_wait3A_166 : memref<1x128xi32, #tpu.memory_space<vmem>> -> memref<128xi32, #tpu.memory_space<vmem>>
    %dma_wait3A_168 = arith.constant 0 : i32
    %dma_wait3A_169 = arith.constant 0 : i32
    %dma_wait3A_170 = tpu.memref_slice %arg3[%dma_wait3A_168, %dma_wait3A_169] : memref<100000x128xbf16, #tpu.memory_space<hbm>> -> memref<100000x128xbf16, #tpu.memory_space<hbm>>
    tpu.wait_indirect_dma semaphore(%arg21 : memref<!tpu.dma_semaphore, #tpu.memory_space<semaphore_mem>>) src(%dma_wait3A_170 : memref<100000x128xbf16, #tpu.memory_space<hbm>>) dst(%dma_wait3A_164 : memref<128x128xbf16, #tpu.memory_space<vmem>>)
    %dma_wait3A_171 = arith.constant 0 : i32
    %dma_wait3A_172 = arith.constant 0 : i32
    %dma_wait3A_173 = arith.constant 0 : i32
    %dma_wait3A_174 = tpu.memref_slice %arg13[%dma_wait3A_172, %dma_wait3A_173] : memref<128x128xbf16, #tpu.memory_space<vmem>> -> memref<72x128xbf16, #tpu.memory_space<vmem>>
    %dma_wait3A_175 = arith.constant 128 : i32
    %dma_wait3A_176 = tpu.memref_slice %arg5[%dma_wait3A_171, %dma_wait3A_175] : memref<128x200xi32, #tpu.memory_space<vmem>> -> memref<1x72xi32, #tpu.memory_space<vmem>>
    %dma_wait3A_177 = tpu.memref_squeeze %dma_wait3A_176 : memref<1x72xi32, #tpu.memory_space<vmem>> -> memref<72xi32, #tpu.memory_space<vmem>>
    %dma_wait3A_178 = arith.constant 0 : i32
    %dma_wait3A_179 = arith.constant 0 : i32
    %dma_wait3A_180 = tpu.memref_slice %arg3[%dma_wait3A_178, %dma_wait3A_179] : memref<100000x128xbf16, #tpu.memory_space<hbm>> -> memref<100000x128xbf16, #tpu.memory_space<hbm>>
    tpu.wait_indirect_dma semaphore(%arg22 : memref<!tpu.dma_semaphore, #tpu.memory_space<semaphore_mem>>) src(%dma_wait3A_180 : memref<100000x128xbf16, #tpu.memory_space<hbm>>) dst(%dma_wait3A_174 : memref<72x128xbf16, #tpu.memory_space<vmem>>)
    "tpu.region"() ({
      %run_scoped3A = tpu.sem_alloc : memref<!tpu.dma_semaphore, #tpu.memory_space<semaphore_mem>>
      %dma_start3A_181 = arith.constant 0 : i32
      %dma_start3A_182 = tpu.memref_slice %arg4[%mul3A_2, %dma_start3A_181] : memref<4096x128xf32, #tpu.memory_space<hbm>> -> memref<128x128xf32, #tpu.memory_space<hbm>>
      %dma_start3A_183 = arith.constant 0 : i32
      %dma_start3A_184 = tpu.memref_slice %arg4[%mul3A_2, %dma_start3A_183] : memref<4096x128xf32, #tpu.memory_space<hbm>> -> memref<128x128xf32, #tpu.memory_space<hbm>>
      tpu.enqueue_dma source(%arg14 : memref<128x128xf32, #tpu.memory_space<vmem>>) target(%dma_start3A_184 : memref<128x128xf32, #tpu.memory_space<hbm>>) target_semaphore(%run_scoped3A : memref<!tpu.dma_semaphore, #tpu.memory_space<semaphore_mem>>)
      %dma_wait3A_185 = arith.constant 0 : i32
      %dma_wait3A_186 = tpu.memref_slice %arg4[%mul3A_2, %dma_wait3A_185] : memref<4096x128xf32, #tpu.memory_space<hbm>> -> memref<128x128xf32, #tpu.memory_space<hbm>>
      %dma_wait3A_187 = arith.constant 0 : i32
      %dma_wait3A_188 = tpu.memref_slice %arg4[%mul3A_2, %dma_wait3A_187] : memref<4096x128xf32, #tpu.memory_space<hbm>> -> memref<128x128xf32, #tpu.memory_space<hbm>>
      tpu.wait_dma2 semaphore(%run_scoped3A : memref<!tpu.dma_semaphore, #tpu.memory_space<semaphore_mem>>) src(%arg14 : memref<128x128xf32, #tpu.memory_space<vmem>>) dst(%dma_wait3A_188 : memref<128x128xf32, #tpu.memory_space<hbm>>)
      tpu.yield
    }) : () -> ()
    return
  }
}

</mosaic_0001>

<sc_bundles>
// kernel: kernel.4.cloned.1.call-start
scs
__scs_entry_jumppad:
0x0: {  	(pc) =	sbr.rel $0x88, $3  }
0x1: {  	(tag) =	ssettag $0x0;
	lr =	simm.s32 $0x1  }
0x2: {  	[smem:$0x3F9F] =	sst lr;
	_ =	strace $0xD0000000  }
0x3: {  	_ = 	snop  }
0x4: {  	_ = 	snop  }
0x5: {  	_ = 	snop  }
0x6: {  	_ = 	snop  }
0x7: {  	_ = 	snop  }
__scs_overlays_trampoline_lowered:
0x8: {  	[smem:$0x3FAE] =	sst s0  }
0x9: {  	[smem:$0x3FAF] =	sst s1  }
0xa: {  	[smem:$0x3FB0] =	sst s2  }
0xb: {  	[smem:$0x3FB1] =	sst s3  }
0xc: {  	[smem:$0x3FB2] =	sst s4  }
0xd: {  	[smem:$0x3FB3] =	sst s5  }
0xe: {  	[smem:$0x3FB4] =	sst s6  }
0xf: {  	[smem:$0x3FB5] =	sst s7  }
0x10: {  	[smem:$0x3FB6] =	sst s8  }
0x11: {  	[smem:$0x3FB7] =	sst s9;
	s0 =	simm.s32 @!p0 $0x0  }
0x12: {  	s1 =	sld [smem:$0x3F9D];
	s0 =	simm.s32 @p0 $0x1  }
0x13: {  	[smem:$0x3FB8] =	sst s0;
	s0 =	simm.s32 @!p1 $0x0  }
0x14: {  	s2 =	sld [smem:$0x3F9C];
	s0 =	simm.s32 @p1 $0x1  }
0x15: {  	[smem:$0x3FB9] =	sst s0;
	s0 =	simm.s32 @!p2 $0x0  }
0x16: {  	s3 =	sld [smem:$0x3FDB];
	s0 =	simm.s32 @p2 $0x1  }
0x17: {  	s4 =	simm.s32 $0x1BF5;
	[smem:$0x3FBB] =	sst s0  }
0x18: {  	s0 =	sld [smem:$0x3F9E];
	_ =	swait.ge [sflag:s4], $0x0  }
0x19: {  	s7 =	sld [smem:$0x3F9F]  }
0x1a: {  	s8 =	sadd.s32 $0xFFFFE003, lr  }
0x1b: {  	s9 =	sadd.s32 $0xFFFFFEF7, lr;
	s5 =	simm.s32 $0xFFFFFFFF;
	p2 =	slt.u32 s8, $0xFFFFF086  }
0x1c: {  	p1 =	slt.u32 s9, $0xF7A;
	s5 =	simm.s32 @!p2 $0x0  }
0x1d: {  	s5 =	simm.s32 @p1 $0x1;
	p0 =	seq.s32 s7, s2  }
0x1e: {  	s7 =	smul.u32 @!p0 $0xF7A, s2;
	p2 =	seq.s32 @!p0 s5, $0x0  }
0x1f: {  	s9 =	smul.u32 $0xF7A, s1;
	s8 =	simm.s32 @!p0 $0x1BF5;
	p2 =	por !p2, p0  }
0x20: {  	[sflag:s8] =	ssyncset.s32 @!p0 $0xFFFFF086;
	s6 =	sadd.s32 @!p0 s3, s7;
	s7 =	simm.s32 @!p0 $0x108  }
0x21: {  	s3 =	sadd.s32 s3, s9;
	s6 =	sadd.s32 @!p0 $0x88, s6;
	s7 =	simm.s32 @p2 $0x1082  }
0x22: {  	[simem:s7], [sflag:s8] =	dma.local @!p0 [hbm:s6], $0xF7A  }
0x23: {  	s9 =	sor.u32 $0xD0000000, s2;
	s6 =	simm.s32 $0x108;
	_ =	swait.ge @!p0 [sflag:s8], $0x0  }
0x24: {  	s3 =	sadd.s32 $0x88, s3;
	s6 =	simm.s32 @!p1 $0x1082;
	[sflag:s4] =	ssyncset.s32 $0xFFFFF086  }
0x25: {  	[simem:s6], [sflag:s4] =	dma.local [hbm:s3], $0xF7A  }
0x26: {  	[smem:$0x3F9F] =	sst s1;
	(tag) =	ssettag s2;
	_ =	strace s9  }
0x27: {  	s1 =	sld [smem:$0x3FAF]  }
0x28: {  	s2 =	sld [smem:$0x3FB0]  }
0x29: {  	s4 =	sld [smem:$0x3FB2]  }
0x2a: {  	p0 =	seq.s32 s5, $0x0;
	s5 =	sld [smem:$0x3FB3]  }
0x2b: {  	s6 =	sld [smem:$0x3FB4]  }
0x2c: {  	s7 =	sld [smem:$0x3FB5]  }
0x2d: {  	s3 =	simm.s32 $0x108;
	s8 =	sld [smem:$0x3FB6]  }
0x2e: {  	s3 =	simm.s32 @!p0 $0x1082;
	s9 =	sld [smem:$0x3FB7]  }
0x2f: {  	lr =	sadd.s32 s0, s3;
	s0 =	sld [smem:$0x3FAE]  }
0x30: {  	s3 =	sld [smem:$0x3FB1]  }
0x31: {  	[smem:$0x3FBA] =	sst s10  }
0x32: {  	s10 =	sld [smem:$0x3FB8];
	_ =	sdelay $0x3  }
0x33: {  	p0 =	seq.s32 s10, $0x1;
	s10 =	sld [smem:$0x3FBA];
	_ =	sdelay $0x3  }
0x34: {  	[smem:$0x3FBA] =	sst s10  }
0x35: {  	s10 =	sld [smem:$0x3FB9];
	_ =	sdelay $0x3  }
0x36: {  	p1 =	seq.s32 s10, $0x1;
	s10 =	sld [smem:$0x3FBA];
	_ =	sdelay $0x3  }
0x37: {  	[smem:$0x3FBA] =	sst s10  }
0x38: {  	s10 =	sld [smem:$0x3FBB]  }
0x39: {  	_ = 	snop;
	(pc) =	sbr.ind lr, $3  }
0x3a: {  	_ = 	snop  }
0x3b: {  	_ = 	snop  }
0x3c: {  	p2 =	seq.s32 s10, $0x1;
	s10 =	sld [smem:$0x3FBA]  }
0x3d: {  	_ =	shalt  }
0x3e: {  	_ =	shalt  }
0x3f: {  	_ =	shalt  }
0x40: {  	_ =	shalt  }
0x41: {  	_ =	shalt  }
0x42: {  	_ =	shalt  }
0x43: {  	_ =	shalt  }
0x44: {  	_ =	shalt  }
0x45: {  	_ =	shalt  }
0x46: {  	_ =	shalt  }
0x47: {  	_ =	shalt  }
0x48: {  	_ =	shalt  }
0x49: {  	_ =	shalt  }
0x4a: {  	_ =	shalt  }
0x4b: {  	_ =	shalt  }
0x4c: {  	_ =	shalt  }
0x4d: {  	_ =	shalt  }
0x4e: {  	_ =	shalt  }
0x4f: {  	_ =	shalt  }
0x50: {  	_ =	shalt  }
0x51: {  	_ =	shalt  }
0x52: {  	_ =	shalt  }
0x53: {  	_ =	shalt  }
0x54: {  	_ =	shalt  }
0x55: {  	_ =	shalt  }
0x56: {  	_ =	shalt  }
0x57: {  	_ =	shalt  }
0x58: {  	_ =	shalt  }
0x59: {  	_ =	shalt  }
0x5a: {  	_ =	shalt  }
0x5b: {  	_ =	shalt  }
0x5c: {  	_ =	shalt  }
0x5d: {  	_ =	shalt  }
0x5e: {  	_ =	shalt  }
0x5f: {  	_ =	shalt  }
0x60: {  	_ =	shalt  }
0x61: {  	_ =	shalt  }
0x62: {  	_ =	shalt  }
0x63: {  	_ =	shalt  }
0x64: {  	_ =	shalt  }
0x65: {  	_ =	shalt  }
0x66: {  	_ =	shalt  }
0x67: {  	_ =	shalt  }
0x68: {  	_ =	shalt  }
0x69: {  	_ =	shalt  }
0x6a: {  	_ =	shalt  }
0x6b: {  	_ =	shalt  }
0x6c: {  	_ =	shalt  }
0x6d: {  	_ =	shalt  }
0x6e: {  	_ =	shalt  }
0x6f: {  	_ =	shalt  }
0x70: {  	_ =	shalt  }
0x71: {  	_ =	shalt  }
0x72: {  	_ =	shalt  }
0x73: {  	_ =	shalt  }
0x74: {  	_ =	shalt  }
0x75: {  	_ =	shalt  }
0x76: {  	_ =	shalt  }
0x77: {  	_ =	shalt  }
0x78: {  	_ =	shalt  }
0x79: {  	_ =	shalt  }
0x7a: {  	_ =	shalt  }
0x7b: {  	_ =	shalt  }
0x7c: {  	_ =	shalt  }
0x7d: {  	_ =	shalt  }
0x7e: {  	_ =	shalt  }
0x7f: {  	_ =	shalt  }
0x80: {  	_ =	shalt  }
0x81: {  	_ =	shalt  }
0x82: {  	_ =	shalt  }
0x83: {  	_ =	shalt  }
0x84: {  	_ =	shalt  }
0x85: {  	_ =	shalt  }
0x86: {  	_ =	shalt  }
0x87: {  	_ =	shalt  }
.Lfunc_end0:
.L_simem_size_0:
called_computation_lowered:
.L_overlay_start_0:
0x88: {  	s2 =	sld [smem:$0x3FD9]  }
0x89: {  	s3 =	sld [smem:$0x3FFE];
	_ =	sdelay $0x1  }
0x8a: {  	s1 =	srdreg.scid  }
0x8b: {  	s0 =	sand.u32 $0x1, s1  }
0x8c: {  	s17 =	sshll.u32 s0, $0xA;
	s2 =	sadd.s32 s3, s2  }
0x8d: {  	s2 =	sadd.s32 s2, s17  }
0x8e: {  	[smem:$0x3FC6] =	sst s2  }
0x8f: {  	_ = 	snop  }
0x90: {  	s2 =	sld [smem:$0x3FC8];
	(tm) =	ssettm $0x1  }
0x91: {  	s18 =	sld [smem:$0x3FFB];
	_ =	sdelay $0x3  }
0x92: {  	_ =	strace s18  }
0x93: {  	s3 =	sld [smem:$0x3FFC];
	_ =	sdelay $0x3  }
0x94: {  	_ =	strace s3  }
0x95: {  	s3 =	sld [smem:$0x3FFD];
	_ =	sdelay $0x3  }
0x96: {  	_ =	strace s3  }
0x97: {  	_ =	strace $0x8FFFFFFF  }
0x98: {  	s19 =	sld [smem:$0x3FDB];
	_ =	sdelay $0x1  }
0x99: {  	s4 =	simm.s32 $_scs_section_size  }
0x9a: {  	s5 =	simm.s32 $_size__tile_overlayer_lowered;
	s6 =	simm.s32 $_tile_overlayer_lowered  }
0x9b: {  	s22 =	simm.s32 $0x1BFF;
	s21 =	sshll.u32 s6, $0x1;
	s3 =	sadd.s32 s4, s19  }
0x9c: {  	s7 =	simm.s32 $0x0;
	s20 =	sshll.u32 s5, $0x1;
	s5 =	sadd.s32 s21, s3  }
0x9d: {  	[timem:s7], [sflag:s22] =	dma.local [hbm:s5], s20  }
0x9e: {  	_ =	swait.ge [sflag:s22], s20  }
0x9f: {  	s4 =	ssub.s32 $0x0, s20;
	[sflag:s22] =	ssyncset.done $0x0  }
0xa0: {  	[sflag:s22] =	ssyncadd.s32 s4;
	_ =	sdelay $0x1  }
0xa1: {  	s23 =	simm.s32 $0x1B8B  }
0xa2: {  	_ =	swait.ge [sflag:s23], $0x1  }
0xa3: {  	[sflag:s23] =	ssyncset.done $0x0  }
0xa4: {  	s25 =	simm.s32 $0x1B8E;
	s24 =	sld [smem:$0x3FFE];
	[sflag:s23] =	ssyncadd.s32 $0xFFFFFFFF  }
0xa5: {  	s26 =	simm.s32 $execute0_lowered;
	[smem:$0x3FD2] =	sst s25  }
0xa6: {  	s5 =	sshll.u32 s26, $0x1;
	_ =	strace $0x80000046;
	[dreg:$0x1] =	wrdreg $0xFFFFFFFF  }
0xa7: {  	s28 =	simm.s32 $_size_execute0_lowered;
	s3 =	sadd.s32 s3, s5;
	[dreg:$0x0] =	wrdreg $0x0  }
0xa8: {  	s5 =	sshll.u32 s28, $0x1;
	[dreg:$0x2] =	wrdreg s3  }
0xa9: {  	[dreg:$0x3] =	wrdreg s5  }
0xaa: {  	[dreg:$0x4] =	wrdreg $0xC0  }
0xab: {  	_ =	task [dreg:s7], $0x5FFFF  }
0xac: {  	[dreg:$0x1] =	wrdreg $0xFFFFFFFF  }
0xad: {  	[dreg:$0x0] =	wrdreg $0x60  }
0xae: {  	[dreg:$0x2] =	wrdreg s2  }
0xaf: {  	[dreg:$0x3] =	wrdreg s24  }
0xb0: {  	[dreg:$0x4] =	wrdreg $0x9  }
0xb1: {  	_ =	task.clear_ibuf [dreg:s7], $0x5FFFF;
	_ =	strace $0x90000046  }
0xb2: {  	s29 =	simm.s32 $0x9;
	_ =	strace $0x80000048  }
0xb3: {  	_ =	swait.ge [sflag:s29], $0x1  }
0xb4: {  	[sflag:s29] =	ssyncadd.s32 $0xFFFFFFFF  }
0xb5: {  	_ =	strace $0x90000048  }
0xb6: {  	_ =	sfence  }
0xb7: {  	s30 =	sld [smem:$0x0];
	_ =	sdelay $0x2  }
0xb8: {  	s31 =	sshll.u32 s1, $0xD;
	s1 =	sshrl.u32 s1, $0x2  }
0xb9: {  	s3 =	sand.u32 $0x4000, s31;
	s1 =	sadd.s32 s1, s30  }
0xba: {  	s0 =	sor.u32 s3, s0;
	s1 =	sshll.u32 s1, $0x11  }
0xbb: {  	s0 =	sor.u32 s1, s0  }
0xbc: {  	s0 =	sadd.s32 $0x8F2B, s0  }
0xbd: {  	[sflag:s0] =	ssyncadd.remote.s32 $0x1  }
0xbe: {  	_ =	sfence.sel $0xFFFF  }
0xbf: {  	[dreg:$0x0] =	wrdreg $0xFFFFFFFF;
	(pc) =	sbr.abs _section_cstart, $3  }
0xc0: {  	[dreg:$0x1] =	wrdreg $0xFFFFFFFF  }
0xc1: {  	_ =	task.clear_ibuf [dreg:s7], $0x2FFFF;
	_ =	strace $0x9FFFFFFF  }
0xc2: {  	(tm) =	ssettm $0x7FFFFFFF  }
0xc3: {  	_ =	shalt  }
tec
execute0_lowered:
.L_overlay_start_1:
0x0: {  	(tag) =	ssettag $0x1  }
0x1: {  	s2 =	rddreg [dreg:$0x0]  }
0x2: {  	s4 =	rddreg [dreg:$0x1]  }
0x3: {  	s0 =	rddreg [dreg:$0x2];
	s5 =	srdreg.scid  }
0x4: {  	s1 =	stileid.u32;
	s3 =	simm.s32 $0x0;
	s13 =	simm.s32 $0x3E80  }
0x5: {  	s14 =	simm.s32 $0x1;
	s15 =	simm.s32 $0x7D00;
	s16 =	simm.s32 $0x2  }
0x6: {  	s17 =	simm.s32 $0x9C40;
	s5 =	sand.u32 $0x1, s5;
	s6 =	sshll.u32 s1, $0x1  }
0x7: {  	s18 =	simm.s32 $0x3;
	s19 =	simm.s32 $0x4;
	s6 =	sor.u32 s5, s6  }
0x8: {  	s20 =	simm.s32 $0x0;
	s5 =	ssub.s32 $0x2, s5;
	s7 =	smul.u32 $0x61A80, s6  }
0x9: {  	[smem:$0x7FF] =	sst s3;
	s8 =	sshrl.u32 s5, $0x1;
	s9 =	smul.u32 $0xC350, s6  }
0xa: {  	s4 =	sadd.s32 $0xA00, s4;
	_ =	strace $0x80000047;
	s12 =	ssub.s32 s5, s8  }
0xb: {  	s5 =	smul.u32 $0xC35, s6;
	s30 =	sshrl.u32 s7, $0x3;
	s6 =	sadd.s32 s2, s9  }
0xc: {  	s31 =	sshrl.u32 s7, $0x4;
	s12 =	smax.u32 s12, $0x1;
	s8 =	sadd.s32 s2, s30  }
0xd: {  	s11 =	sadd.s32 s4, s31;
	s9 =	sadd.s32 $0x7D, s5;
	s10 =	sadd.s32 $0x177, s5  }
0xe: {  	s7 =	sadd.s32 $0x7D0, s8;
	s8 =	sadd.s32 $0xFA, s5;
	s11 =	sadd.s32 $0x5DC0, s11  }
.LBB2_1:
0xf: {  	[tilespmem:s3], [sflag:$0x1] =	stream.linear.gather [hbm4b:s6+s3], $0x3E80, $0x38;
	[tilespmem:$0xBB80] =	vst v63  }
0x10: {  	s21 =	simm.s32 $0x0  }
0x11: {  	[tilespmem:s13], [sflag:$0x2] =	stream.linear.gather [hbm4b:s7+s3], $0x3E80, $0x38;
	[tilespmem:$0xBB80] =	vst v63  }
.LBB2_2:
0x12: {  	_ =	swait.ge [sflag:s14], $0x3E80  }
0x13: {  	p0 =	seq.s32 s21, $0x0;
	[sflag:s14] =	ssyncset.done $0x0  }
0x14: {  	s22 =	simm.s32 @!p0 $0x3;
	[sflag:s14] =	ssyncadd.s32 $0xFFFFC180  }
0x15: {  	_ =	swait.ge @!p0 [sflag:s22], $0x1F40  }
0x16: {  	[sflag:s22] =	ssyncset.done @!p0 $0x0  }
0x17: {  	s23 =	simm.s32 $0x40;
	[sflag:s22] =	ssyncadd.s32 @!p0 $0xFFFFE0C0  }
0x18: {  	v0 =	vld [tilespmem:s23+$0xFFFFFFC0]  }
0x19: {  	v1 =	vld [tilespmem:s23+$0xFFFFFFD0];
	_ =	sdelay $0x4  }
0x1a: {  	s24 =	simm.s32 $0x30;
	v0 =	vpack.i.f32.bf16 v1, v0  }
0x1b: {  	[tilespmem:s24+$0x7CD0] =	vst v0  }
0x1c: {  	v0 =	vld [tilespmem:s23+$0xFFFFFFE0]  }
0x1d: {  	v1 =	vld [tilespmem:s23+$0xFFFFFFF0];
	_ =	sdelay $0x4  }
0x1e: {  	v0 =	vpack.i.f32.bf16 v1, v0  }
0x1f: {  	[tilespmem:s24+$0x7CE0] =	vst v0  }
0x20: {  	v0 =	vld [tilespmem:s23+$0x0]  }
0x21: {  	v1 =	vld [tilespmem:s23+$0x10];
	_ =	sdelay $0x4  }
0x22: {  	v0 =	vpack.i.f32.bf16 v1, v0  }
0x23: {  	[tilespmem:s24+$0x7CF0] =	vst v0  }
0x24: {  	v0 =	vld [tilespmem:s23+$0x20]  }
0x25: {  	s25 =	simm.s32 $0x1C0;
	s22 =	sshll.u32 s21, $0x1;
	v1 =	vld [tilespmem:s23+$0x30]  }
.LBB2_3:
0x26: {  	_ = 	snop  }
0x27: {  	p1 =	sne.s32 s25, $0x7CC0  }
0x28: {  	s23 =	sadd.s32 $0x80, s23;
	s26 =	smov.u32 s25;
	s25 =	sadd.s32 $0x100, s25  }
0x29: {  	_ = 	snop  }
0x2a: {  	v0 =	vpack.i.f32.bf16 v1, v0  }
0x2b: {  	[tilespmem:s24+$0x7D00] =	vst v0  }
0x2c: {  	v0 =	vld [tilespmem:s23+$0xFFFFFFC0]  }
0x2d: {  	v1 =	vld [tilespmem:s23+$0xFFFFFFD0];
	_ =	sdelay $0x4  }
0x2e: {  	s24 =	sshra.s32 s26, $0x2;
	v0 =	vpack.i.f32.bf16 v1, v0  }
0x2f: {  	[tilespmem:s24+$0x7CD0] =	vst v0  }
0x30: {  	v0 =	vld [tilespmem:s23+$0xFFFFFFE0]  }
0x31: {  	v1 =	vld [tilespmem:s23+$0xFFFFFFF0];
	_ =	sdelay $0x4  }
0x32: {  	v0 =	vpack.i.f32.bf16 v1, v0  }
0x33: {  	[tilespmem:s24+$0x7CE0] =	vst v0  }
0x34: {  	v0 =	vld [tilespmem:s23+$0x0]  }
0x35: {  	v1 =	vld [tilespmem:s23+$0x10];
	_ =	sdelay $0x3  }
.Ltmp0:
0x36: {  	(pc) =	sbr.rel @p1 .LBB2_3-.Ltmp0, $4  }
0x37: {  	v0 =	vpack.i.f32.bf16 v1, v0  }
0x38: {  	[tilespmem:s24+$0x7CF0] =	vst v0  }
0x39: {  	v0 =	vld [tilespmem:s23+$0x20]  }
0x3a: {  	v1 =	vld [tilespmem:s23+$0x30]  }
0x3b: {  	_ = 	snop  }
0x3c: {  	s23 =	smul.u32 $0xFA, s21;
	_ =	sdelay $0x1  }
0x3d: {  	s25 =	sadd.s32 s5, s23  }
0x3e: {  	s31 =	sadd.s32 s23, s8;
	s25 =	sshll.u32 s25, $0x3;
	v0 =	vpack.i.f32.bf16 v1, v0  }
0x3f: {  	s30 =	sadd.s32 s4, s25;
	[tilespmem:s24+$0x7D00] =	vst v0;
	s24 =	sshll.u32 s31, $0x4  }
0x40: {  	[hbm4b:s30+s3] =	stream.linear.scatter [tilespmem:s15], [sflag:$0x3], $0x1F40, $0x38;
	[tilespmem:$0xBB80] =	vst v63  }
0x41: {  	s24 =	sand.u32 $0x1FFFFFF0, s24  }
0x42: {  	s24 =	sadd.s32 s2, s24  }
0x43: {  	[tilespmem:s3], [sflag:$0x1] =	stream.linear.gather [hbm4b:s24+s3], $0x3E80, $0x38;
	[tilespmem:$0xBB80] =	vst v63  }
0x44: {  	_ =	swait.ge [sflag:s16], $0x3E80  }
0x45: {  	[sflag:s16] =	ssyncset.done $0x0  }
0x46: {  	s24 =	simm.s32 @!p0 $0x4;
	[sflag:s16] =	ssyncadd.s32 $0xFFFFC180  }
0x47: {  	_ =	swait.ge @!p0 [sflag:s24], $0x1F40  }
0x48: {  	[sflag:s24] =	ssyncset.done @!p0 $0x0  }
0x49: {  	[sflag:s24] =	ssyncadd.s32 @!p0 $0xFFFFE0C0;
	s24 =	simm.s32 $0x3EC0  }
0x4a: {  	v0 =	vld [tilespmem:s24+$0xFFFFFFC0]  }
0x4b: {  	v1 =	vld [tilespmem:s24+$0xFFFFFFD0];
	_ =	sdelay $0x4  }
0x4c: {  	s25 =	simm.s32 $0x30;
	v0 =	vpack.i.f32.bf16 v1, v0  }
0x4d: {  	[tilespmem:s25+$0x9C10] =	vst v0  }
0x4e: {  	v0 =	vld [tilespmem:s24+$0xFFFFFFE0]  }
0x4f: {  	v1 =	vld [tilespmem:s24+$0xFFFFFFF0];
	_ =	sdelay $0x4  }
0x50: {  	v0 =	vpack.i.f32.bf16 v1, v0  }
0x51: {  	[tilespmem:s25+$0x9C20] =	vst v0  }
0x52: {  	v0 =	vld [tilespmem:s24+$0x0]  }
0x53: {  	v1 =	vld [tilespmem:s24+$0x10];
	_ =	sdelay $0x4  }
0x54: {  	v0 =	vpack.i.f32.bf16 v1, v0  }
0x55: {  	[tilespmem:s25+$0x9C30] =	vst v0  }
0x56: {  	v0 =	vld [tilespmem:s24+$0x20]  }
0x57: {  	s26 =	simm.s32 $0x1C0;
	v1 =	vld [tilespmem:s24+$0x30]  }
.LBB2_5:
0x58: {  	_ = 	snop  }
0x59: {  	p0 =	sne.s32 s26, $0x7CC0  }
0x5a: {  	s24 =	sadd.s32 $0x80, s24;
	s28 =	smov.u32 s26;
	s26 =	sadd.s32 $0x100, s26  }
0x5b: {  	_ = 	snop  }
0x5c: {  	v0 =	vpack.i.f32.bf16 v1, v0  }
0x5d: {  	[tilespmem:s25+$0x9C40] =	vst v0  }
0x5e: {  	v0 =	vld [tilespmem:s24+$0xFFFFFFC0]  }
0x5f: {  	v1 =	vld [tilespmem:s24+$0xFFFFFFD0];
	_ =	sdelay $0x4  }
0x60: {  	s25 =	sshra.s32 s28, $0x2;
	v0 =	vpack.i.f32.bf16 v1, v0  }
0x61: {  	[tilespmem:s25+$0x9C10] =	vst v0  }
0x62: {  	v0 =	vld [tilespmem:s24+$0xFFFFFFE0]  }
0x63: {  	v1 =	vld [tilespmem:s24+$0xFFFFFFF0];
	_ =	sdelay $0x4  }
0x64: {  	v0 =	vpack.i.f32.bf16 v1, v0  }
0x65: {  	[tilespmem:s25+$0x9C20] =	vst v0  }
0x66: {  	v0 =	vld [tilespmem:s24+$0x0]  }
0x67: {  	v1 =	vld [tilespmem:s24+$0x10];
	_ =	sdelay $0x3  }
.Ltmp1:
0x68: {  	(pc) =	sbr.rel @p0 .LBB2_5-.Ltmp1, $4  }
0x69: {  	v0 =	vpack.i.f32.bf16 v1, v0  }
0x6a: {  	[tilespmem:s25+$0x9C30] =	vst v0  }
0x6b: {  	v0 =	vld [tilespmem:s24+$0x20]  }
0x6c: {  	v1 =	vld [tilespmem:s24+$0x30]  }
0x6d: {  	_ = 	snop  }
0x6e: {  	s22 =	smin.u32 s22, $0x15  }
0x6f: {  	s23 =	sadd.s32 s23, s9;
	s21 =	sadd.s32 $0x1, s21;
	s22 =	smul.u32 $0x7D, s22  }
0x70: {  	s23 =	sshll.u32 s23, $0x3;
	p0 =	sne.s32 s21, $0xC  }
.Ltmp2:
0x71: {  	s23 =	sand.u32 $0xFFFFFF8, s23;
	s22 =	sadd.s32 s22, s10;
	v0 =	vpack.i.f32.bf16 v1, v0;
	(pc) =	sbr.rel @p0 .LBB2_2-.Ltmp2, $4  }
0x72: {  	s23 =	sadd.s32 s4, s23;
	s22 =	sshll.u32 s22, $0x4;
	[tilespmem:s25+$0x9C40] =	vst v0  }
0x73: {  	[hbm4b:s23+s3] =	stream.linear.scatter [tilespmem:s17], [sflag:$0x4], $0x1F40, $0x38;
	[tilespmem:$0xBB80] =	vst v63  }
0x74: {  	s22 =	sadd.s32 s2, s22  }
0x75: {  	[tilespmem:s13], [sflag:$0x2] =	stream.linear.gather [hbm4b:s22+s3], $0x3E80, $0x38;
	[tilespmem:$0xBB80] =	vst v63  }
0x76: {  	_ =	swait.ge [sflag:s14], $0x3E80  }
0x77: {  	[sflag:s14] =	ssyncset.done $0x0  }
0x78: {  	[sflag:s14] =	ssyncadd.s32 $0xFFFFC180  }
0x79: {  	_ =	swait.ge [sflag:s18], $0x1F40  }
0x7a: {  	[sflag:s18] =	ssyncset.done $0x0  }
0x7b: {  	s21 =	simm.s32 $0x40;
	[sflag:s18] =	ssyncadd.s32 $0xFFFFE0C0  }
0x7c: {  	v0 =	vld [tilespmem:s21+$0xFFFFFFC0]  }
0x7d: {  	v1 =	vld [tilespmem:s21+$0xFFFFFFD0];
	_ =	sdelay $0x4  }
0x7e: {  	s22 =	simm.s32 $0x30;
	v0 =	vpack.i.f32.bf16 v1, v0  }
0x7f: {  	[tilespmem:s22+$0x7CD0] =	vst v0  }
0x80: {  	v0 =	vld [tilespmem:s21+$0xFFFFFFE0]  }
0x81: {  	v1 =	vld [tilespmem:s21+$0xFFFFFFF0];
	_ =	sdelay $0x4  }
0x82: {  	v0 =	vpack.i.f32.bf16 v1, v0  }
0x83: {  	[tilespmem:s22+$0x7CE0] =	vst v0  }
0x84: {  	v0 =	vld [tilespmem:s21+$0x0]  }
0x85: {  	v1 =	vld [tilespmem:s21+$0x10];
	_ =	sdelay $0x4  }
0x86: {  	v0 =	vpack.i.f32.bf16 v1, v0  }
0x87: {  	[tilespmem:s22+$0x7CF0] =	vst v0  }
0x88: {  	v0 =	vld [tilespmem:s21+$0x20]  }
0x89: {  	s23 =	simm.s32 $0x1C0;
	v1 =	vld [tilespmem:s21+$0x30]  }
.LBB2_8:
0x8a: {  	_ = 	snop  }
0x8b: {  	p0 =	sne.s32 s23, $0x7CC0  }
0x8c: {  	s21 =	sadd.s32 $0x80, s21;
	s24 =	smov.u32 s23;
	s23 =	sadd.s32 $0x100, s23  }
0x8d: {  	_ = 	snop  }
0x8e: {  	v0 =	vpack.i.f32.bf16 v1, v0  }
0x8f: {  	[tilespmem:s22+$0x7D00] =	vst v0  }
0x90: {  	v0 =	vld [tilespmem:s21+$0xFFFFFFC0]  }
0x91: {  	v1 =	vld [tilespmem:s21+$0xFFFFFFD0];
	_ =	sdelay $0x4  }
0x92: {  	s22 =	sshra.s32 s24, $0x2;
	v0 =	vpack.i.f32.bf16 v1, v0  }
0x93: {  	[tilespmem:s22+$0x7CD0] =	vst v0  }
0x94: {  	v0 =	vld [tilespmem:s21+$0xFFFFFFE0]  }
0x95: {  	v1 =	vld [tilespmem:s21+$0xFFFFFFF0];
	_ =	sdelay $0x4  }
0x96: {  	v0 =	vpack.i.f32.bf16 v1, v0  }
0x97: {  	[tilespmem:s22+$0x7CE0] =	vst v0  }
0x98: {  	v0 =	vld [tilespmem:s21+$0x0]  }
0x99: {  	v1 =	vld [tilespmem:s21+$0x10];
	_ =	sdelay $0x3  }
.Ltmp3:
0x9a: {  	(pc) =	sbr.rel @p0 .LBB2_8-.Ltmp3, $4  }
0x9b: {  	v0 =	vpack.i.f32.bf16 v1, v0  }
0x9c: {  	[tilespmem:s22+$0x7CF0] =	vst v0  }
0x9d: {  	v0 =	vld [tilespmem:s21+$0x20]  }
0x9e: {  	v1 =	vld [tilespmem:s21+$0x30]  }
0x9f: {  	_ =	sdelay $0x3  }
0xa0: {  	v0 =	vpack.i.f32.bf16 v1, v0  }
0xa1: {  	[tilespmem:s22+$0x7D00] =	vst v0  }
0xa2: {  	[hbm4b:s11+s3] =	stream.linear.scatter [tilespmem:s15], [sflag:$0x3], $0x1F40, $0x38;
	[tilespmem:$0xBB80] =	vst v63  }
0xa3: {  	_ =	swait.ge [sflag:s16], $0x3E80  }
0xa4: {  	[sflag:s16] =	ssyncset.done $0x0  }
0xa5: {  	s20 =	sadd.s32 $0x1, s20;
	[sflag:s16] =	ssyncadd.s32 $0xFFFFC180  }
0xa6: {  	p0 =	sne.s32 s20, s12;
	_ =	swait.ge [sflag:s18], $0x1F40  }
.Ltmp4:
0xa7: {  	[sflag:s18] =	ssyncset.done $0x0;
	(pc) =	sbr.rel @p0 .LBB2_1-.Ltmp4, $4  }
0xa8: {  	[sflag:s18] =	ssyncadd.s32 $0xFFFFE0C0  }
0xa9: {  	_ =	swait.ge [sflag:s19], $0x1F40  }
0xaa: {  	[sflag:s19] =	ssyncset.done $0x0  }
0xab: {  	[sflag:s19] =	ssyncadd.s32 $0xFFFFE0C0  }
0xac: {  	_ =	sfence.sel $0x180000  }
0xad: {  	[bflag:$0x0] =	sbarrier.arrive $0xFFFF  }
0xae: {  	p0 =	sne.s32 s1, $0x0;
	_ =	strace $0x90000047  }
0xaf: {  	s0 =	sadd.s32 @!p0 $0x100000, s0;
	[bflag:$0x2] =	sbarrier.arrive $0xFFFF  }
0xb0: {  	[sflag:s0] =	ssyncadd.tile.s32 @!p0 $0x1;
	_ =	shalt  }
.Lfunc_end2:
_tile_overlayer_lowered:
.L_overlay_start_2:
0xb1: {  	(tag) =	ssettag $0x2  }
0xb2: {  	s0 =	rddreg [dreg:$0x0];
	s2 =	stileid.u32  }
0xb3: {  	s1 =	rddreg [dreg:$0x1];
	p0 =	sne.s32 s2, $0x0  }
0xb4: {  	s3 =	rddreg [dreg:$0x2];
	[bflag:$0x3] =	sbarrier.arrive $0xFFFF;
	s2 =	simm.s32 @!p0 $0x1C05  }
0xb5: {  	[timem:s3], [sflag:s2] =	dma.local @!p0 [hbm:s0], s1  }
0xb6: {  	s0 =	simm.s32 @!p0 $0x5  }
0xb7: {  	_ =	swait.ge @!p0 [sflag:s0], s1  }
0xb8: {  	s1 =	ssub.s32 @!p0 $0x0, s1;
	[sflag:s0] =	ssyncset.done @!p0 $0x0  }
0xb9: {  	[sflag:s0] =	ssyncadd.s32 @!p0 s1  }
0xba: {  	[bflag:$0x3] =	sbarrier.arrive $0xFFFF  }
0xbb: {  	_ =	shalt  }

// kernel: kernel.7.cloned.1.call-start
scs
__scs_entry_jumppad:
0x0: {  	(pc) =	sbr.rel $0x88, $3  }
0x1: {  	(tag) =	ssettag $0x0;
	lr =	simm.s32 $0x1  }
0x2: {  	[smem:$0x3F9F] =	sst lr;
	_ =	strace $0xD0000000  }
0x3: {  	_ = 	snop  }
0x4: {  	_ = 	snop  }
0x5: {  	_ = 	snop  }
0x6: {  	_ = 	snop  }
0x7: {  	_ = 	snop  }
__scs_overlays_trampoline_lowered:
0x8: {  	[smem:$0x3FAE] =	sst s0  }
0x9: {  	[smem:$0x3FAF] =	sst s1  }
0xa: {  	[smem:$0x3FB0] =	sst s2  }
0xb: {  	[smem:$0x3FB1] =	sst s3  }
0xc: {  	[smem:$0x3FB2] =	sst s4  }
0xd: {  	[smem:$0x3FB3] =	sst s5  }
0xe: {  	[smem:$0x3FB4] =	sst s6  }
0xf: {  	[smem:$0x3FB5] =	sst s7  }
0x10: {  	[smem:$0x3FB6] =	sst s8  }
0x11: {  	[smem:$0x3FB7] =	sst s9;
	s0 =	simm.s32 @!p0 $0x0  }
0x12: {  	s1 =	sld [smem:$0x3F9D];
	s0 =	simm.s32 @p0 $0x1  }
0x13: {  	[smem:$0x3FB8] =	sst s0;
	s0 =	simm.s32 @!p1 $0x0  }
0x14: {  	s2 =	sld [smem:$0x3F9C];
	s0 =	simm.s32 @p1 $0x1  }
0x15: {  	[smem:$0x3FB9] =	sst s0;
	s0 =	simm.s32 @!p2 $0x0  }
0x16: {  	s3 =	sld [smem:$0x3FDB];
	s0 =	simm.s32 @p2 $0x1  }
0x17: {  	s4 =	simm.s32 $0x1BF5;
	[smem:$0x3FBB] =	sst s0  }
0x18: {  	s0 =	sld [smem:$0x3F9E];
	_ =	swait.ge [sflag:s4], $0x0  }
0x19: {  	s7 =	sld [smem:$0x3F9F]  }
0x1a: {  	s8 =	sadd.s32 $0xFFFFE003, lr  }
0x1b: {  	s9 =	sadd.s32 $0xFFFFFEF7, lr;
	s5 =	simm.s32 $0xFFFFFFFF;
	p2 =	slt.u32 s8, $0xFFFFF086  }
0x1c: {  	p1 =	slt.u32 s9, $0xF7A;
	s5 =	simm.s32 @!p2 $0x0  }
0x1d: {  	s5 =	simm.s32 @p1 $0x1;
	p0 =	seq.s32 s7, s2  }
0x1e: {  	s7 =	smul.u32 @!p0 $0xF7A, s2;
	p2 =	seq.s32 @!p0 s5, $0x0  }
0x1f: {  	s9 =	smul.u32 $0xF7A, s1;
	s8 =	simm.s32 @!p0 $0x1BF5;
	p2 =	por !p2, p0  }
0x20: {  	[sflag:s8] =	ssyncset.s32 @!p0 $0xFFFFF086;
	s6 =	sadd.s32 @!p0 s3, s7;
	s7 =	simm.s32 @!p0 $0x108  }
0x21: {  	s3 =	sadd.s32 s3, s9;
	s6 =	sadd.s32 @!p0 $0x88, s6;
	s7 =	simm.s32 @p2 $0x1082  }
0x22: {  	[simem:s7], [sflag:s8] =	dma.local @!p0 [hbm:s6], $0xF7A  }
0x23: {  	s9 =	sor.u32 $0xD0000000, s2;
	s6 =	simm.s32 $0x108;
	_ =	swait.ge @!p0 [sflag:s8], $0x0  }
0x24: {  	s3 =	sadd.s32 $0x88, s3;
	s6 =	simm.s32 @!p1 $0x1082;
	[sflag:s4] =	ssyncset.s32 $0xFFFFF086  }
0x25: {  	[simem:s6], [sflag:s4] =	dma.local [hbm:s3], $0xF7A  }
0x26: {  	[smem:$0x3F9F] =	sst s1;
	(tag) =	ssettag s2;
	_ =	strace s9  }
0x27: {  	s1 =	sld [smem:$0x3FAF]  }
0x28: {  	s2 =	sld [smem:$0x3FB0]  }
0x29: {  	s4 =	sld [smem:$0x3FB2]  }
0x2a: {  	p0 =	seq.s32 s5, $0x0;
	s5 =	sld [smem:$0x3FB3]  }
0x2b: {  	s6 =	sld [smem:$0x3FB4]  }
0x2c: {  	s7 =	sld [smem:$0x3FB5]  }
0x2d: {  	s3 =	simm.s32 $0x108;
	s8 =	sld [smem:$0x3FB6]  }
0x2e: {  	s3 =	simm.s32 @!p0 $0x1082;
	s9 =	sld [smem:$0x3FB7]  }
0x2f: {  	lr =	sadd.s32 s0, s3;
	s0 =	sld [smem:$0x3FAE]  }
0x30: {  	s3 =	sld [smem:$0x3FB1]  }
0x31: {  	[smem:$0x3FBA] =	sst s10  }
0x32: {  	s10 =	sld [smem:$0x3FB8];
	_ =	sdelay $0x3  }
0x33: {  	p0 =	seq.s32 s10, $0x1;
	s10 =	sld [smem:$0x3FBA];
	_ =	sdelay $0x3  }
0x34: {  	[smem:$0x3FBA] =	sst s10  }
0x35: {  	s10 =	sld [smem:$0x3FB9];
	_ =	sdelay $0x3  }
0x36: {  	p1 =	seq.s32 s10, $0x1;
	s10 =	sld [smem:$0x3FBA];
	_ =	sdelay $0x3  }
0x37: {  	[smem:$0x3FBA] =	sst s10  }
0x38: {  	s10 =	sld [smem:$0x3FBB]  }
0x39: {  	_ = 	snop;
	(pc) =	sbr.ind lr, $3  }
0x3a: {  	_ = 	snop  }
0x3b: {  	_ = 	snop  }
0x3c: {  	p2 =	seq.s32 s10, $0x1;
	s10 =	sld [smem:$0x3FBA]  }
0x3d: {  	_ =	shalt  }
0x3e: {  	_ =	shalt  }
0x3f: {  	_ =	shalt  }
0x40: {  	_ =	shalt  }
0x41: {  	_ =	shalt  }
0x42: {  	_ =	shalt  }
0x43: {  	_ =	shalt  }
0x44: {  	_ =	shalt  }
0x45: {  	_ =	shalt  }
0x46: {  	_ =	shalt  }
0x47: {  	_ =	shalt  }
0x48: {  	_ =	shalt  }
0x49: {  	_ =	shalt  }
0x4a: {  	_ =	shalt  }
0x4b: {  	_ =	shalt  }
0x4c: {  	_ =	shalt  }
0x4d: {  	_ =	shalt  }
0x4e: {  	_ =	shalt  }
0x4f: {  	_ =	shalt  }
0x50: {  	_ =	shalt  }
0x51: {  	_ =	shalt  }
0x52: {  	_ =	shalt  }
0x53: {  	_ =	shalt  }
0x54: {  	_ =	shalt  }
0x55: {  	_ =	shalt  }
0x56: {  	_ =	shalt  }
0x57: {  	_ =	shalt  }
0x58: {  	_ =	shalt  }
0x59: {  	_ =	shalt  }
0x5a: {  	_ =	shalt  }
0x5b: {  	_ =	shalt  }
0x5c: {  	_ =	shalt  }
0x5d: {  	_ =	shalt  }
0x5e: {  	_ =	shalt  }
0x5f: {  	_ =	shalt  }
0x60: {  	_ =	shalt  }
0x61: {  	_ =	shalt  }
0x62: {  	_ =	shalt  }
0x63: {  	_ =	shalt  }
0x64: {  	_ =	shalt  }
0x65: {  	_ =	shalt  }
0x66: {  	_ =	shalt  }
0x67: {  	_ =	shalt  }
0x68: {  	_ =	shalt  }
0x69: {  	_ =	shalt  }
0x6a: {  	_ =	shalt  }
0x6b: {  	_ =	shalt  }
0x6c: {  	_ =	shalt  }
0x6d: {  	_ =	shalt  }
0x6e: {  	_ =	shalt  }
0x6f: {  	_ =	shalt  }
0x70: {  	_ =	shalt  }
0x71: {  	_ =	shalt  }
0x72: {  	_ =	shalt  }
0x73: {  	_ =	shalt  }
0x74: {  	_ =	shalt  }
0x75: {  	_ =	shalt  }
0x76: {  	_ =	shalt  }
0x77: {  	_ =	shalt  }
0x78: {  	_ =	shalt  }
0x79: {  	_ =	shalt  }
0x7a: {  	_ =	shalt  }
0x7b: {  	_ =	shalt  }
0x7c: {  	_ =	shalt  }
0x7d: {  	_ =	shalt  }
0x7e: {  	_ =	shalt  }
0x7f: {  	_ =	shalt  }
0x80: {  	_ =	shalt  }
0x81: {  	_ =	shalt  }
0x82: {  	_ =	shalt  }
0x83: {  	_ =	shalt  }
0x84: {  	_ =	shalt  }
0x85: {  	_ =	shalt  }
0x86: {  	_ =	shalt  }
0x87: {  	_ =	shalt  }
.Lfunc_end0:
.L_simem_size_0:
called_computation.1_lowered:
.L_overlay_start_0:
0x88: {  	s2 =	sld [smem:$0x3FD9]  }
0x89: {  	s3 =	sld [smem:$0x3FFE];
	_ =	sdelay $0x1  }
0x8a: {  	s1 =	srdreg.scid  }
0x8b: {  	s0 =	sand.u32 $0x1, s1  }
0x8c: {  	s17 =	sshll.u32 s0, $0xA;
	s2 =	sadd.s32 s3, s2  }
0x8d: {  	s2 =	sadd.s32 s2, s17  }
0x8e: {  	[smem:$0x3FC6] =	sst s2  }
0x8f: {  	_ = 	snop  }
0x90: {  	s2 =	sld [smem:$0x3FD0];
	(tm) =	ssettm $0x1  }
0x91: {  	s18 =	sld [smem:$0x3FFB];
	_ =	sdelay $0x3  }
0x92: {  	_ =	strace s18  }
0x93: {  	s3 =	sld [smem:$0x3FFC];
	_ =	sdelay $0x3  }
0x94: {  	_ =	strace s3  }
0x95: {  	s3 =	sld [smem:$0x3FFD];
	_ =	sdelay $0x3  }
0x96: {  	_ =	strace s3  }
0x97: {  	_ =	strace $0x8FFFFFFF  }
0x98: {  	s19 =	sld [smem:$0x3FDB];
	_ =	sdelay $0x1  }
0x99: {  	s4 =	simm.s32 $_scs_section_size  }
0x9a: {  	s5 =	simm.s32 $_size__tile_overlayer_lowered;
	s6 =	simm.s32 $_tile_overlayer_lowered  }
0x9b: {  	s22 =	simm.s32 $0x1BFF;
	s21 =	sshll.u32 s6, $0x1;
	s3 =	sadd.s32 s4, s19  }
0x9c: {  	s7 =	simm.s32 $0x0;
	s20 =	sshll.u32 s5, $0x1;
	s5 =	sadd.s32 s21, s3  }
0x9d: {  	[timem:s7], [sflag:s22] =	dma.local [hbm:s5], s20  }
0x9e: {  	_ =	swait.ge [sflag:s22], s20  }
0x9f: {  	s4 =	ssub.s32 $0x0, s20;
	[sflag:s22] =	ssyncset.done $0x0  }
0xa0: {  	[sflag:s22] =	ssyncadd.s32 s4;
	_ =	sdelay $0x1  }
0xa1: {  	s23 =	simm.s32 $0x1B8B  }
0xa2: {  	_ =	swait.ge [sflag:s23], $0x1  }
0xa3: {  	[sflag:s23] =	ssyncset.done $0x0  }
0xa4: {  	s25 =	simm.s32 $0x1B8E;
	s24 =	sld [smem:$0x3FFE];
	[sflag:s23] =	ssyncadd.s32 $0xFFFFFFFF  }
0xa5: {  	s26 =	simm.s32 $execute0_lowered;
	[smem:$0x3FD2] =	sst s25  }
0xa6: {  	s5 =	sshll.u32 s26, $0x1;
	_ =	strace $0x80000049;
	[dreg:$0x1] =	wrdreg $0xFFFFFFFF  }
0xa7: {  	s28 =	simm.s32 $_size_execute0_lowered;
	s3 =	sadd.s32 s3, s5;
	[dreg:$0x0] =	wrdreg $0x0  }
0xa8: {  	s5 =	sshll.u32 s28, $0x1;
	[dreg:$0x2] =	wrdreg s3  }
0xa9: {  	[dreg:$0x3] =	wrdreg s5  }
0xaa: {  	[dreg:$0x4] =	wrdreg $0xC0  }
0xab: {  	_ =	task [dreg:s7], $0x5FFFF  }
0xac: {  	[dreg:$0x1] =	wrdreg $0xFFFFFFFF  }
0xad: {  	[dreg:$0x0] =	wrdreg $0x60  }
0xae: {  	[dreg:$0x2] =	wrdreg s24  }
0xaf: {  	[dreg:$0x3] =	wrdreg s2  }
0xb0: {  	[dreg:$0x4] =	wrdreg $0x9  }
0xb1: {  	_ =	task.clear_ibuf [dreg:s7], $0x5FFFF;
	_ =	strace $0x90000049  }
0xb2: {  	s29 =	simm.s32 $0x9;
	_ =	strace $0x8000004B  }
0xb3: {  	_ =	swait.ge [sflag:s29], $0x1  }
0xb4: {  	[sflag:s29] =	ssyncadd.s32 $0xFFFFFFFF  }
0xb5: {  	_ =	strace $0x9000004B  }
0xb6: {  	_ =	sfence  }
0xb7: {  	s30 =	sld [smem:$0x0];
	_ =	sdelay $0x2  }
0xb8: {  	s31 =	sshll.u32 s1, $0xD;
	s1 =	sshrl.u32 s1, $0x2  }
0xb9: {  	s3 =	sand.u32 $0x4000, s31;
	s1 =	sadd.s32 s1, s30  }
0xba: {  	s0 =	sor.u32 s3, s0;
	s1 =	sshll.u32 s1, $0x11  }
0xbb: {  	s0 =	sor.u32 s1, s0  }
0xbc: {  	s0 =	sadd.s32 $0x8F2B, s0  }
0xbd: {  	[sflag:s0] =	ssyncadd.remote.s32 $0x1  }
0xbe: {  	_ =	sfence.sel $0xFFFF  }
0xbf: {  	[dreg:$0x0] =	wrdreg $0xFFFFFFFF;
	(pc) =	sbr.abs _section_cstart, $3  }
0xc0: {  	[dreg:$0x1] =	wrdreg $0xFFFFFFFF  }
0xc1: {  	_ =	task.clear_ibuf [dreg:s7], $0x2FFFF;
	_ =	strace $0x9FFFFFFF  }
0xc2: {  	(tm) =	ssettm $0x7FFFFFFF  }
0xc3: {  	_ =	shalt  }
tec
execute0_lowered:
.L_overlay_start_1:
0x0: {  	(tag) =	ssettag $0x1  }
0x1: {  	s0 =	srdreg.scid;
	s1 =	rddreg [dreg:$0x0]  }
0x2: {  	s2 =	stileid.u32;
	s5 =	rddreg [dreg:$0x1];
	s8 =	simm.s32 $0x80  }
0x3: {  	s9 =	simm.s32 $0x6400;
	s10 =	simm.s32 $0x48;
	s11 =	simm.s32 $0x8400  }
0x4: {  	s13 =	simm.s32 $0xA400;
	s15 =	simm.s32 $0xC400;
	s17 =	simm.s32 $0xE400  }
0x5: {  	s19 =	simm.s32 $0x10400;
	s21 =	simm.s32 $0x12400;
	s23 =	simm.s32 $0x14400  }
0x6: {  	s24 =	simm.s32 $0x1;
	s25 =	simm.s32 $0x2;
	s28 =	simm.s32 $0x4  }
0x7: {  	s29 =	simm.s32 $0x5;
	s30 =	simm.s32 $0x6;
	s0 =	sand.u32 $0x1, s0  }
0x8: {  	s31 =	simm.s32 $0x7;
	s2 =	sshll.u32 s2, $0x8;
	s3 =	sshll.u32 s0, $0x7  }
0x9: {  	s12 =	simm.s32 $0x0;
	s0 =	ssub.s32 $0x2, s0;
	s4 =	sor.u32 s3, s2  }
0xa: {  	s2 =	simm.s32 $0x0;
	s7 =	sshrl.u32 s0, $0x1;
	s3 =	smul.u32 $0x19, s4  }
0xb: {  	[smem:$0x7FF] =	sst s2;
	s0 =	ssub.s32 s0, s7;
	s26 =	sshll.u32 s4, $0x4  }
0xc: {  	s7 =	simm.s32 $0x9;
	_ =	strace $0x8000004A;
	s5 =	sadd.s32 s5, s26  }
0xd: {  	s26 =	simm.s32 $0x3;
	s6 =	sadd.s32 s3, s1;
	s3 =	sadd.s32 $0xA00, s1  }
0xe: {  	s1 =	simm.s32 $0x8;
	s4 =	sadd.s32 $0xC4000, s6;
	s6 =	smax.u32 s0, $0x1  }
.LBB2_1:
0xf: {  	[tilespmem:s2], [sflag:$0x9] =	stream.linear.gather [hbm4b:s4+s2], $0x6400, $0x38;
	[tilespmem:$0x1A400] =	vst v63  }
0x10: {  	_ =	swait.ge [sflag:s7], $0x6400  }
0x11: {  	[sflag:s7] =	ssyncset.done $0x0  }
0x12: {  	[sflag:s7] =	ssyncadd.s32 $0xFFFF9C00  }
0x13: {  	[tilespmem:s9], [sflag:$0x1] =	stream.indirect.gather [hbm4b:s3+s8], $0x40, s2, s8, $0xb8;
	[tilespmem:$0x1A400] =	vst v63  }
0x14: {  	_ = 	snop  }
0x15: {  	[tilespmem:s11], [sflag:$0x2] =	stream.indirect.gather [hbm4b:s3+s10], $0x40, s8, s10, $0xb8;
	[tilespmem:$0x1A400] =	vst v63  }
0x16: {  	s0 =	simm.s32 $0xC8  }
0x17: {  	[tilespmem:s13], [sflag:$0x3] =	stream.indirect.gather [hbm4b:s3+s8], $0x40, s0, s8, $0xb8;
	[tilespmem:$0x1A400] =	vst v63  }
0x18: {  	s14 =	simm.s32 $0x148  }
0x19: {  	[tilespmem:s15], [sflag:$0x4] =	stream.indirect.gather [hbm4b:s3+s10], $0x40, s14, s10, $0xb8;
	[tilespmem:$0x1A400] =	vst v63  }
0x1a: {  	s16 =	simm.s32 $0x190  }
0x1b: {  	[tilespmem:s17], [sflag:$0x5] =	stream.indirect.gather [hbm4b:s3+s8], $0x40, s16, s8, $0xb8;
	[tilespmem:$0x1A400] =	vst v63  }
0x1c: {  	s18 =	simm.s32 $0x210  }
0x1d: {  	[tilespmem:s19], [sflag:$0x6] =	stream.indirect.gather [hbm4b:s3+s10], $0x40, s18, s10, $0xb8;
	[tilespmem:$0x1A400] =	vst v63  }
0x1e: {  	s20 =	simm.s32 $0x258  }
0x1f: {  	[tilespmem:s21], [sflag:$0x7] =	stream.indirect.gather [hbm4b:s3+s8], $0x40, s20, s8, $0xb8;
	[tilespmem:$0x1A400] =	vst v63  }
0x20: {  	s22 =	simm.s32 $0x2D8;
	s14 =	simm.s32 $0x0  }
0x21: {  	[tilespmem:s23], [sflag:$0x8] =	stream.indirect.gather [hbm4b:s3+s10], $0x40, s22, s10, $0xb8;
	[tilespmem:$0x1A400] =	vst v63  }
.LBB2_2:
0x22: {  	_ =	swait.ge [sflag:s24], $0x2000  }
0x23: {  	[sflag:s24] =	ssyncset.done $0x0  }
0x24: {  	s0 =	simm.s32 $0x20;
	[sflag:s24] =	ssyncadd.s32 $0xFFFFE000  }
0x25: {  	v0 =	vld [tilespmem:s0+$0x6410]  }
0x26: {  	v1 =	vld [tilespmem:s0+$0x7410]  }
0x27: {  	v2 =	vld [tilespmem:s0+$0x63E0]  }
0x28: {  	v3 =	vld [tilespmem:s0+$0x73E0];
	_ =	sdelay $0x1  }
0x29: {  	v5 =	vld [tilespmem:s0+$0x63F0]  }
0x2a: {  	v6 =	vimm.f32 $0.0e+00;
	v10 =	vimm.f32 $0.0e+00;
	v7 =	vimm.f32 $0.0e+00;
	v12 =	vld [tilespmem:s0+$0x73F0]  }
0x2b: {  	v8 =	vimm.f32 $0.0e+00;
	v4 =	vimm.f32 $0.0e+00;
	v11 =	vld [tilespmem:s0+$0x7400];
	v0 =	vadd.bf16 v1, v0  }
0x2c: {  	s20 =	simm.s32 $0x60;
	v13 =	vadd.bf16 v3, v2;
	v3 =	vld [tilespmem:s0+$0x6400];
	v2 =	vimm.f32 $0.0e+00;
	v1 =	vimm.f32 $0.0e+00  }
0x2d: {  	s16 =	simm.s32 $0x280;
	v9 =	vld [tilespmem:s20+$0x6410];
	v14 =	vunpack.i.u.bf16.f32 v0;
	v15 =	vunpack.i.l.bf16.f32 v0;
	v0 =	vimm.f32 $0.0e+00  }
.LBB2_3:
0x2e: {  	p0 =	sne.s32 s16, $0x3F80;
	v16 =	vld [tilespmem:s20+$0x7410];
	v6 =	vadd.f32 v15, v6;
	v10 =	vadd.f32 v14, v10  }
0x2f: {  	v14 =	vld [tilespmem:s20+$0x63E0];
	v15 =	vunpack.i.u.bf16.f32 v13;
	v13 =	vunpack.i.l.bf16.f32 v13;
	v12 =	vadd.bf16 v12, v5  }
0x30: {  	v17 =	vld [tilespmem:s20+$0x73E0];
	v7 =	vadd.f32 v13, v7;
	v8 =	vadd.f32 v15, v8  }
.Ltmp0:
0x31: {  	v5 =	vld [tilespmem:s20+$0x63F0];
	v13 =	vunpack.i.u.bf16.f32 v12;
	v15 =	vunpack.i.l.bf16.f32 v12;
	v11 =	vadd.bf16 v11, v3;
	(pc) =	sbr.rel @p0 .LBB2_3-.Ltmp0, $4  }
0x32: {  	v12 =	vld [tilespmem:s20+$0x73F0];
	v2 =	vadd.f32 v15, v2;
	v4 =	vadd.f32 v13, v4  }
0x33: {  	v3 =	vld [tilespmem:s20+$0x6400];
	v15 =	vadd.bf16 v16, v9;
	v9 =	vunpack.i.u.bf16.f32 v11;
	v13 =	vunpack.i.l.bf16.f32 v11  }
0x34: {  	v11 =	vld [tilespmem:s20+$0x7400];
	s20 =	sshra.s32 s16, $0x2;
	v0 =	vadd.f32 v13, v0;
	v1 =	vadd.f32 v9, v1  }
0x35: {  	s16 =	sadd.s32 $0x100, s16;
	v9 =	vld [tilespmem:s20+$0x6410];
	v13 =	vadd.bf16 v17, v14;
	v14 =	vunpack.i.u.bf16.f32 v15;
	v15 =	vunpack.i.l.bf16.f32 v15  }
0x36: {  	v16 =	vld [tilespmem:s20+$0x7410];
	s18 =	sshll.u32 s14, $0x2  }
0x37: {  	v17 =	vld [tilespmem:s20+$0x63E0];
	s0 =	smin.u32 s18, $0x7B  }
0x38: {  	v18 =	vld [tilespmem:s20+$0x73E0];
	s0 =	smul.u32 $0x320, s0  }
0x39: {  	v19 =	vld [tilespmem:s20+$0x63F0];
	v6 =	vadd.f32 v15, v6;
	v10 =	vadd.f32 v14, v10  }
0x3a: {  	v14 =	vld [tilespmem:s20+$0x73F0];
	v15 =	vunpack.i.u.bf16.f32 v13;
	v13 =	vunpack.i.l.bf16.f32 v13;
	v5 =	vadd.bf16 v12, v5;
	s16 =	sshrl.u32 s0, $0x2  }
0x3b: {  	s22 =	simm.s32 $0x80;
	v12 =	vld [tilespmem:s20+$0x6400];
	v7 =	vadd.f32 v13, v7;
	v8 =	vadd.f32 v15, v8;
	s0 =	sadd.s32 $0x320, s16  }
0x3c: {  	v13 =	vld [tilespmem:s20+$0x7400];
	v3 =	vadd.bf16 v11, v3;
	v11 =	vunpack.i.u.bf16.f32 v5;
	v5 =	vunpack.i.l.bf16.f32 v5;
	[tilespmem:s9], [sflag:$0x1] =	stream.indirect.gather [hbm4b:s3+s22], $0x40, s0, s22, $0xb8  }
0x3d: {  	v2 =	vadd.f32 v5, v2;
	v5 =	vadd.f32 v11, v4;
	_ =	swait.ge [sflag:s25], $0x1200  }
0x3e: {  	v4 =	vadd.bf16 v16, v9;
	v9 =	vunpack.i.u.bf16.f32 v3;
	v3 =	vunpack.i.l.bf16.f32 v3;
	[sflag:s25] =	ssyncset.done $0x0  }
0x3f: {  	v3 =	vadd.f32 v3, v0;
	v11 =	vadd.f32 v9, v1;
	s22 =	simm.s32 $0x20;
	[sflag:s25] =	ssyncadd.s32 $0xFFFFEE00  }
0x40: {  	v9 =	vadd.bf16 v18, v17;
	v0 =	vunpack.i.u.bf16.f32 v4;
	v1 =	vunpack.i.l.bf16.f32 v4;
	v15 =	vld [tilespmem:s22+$0x8410]  }
0x41: {  	v1 =	vadd.f32 v1, v6;
	v0 =	vadd.f32 v0, v10;
	v10 =	vld [tilespmem:s22+$0x8D10]  }
0x42: {  	v4 =	vunpack.i.u.bf16.f32 v9;
	v6 =	vunpack.i.l.bf16.f32 v9;
	v9 =	vadd.bf16 v14, v19;
	v14 =	vld [tilespmem:s22+$0x83E0]  }
0x43: {  	v12 =	vadd.bf16 v13, v12;
	v6 =	vadd.f32 v6, v7;
	v16 =	vld [tilespmem:s22+$0x8CE0]  }
0x44: {  	v4 =	vadd.f32 v4, v8;
	v8 =	vunpack.i.u.bf16.f32 v9;
	v7 =	vunpack.i.l.bf16.f32 v9;
	v9 =	vld [tilespmem:s22+$0x83F0]  }
0x45: {  	v13 =	vld [tilespmem:s22+$0x8CF0];
	v7 =	vadd.f32 v7, v2;
	v5 =	vadd.f32 v8, v5  }
0x46: {  	v2 =	vunpack.i.u.bf16.f32 v12;
	v12 =	vunpack.i.l.bf16.f32 v12;
	v8 =	vld [tilespmem:s22+$0x8400];
	v17 =	vadd.bf16 v10, v15  }
0x47: {  	s20 =	simm.s32 $0x60;
	v3 =	vadd.f32 v12, v3;
	v2 =	vadd.f32 v2, v11;
	v12 =	vld [tilespmem:s22+$0x8D00]  }
0x48: {  	s22 =	simm.s32 $0x280;
	v10 =	vld [tilespmem:s20+$0x8410];
	v15 =	vadd.bf16 v16, v14;
	v11 =	vunpack.i.u.bf16.f32 v17;
	v14 =	vunpack.i.l.bf16.f32 v17  }
.LBB2_5:
0x49: {  	p0 =	sne.s32 s22, $0x2380;
	v16 =	vld [tilespmem:s20+$0x8D10];
	v1 =	vadd.f32 v14, v1;
	v0 =	vadd.f32 v11, v0  }
0x4a: {  	v11 =	vld [tilespmem:s20+$0x83E0];
	v14 =	vunpack.i.u.bf16.f32 v15;
	v15 =	vunpack.i.l.bf16.f32 v15;
	v13 =	vadd.bf16 v13, v9  }
0x4b: {  	v17 =	vld [tilespmem:s20+$0x8CE0];
	v6 =	vadd.f32 v15, v6;
	v4 =	vadd.f32 v14, v4  }
.Ltmp1:
0x4c: {  	v9 =	vld [tilespmem:s20+$0x83F0];
	v14 =	vunpack.i.u.bf16.f32 v13;
	v15 =	vunpack.i.l.bf16.f32 v13;
	v12 =	vadd.bf16 v12, v8;
	(pc) =	sbr.rel @p0 .LBB2_5-.Ltmp1, $4  }
0x4d: {  	v13 =	vld [tilespmem:s20+$0x8CF0];
	v7 =	vadd.f32 v15, v7;
	v5 =	vadd.f32 v14, v5  }
0x4e: {  	v8 =	vld [tilespmem:s20+$0x8400];
	v14 =	vadd.bf16 v16, v10;
	v10 =	vunpack.i.u.bf16.f32 v12;
	v15 =	vunpack.i.l.bf16.f32 v12  }
0x4f: {  	v12 =	vld [tilespmem:s20+$0x8D00];
	s20 =	sshra.s32 s22, $0x2;
	v3 =	vadd.f32 v15, v3;
	v2 =	vadd.f32 v10, v2  }
0x50: {  	s22 =	sadd.s32 $0x100, s22;
	v10 =	vld [tilespmem:s20+$0x8410];
	v15 =	vadd.bf16 v17, v11;
	v11 =	vunpack.i.u.bf16.f32 v14;
	v14 =	vunpack.i.l.bf16.f32 v14  }
0x51: {  	v16 =	vld [tilespmem:s20+$0x83E0]  }
0x52: {  	v17 =	vld [tilespmem:s20+$0x8CE0]  }
0x53: {  	v18 =	vld [tilespmem:s20+$0x8D10]  }
0x54: {  	v19 =	vld [tilespmem:s20+$0x83F0]  }
0x55: {  	v20 =	vunpack.i.l.bf16.f32 v15;
	v9 =	vadd.bf16 v13, v9;
	v13 =	vld [tilespmem:s20+$0x8CF0]  }
0x56: {  	v63 =	vld [tilespmem:s20+$0x8400];
	v15 =	vunpack.i.u.bf16.f32 v15;
	v6 =	vadd.f32 v20, v6  }
0x57: {  	v4 =	vadd.f32 v15, v4;
	v15 =	vunpack.i.l.bf16.f32 v9;
	v16 =	vadd.bf16 v17, v16;
	v17 =	vld [tilespmem:s20+$0x8D00]  }
0x58: {  	v8 =	vadd.bf16 v12, v8;
	v9 =	vunpack.i.u.bf16.f32 v9;
	v7 =	vadd.f32 v15, v7  }
0x59: {  	v5 =	vadd.f32 v9, v5;
	v9 =	vadd.bf16 v18, v10  }
0x5a: {  	s0 =	sadd.s32 $0x3A0, s16;
	s16 =	sshll.u32 s14, $0xB;
	v12 =	vadd.bf16 v13, v19;
	v10 =	vunpack.i.l.bf16.f32 v16;
	v13 =	vunpack.i.u.bf16.f32 v16  }
0x5b: {  	s16 =	sshra.s32 s16, $0x2;
	v6 =	vadd.f32 v10, v6;
	v10 =	vunpack.i.u.bf16.f32 v8;
	v8 =	vunpack.i.l.bf16.f32 v8  }
0x5c: {  	[tilespmem:s11], [sflag:$0x2] =	stream.indirect.gather [hbm4b:s3+s10], $0x40, s0, s10, $0xb8;
	v4 =	vadd.f32 v13, v4;
	v13 =	vunpack.i.l.bf16.f32 v12;
	v15 =	vadd.bf16 v17, v63;
	[tilespmem:$0x1A400] =	vst v63  }
0x5d: {  	v3 =	vadd.f32 v8, v3;
	v8 =	vunpack.i.u.bf16.f32 v12;
	v7 =	vadd.f32 v13, v7;
	[tilespmem:s16+$0x16400] =	vst v6  }
0x5e: {  	v2 =	vadd.f32 v10, v2;
	v5 =	vadd.f32 v8, v5;
	[tilespmem:s16+$0x16410] =	vst v4;
	v6 =	vunpack.i.l.bf16.f32 v15  }
0x5f: {  	v1 =	vadd.f32 v14, v1;
	[tilespmem:s16+$0x16420] =	vst v7;
	v4 =	vunpack.i.u.bf16.f32 v15;
	v3 =	vadd.f32 v6, v3  }
0x60: {  	v0 =	vadd.f32 v11, v0;
	[tilespmem:s16+$0x16430] =	vst v5;
	v6 =	vunpack.i.l.bf16.f32 v9;
	v2 =	vadd.f32 v4, v2  }
0x61: {  	v4 =	vunpack.i.u.bf16.f32 v9;
	v1 =	vadd.f32 v6, v1;
	[tilespmem:s16+$0x16440] =	vst v3  }
0x62: {  	v0 =	vadd.f32 v4, v0;
	[tilespmem:s16+$0x16450] =	vst v2  }
0x63: {  	[tilespmem:s16+$0x16460] =	vst v1  }
0x64: {  	[tilespmem:s16+$0x16470] =	vst v0  }
0x65: {  	_ =	swait.ge [sflag:s26], $0x2000  }
0x66: {  	[sflag:s26] =	ssyncset.done $0x0  }
0x67: {  	s20 =	simm.s32 $0x20;
	[sflag:s26] =	ssyncadd.s32 $0xFFFFE000  }
0x68: {  	v0 =	vld [tilespmem:s20+$0xA410]  }
0x69: {  	v1 =	vld [tilespmem:s20+$0xB410]  }
0x6a: {  	v2 =	vld [tilespmem:s20+$0xA3E0]  }
0x6b: {  	v3 =	vld [tilespmem:s20+$0xB3E0];
	_ =	sdelay $0x1  }
0x6c: {  	v5 =	vld [tilespmem:s20+$0xA3F0]  }
0x6d: {  	v10 =	vimm.f32 $0.0e+00;
	v8 =	vimm.f32 $0.0e+00;
	v7 =	vimm.f32 $0.0e+00;
	v12 =	vld [tilespmem:s20+$0xB3F0]  }
0x6e: {  	v6 =	vimm.f32 $0.0e+00;
	v4 =	vimm.f32 $0.0e+00;
	v11 =	vld [tilespmem:s20+$0xB400];
	v0 =	vadd.bf16 v1, v0  }
0x6f: {  	s22 =	simm.s32 $0x60;
	v13 =	vadd.bf16 v3, v2;
	v3 =	vld [tilespmem:s20+$0xA400];
	v2 =	vimm.f32 $0.0e+00;
	v1 =	vimm.f32 $0.0e+00  }
0x70: {  	v9 =	vld [tilespmem:s22+$0xA410];
	s20 =	simm.s32 $0x280;
	v14 =	vunpack.i.u.bf16.f32 v0;
	v15 =	vunpack.i.l.bf16.f32 v0;
	v0 =	vimm.f32 $0.0e+00  }
.LBB2_7:
0x71: {  	p0 =	sne.s32 s20, $0x3F80;
	v16 =	vld [tilespmem:s22+$0xB410];
	v6 =	vadd.f32 v15, v6;
	v10 =	vadd.f32 v14, v10  }
0x72: {  	v14 =	vld [tilespmem:s22+$0xA3E0];
	v15 =	vunpack.i.u.bf16.f32 v13;
	v13 =	vunpack.i.l.bf16.f32 v13;
	v12 =	vadd.bf16 v12, v5  }
0x73: {  	v17 =	vld [tilespmem:s22+$0xB3E0];
	v7 =	vadd.f32 v13, v7;
	v8 =	vadd.f32 v15, v8  }
.Ltmp2:
0x74: {  	v5 =	vld [tilespmem:s22+$0xA3F0];
	v13 =	vunpack.i.u.bf16.f32 v12;
	v15 =	vunpack.i.l.bf16.f32 v12;
	v11 =	vadd.bf16 v11, v3;
	(pc) =	sbr.rel @p0 .LBB2_7-.Ltmp2, $4  }
0x75: {  	v12 =	vld [tilespmem:s22+$0xB3F0];
	v2 =	vadd.f32 v15, v2;
	v4 =	vadd.f32 v13, v4  }
0x76: {  	v3 =	vld [tilespmem:s22+$0xA400];
	v15 =	vadd.bf16 v16, v9;
	v9 =	vunpack.i.u.bf16.f32 v11;
	v13 =	vunpack.i.l.bf16.f32 v11  }
0x77: {  	v11 =	vld [tilespmem:s22+$0xB400];
	s22 =	sshra.s32 s20, $0x2;
	v0 =	vadd.f32 v13, v0;
	v1 =	vadd.f32 v9, v1  }
0x78: {  	s20 =	sadd.s32 $0x100, s20;
	v9 =	vld [tilespmem:s22+$0xA410];
	v13 =	vadd.bf16 v17, v14;
	v14 =	vunpack.i.u.bf16.f32 v15;
	v15 =	vunpack.i.l.bf16.f32 v15  }
0x79: {  	v16 =	vld [tilespmem:s22+$0xB410]  }
0x7a: {  	v17 =	vld [tilespmem:s22+$0xA3E0]  }
0x7b: {  	v18 =	vld [tilespmem:s22+$0xB3E0];
	s0 =	smin.u32 s18, $0x7A  }
0x7c: {  	v19 =	vld [tilespmem:s22+$0xA3F0];
	s0 =	smul.u32 $0x320, s0  }
0x7d: {  	v6 =	vadd.f32 v15, v6;
	v10 =	vadd.f32 v14, v10;
	v14 =	vld [tilespmem:s22+$0xB3F0]  }
0x7e: {  	v15 =	vunpack.i.u.bf16.f32 v13;
	v13 =	vunpack.i.l.bf16.f32 v13;
	v5 =	vadd.bf16 v12, v5;
	v12 =	vld [tilespmem:s22+$0xA400];
	s20 =	sshrl.u32 s0, $0x2  }
0x7f: {  	v7 =	vadd.f32 v13, v7;
	v8 =	vadd.f32 v15, v8;
	v13 =	vld [tilespmem:s22+$0xB400];
	s22 =	simm.s32 $0x80;
	s0 =	sadd.s32 $0x3E8, s20  }
0x80: {  	v3 =	vadd.bf16 v11, v3;
	v11 =	vunpack.i.u.bf16.f32 v5;
	v5 =	vunpack.i.l.bf16.f32 v5;
	[tilespmem:s13], [sflag:$0x3] =	stream.indirect.gather [hbm4b:s3+s22], $0x40, s0, s22, $0xb8;
	[tilespmem:$0x1A400] =	vst v63  }
0x81: {  	v2 =	vadd.f32 v5, v2;
	v5 =	vadd.f32 v11, v4;
	_ =	swait.ge [sflag:s28], $0x1200  }
0x82: {  	v4 =	vadd.bf16 v16, v9;
	v9 =	vunpack.i.u.bf16.f32 v3;
	v3 =	vunpack.i.l.bf16.f32 v3;
	[sflag:s28] =	ssyncset.done $0x0  }
0x83: {  	s0 =	simm.s32 $0x20;
	v3 =	vadd.f32 v3, v0;
	v11 =	vadd.f32 v9, v1;
	[sflag:s28] =	ssyncadd.s32 $0xFFFFEE00  }
0x84: {  	v9 =	vadd.bf16 v18, v17;
	v0 =	vunpack.i.u.bf16.f32 v4;
	v1 =	vunpack.i.l.bf16.f32 v4;
	v15 =	vld [tilespmem:s0+$0xC410]  }
0x85: {  	v1 =	vadd.f32 v1, v6;
	v0 =	vadd.f32 v0, v10;
	v10 =	vld [tilespmem:s0+$0xCD10]  }
0x86: {  	v4 =	vunpack.i.u.bf16.f32 v9;
	v6 =	vunpack.i.l.bf16.f32 v9;
	v9 =	vadd.bf16 v14, v19;
	v14 =	vld [tilespmem:s0+$0xC3E0]  }
0x87: {  	v12 =	vadd.bf16 v13, v12;
	v6 =	vadd.f32 v6, v7;
	v16 =	vld [tilespmem:s0+$0xCCE0]  }
0x88: {  	v4 =	vadd.f32 v4, v8;
	v13 =	vld [tilespmem:s0+$0xCCF0];
	v8 =	vunpack.i.u.bf16.f32 v9;
	v7 =	vunpack.i.l.bf16.f32 v9  }
0x89: {  	v9 =	vld [tilespmem:s0+$0xC3F0];
	v7 =	vadd.f32 v7, v2;
	v5 =	vadd.f32 v8, v5  }
0x8a: {  	v2 =	vunpack.i.u.bf16.f32 v12;
	v12 =	vunpack.i.l.bf16.f32 v12;
	v8 =	vld [tilespmem:s0+$0xC400];
	v17 =	vadd.bf16 v10, v15  }
0x8b: {  	s22 =	simm.s32 $0x60;
	v3 =	vadd.f32 v12, v3;
	v2 =	vadd.f32 v2, v11;
	v12 =	vld [tilespmem:s0+$0xCD00]  }
0x8c: {  	s0 =	simm.s32 $0x280;
	v10 =	vld [tilespmem:s22+$0xC410];
	v15 =	vadd.bf16 v16, v14;
	v11 =	vunpack.i.u.bf16.f32 v17;
	v14 =	vunpack.i.l.bf16.f32 v17  }
.LBB2_9:
0x8d: {  	p0 =	sne.s32 s0, $0x2380;
	v16 =	vld [tilespmem:s22+$0xCD10];
	v1 =	vadd.f32 v14, v1;
	v0 =	vadd.f32 v11, v0  }
0x8e: {  	v11 =	vld [tilespmem:s22+$0xC3E0];
	v14 =	vunpack.i.u.bf16.f32 v15;
	v15 =	vunpack.i.l.bf16.f32 v15;
	v13 =	vadd.bf16 v13, v9  }
0x8f: {  	v17 =	vld [tilespmem:s22+$0xCCE0];
	v6 =	vadd.f32 v15, v6;
	v4 =	vadd.f32 v14, v4  }
.Ltmp3:
0x90: {  	v9 =	vld [tilespmem:s22+$0xC3F0];
	v14 =	vunpack.i.u.bf16.f32 v13;
	v15 =	vunpack.i.l.bf16.f32 v13;
	v12 =	vadd.bf16 v12, v8;
	(pc) =	sbr.rel @p0 .LBB2_9-.Ltmp3, $4  }
0x91: {  	v13 =	vld [tilespmem:s22+$0xCCF0];
	v7 =	vadd.f32 v15, v7;
	v5 =	vadd.f32 v14, v5  }
0x92: {  	v8 =	vld [tilespmem:s22+$0xC400];
	v14 =	vadd.bf16 v16, v10;
	v10 =	vunpack.i.u.bf16.f32 v12;
	v15 =	vunpack.i.l.bf16.f32 v12  }
0x93: {  	v12 =	vld [tilespmem:s22+$0xCD00];
	s22 =	sshra.s32 s0, $0x2;
	v3 =	vadd.f32 v15, v3;
	v2 =	vadd.f32 v10, v2  }
0x94: {  	s0 =	sadd.s32 $0x100, s0;
	v10 =	vld [tilespmem:s22+$0xC410];
	v15 =	vadd.bf16 v17, v11;
	v11 =	vunpack.i.u.bf16.f32 v14;
	v14 =	vunpack.i.l.bf16.f32 v14  }
0x95: {  	v16 =	vld [tilespmem:s22+$0xC3E0]  }
0x96: {  	v17 =	vld [tilespmem:s22+$0xCCE0]  }
0x97: {  	v18 =	vld [tilespmem:s22+$0xCD10]  }
0x98: {  	v19 =	vld [tilespmem:s22+$0xC3F0]  }
0x99: {  	v20 =	vunpack.i.l.bf16.f32 v15;
	v9 =	vadd.bf16 v13, v9;
	v13 =	vld [tilespmem:s22+$0xCCF0]  }
0x9a: {  	v63 =	vld [tilespmem:s22+$0xC400];
	v15 =	vunpack.i.u.bf16.f32 v15;
	v6 =	vadd.f32 v20, v6  }
0x9b: {  	v4 =	vadd.f32 v15, v4;
	v15 =	vunpack.i.l.bf16.f32 v9;
	v16 =	vadd.bf16 v17, v16;
	v17 =	vld [tilespmem:s22+$0xCD00]  }
0x9c: {  	v8 =	vadd.bf16 v12, v8;
	v9 =	vunpack.i.u.bf16.f32 v9;
	v7 =	vadd.f32 v15, v7  }
0x9d: {  	v5 =	vadd.f32 v9, v5;
	v9 =	vadd.bf16 v18, v10  }
0x9e: {  	v12 =	vadd.bf16 v13, v19;
	v10 =	vunpack.i.l.bf16.f32 v16;
	v13 =	vunpack.i.u.bf16.f32 v16  }
0x9f: {  	s0 =	sadd.s32 $0x468, s20;
	v6 =	vadd.f32 v10, v6;
	v10 =	vunpack.i.u.bf16.f32 v8;
	v8 =	vunpack.i.l.bf16.f32 v8  }
0xa0: {  	[tilespmem:s15], [sflag:$0x4] =	stream.indirect.gather [hbm4b:s3+s10], $0x40, s0, s10, $0xb8;
	v4 =	vadd.f32 v13, v4;
	v13 =	vunpack.i.l.bf16.f32 v12;
	v15 =	vadd.bf16 v17, v63;
	[tilespmem:$0x1A400] =	vst v63  }
0xa1: {  	v3 =	vadd.f32 v8, v3;
	v8 =	vunpack.i.u.bf16.f32 v12;
	v7 =	vadd.f32 v13, v7;
	[tilespmem:s16+$0x16480] =	vst v6  }
0xa2: {  	v2 =	vadd.f32 v10, v2;
	v5 =	vadd.f32 v8, v5;
	[tilespmem:s16+$0x16490] =	vst v4;
	v6 =	vunpack.i.l.bf16.f32 v15  }
0xa3: {  	v1 =	vadd.f32 v14, v1;
	[tilespmem:s16+$0x164A0] =	vst v7;
	v4 =	vunpack.i.u.bf16.f32 v15;
	v3 =	vadd.f32 v6, v3  }
0xa4: {  	v0 =	vadd.f32 v11, v0;
	[tilespmem:s16+$0x164B0] =	vst v5;
	v6 =	vunpack.i.l.bf16.f32 v9;
	v2 =	vadd.f32 v4, v2  }
0xa5: {  	v4 =	vunpack.i.u.bf16.f32 v9;
	v1 =	vadd.f32 v6, v1;
	[tilespmem:s16+$0x164C0] =	vst v3  }
0xa6: {  	v0 =	vadd.f32 v4, v0;
	[tilespmem:s16+$0x164D0] =	vst v2  }
0xa7: {  	[tilespmem:s16+$0x164E0] =	vst v1  }
0xa8: {  	[tilespmem:s16+$0x164F0] =	vst v0  }
0xa9: {  	_ =	swait.ge [sflag:s29], $0x2000  }
0xaa: {  	[sflag:s29] =	ssyncset.done $0x0  }
0xab: {  	s20 =	simm.s32 $0x20;
	[sflag:s29] =	ssyncadd.s32 $0xFFFFE000  }
0xac: {  	v0 =	vld [tilespmem:s20+$0xE410]  }
0xad: {  	v1 =	vld [tilespmem:s20+$0xF410]  }
0xae: {  	v2 =	vld [tilespmem:s20+$0xE3E0]  }
0xaf: {  	v3 =	vld [tilespmem:s20+$0xF3E0];
	_ =	sdelay $0x1  }
0xb0: {  	v5 =	vld [tilespmem:s20+$0xE3F0]  }
0xb1: {  	v10 =	vimm.f32 $0.0e+00;
	v8 =	vimm.f32 $0.0e+00;
	v7 =	vimm.f32 $0.0e+00;
	v12 =	vld [tilespmem:s20+$0xF3F0]  }
0xb2: {  	v6 =	vimm.f32 $0.0e+00;
	v4 =	vimm.f32 $0.0e+00;
	v11 =	vld [tilespmem:s20+$0xF400];
	v0 =	vadd.bf16 v1, v0  }
0xb3: {  	s22 =	simm.s32 $0x60;
	v13 =	vadd.bf16 v3, v2;
	v3 =	vld [tilespmem:s20+$0xE400];
	v2 =	vimm.f32 $0.0e+00;
	v1 =	vimm.f32 $0.0e+00  }
0xb4: {  	s0 =	simm.s32 $0x280;
	v9 =	vld [tilespmem:s22+$0xE410];
	v14 =	vunpack.i.u.bf16.f32 v0;
	v15 =	vunpack.i.l.bf16.f32 v0;
	v0 =	vimm.f32 $0.0e+00  }
.LBB2_11:
0xb5: {  	p0 =	sne.s32 s0, $0x3F80;
	v16 =	vld [tilespmem:s22+$0xF410];
	v6 =	vadd.f32 v15, v6;
	v10 =	vadd.f32 v14, v10  }
0xb6: {  	v14 =	vld [tilespmem:s22+$0xE3E0];
	v15 =	vunpack.i.u.bf16.f32 v13;
	v13 =	vunpack.i.l.bf16.f32 v13;
	v12 =	vadd.bf16 v12, v5  }
0xb7: {  	v17 =	vld [tilespmem:s22+$0xF3E0];
	v7 =	vadd.f32 v13, v7;
	v8 =	vadd.f32 v15, v8  }
.Ltmp4:
0xb8: {  	v5 =	vld [tilespmem:s22+$0xE3F0];
	v13 =	vunpack.i.u.bf16.f32 v12;
	v15 =	vunpack.i.l.bf16.f32 v12;
	v11 =	vadd.bf16 v11, v3;
	(pc) =	sbr.rel @p0 .LBB2_11-.Ltmp4, $4  }
0xb9: {  	v12 =	vld [tilespmem:s22+$0xF3F0];
	v2 =	vadd.f32 v15, v2;
	v4 =	vadd.f32 v13, v4  }
0xba: {  	v3 =	vld [tilespmem:s22+$0xE400];
	v15 =	vadd.bf16 v16, v9;
	v9 =	vunpack.i.u.bf16.f32 v11;
	v13 =	vunpack.i.l.bf16.f32 v11  }
0xbb: {  	v11 =	vld [tilespmem:s22+$0xF400];
	s22 =	sshra.s32 s0, $0x2;
	v0 =	vadd.f32 v13, v0;
	v1 =	vadd.f32 v9, v1  }
0xbc: {  	s0 =	sadd.s32 $0x100, s0;
	v9 =	vld [tilespmem:s22+$0xE410];
	v13 =	vadd.bf16 v17, v14;
	v14 =	vunpack.i.u.bf16.f32 v15;
	v15 =	vunpack.i.l.bf16.f32 v15  }
0xbd: {  	v16 =	vld [tilespmem:s22+$0xF410]  }
0xbe: {  	v17 =	vld [tilespmem:s22+$0xE3E0]  }
0xbf: {  	v18 =	vld [tilespmem:s22+$0xF3E0];
	s0 =	smin.u32 s18, $0x79  }
0xc0: {  	v19 =	vld [tilespmem:s22+$0xE3F0];
	s0 =	smul.u32 $0x320, s0  }
0xc1: {  	v6 =	vadd.f32 v15, v6;
	v10 =	vadd.f32 v14, v10;
	v14 =	vld [tilespmem:s22+$0xF3F0]  }
0xc2: {  	v15 =	vunpack.i.u.bf16.f32 v13;
	v13 =	vunpack.i.l.bf16.f32 v13;
	v5 =	vadd.bf16 v12, v5;
	v12 =	vld [tilespmem:s22+$0xE400];
	s20 =	sshrl.u32 s0, $0x2  }
0xc3: {  	v7 =	vadd.f32 v13, v7;
	v8 =	vadd.f32 v15, v8;
	v13 =	vld [tilespmem:s22+$0xF400];
	s22 =	simm.s32 $0x80;
	s0 =	sadd.s32 $0x4B0, s20  }
0xc4: {  	v3 =	vadd.bf16 v11, v3;
	v11 =	vunpack.i.u.bf16.f32 v5;
	v5 =	vunpack.i.l.bf16.f32 v5;
	[tilespmem:s17], [sflag:$0x5] =	stream.indirect.gather [hbm4b:s3+s22], $0x40, s0, s22, $0xb8;
	[tilespmem:$0x1A400] =	vst v63  }
0xc5: {  	v2 =	vadd.f32 v5, v2;
	v5 =	vadd.f32 v11, v4;
	_ =	swait.ge [sflag:s30], $0x1200  }
0xc6: {  	v4 =	vadd.bf16 v16, v9;
	v9 =	vunpack.i.u.bf16.f32 v3;
	v3 =	vunpack.i.l.bf16.f32 v3;
	[sflag:s30] =	ssyncset.done $0x0  }
0xc7: {  	s0 =	simm.s32 $0x20;
	v3 =	vadd.f32 v3, v0;
	v11 =	vadd.f32 v9, v1;
	[sflag:s30] =	ssyncadd.s32 $0xFFFFEE00  }
0xc8: {  	v9 =	vadd.bf16 v18, v17;
	v0 =	vunpack.i.u.bf16.f32 v4;
	v1 =	vunpack.i.l.bf16.f32 v4;
	v15 =	vld [tilespmem:s0+$0x10410]  }
0xc9: {  	v1 =	vadd.f32 v1, v6;
	v0 =	vadd.f32 v0, v10;
	v10 =	vld [tilespmem:s0+$0x10D10]  }
0xca: {  	v4 =	vunpack.i.u.bf16.f32 v9;
	v6 =	vunpack.i.l.bf16.f32 v9;
	v9 =	vadd.bf16 v14, v19;
	v14 =	vld [tilespmem:s0+$0x103E0]  }
0xcb: {  	v12 =	vadd.bf16 v13, v12;
	v6 =	vadd.f32 v6, v7;
	v16 =	vld [tilespmem:s0+$0x10CE0]  }
0xcc: {  	v4 =	vadd.f32 v4, v8;
	v13 =	vld [tilespmem:s0+$0x10CF0];
	v8 =	vunpack.i.u.bf16.f32 v9;
	v7 =	vunpack.i.l.bf16.f32 v9  }
0xcd: {  	v9 =	vld [tilespmem:s0+$0x103F0];
	v7 =	vadd.f32 v7, v2;
	v5 =	vadd.f32 v8, v5  }
0xce: {  	v2 =	vunpack.i.u.bf16.f32 v12;
	v12 =	vunpack.i.l.bf16.f32 v12;
	v8 =	vld [tilespmem:s0+$0x10400];
	v17 =	vadd.bf16 v10, v15  }
0xcf: {  	s22 =	simm.s32 $0x60;
	v3 =	vadd.f32 v12, v3;
	v2 =	vadd.f32 v2, v11;
	v12 =	vld [tilespmem:s0+$0x10D00]  }
0xd0: {  	s0 =	simm.s32 $0x280;
	v10 =	vld [tilespmem:s22+$0x10410];
	v15 =	vadd.bf16 v16, v14;
	v11 =	vunpack.i.u.bf16.f32 v17;
	v14 =	vunpack.i.l.bf16.f32 v17  }
.LBB2_13:
0xd1: {  	p0 =	sne.s32 s0, $0x2380;
	v16 =	vld [tilespmem:s22+$0x10D10];
	v1 =	vadd.f32 v14, v1;
	v0 =	vadd.f32 v11, v0  }
0xd2: {  	v11 =	vld [tilespmem:s22+$0x103E0];
	v14 =	vunpack.i.u.bf16.f32 v15;
	v15 =	vunpack.i.l.bf16.f32 v15;
	v13 =	vadd.bf16 v13, v9  }
0xd3: {  	v17 =	vld [tilespmem:s22+$0x10CE0];
	v6 =	vadd.f32 v15, v6;
	v4 =	vadd.f32 v14, v4  }
.Ltmp5:
0xd4: {  	v9 =	vld [tilespmem:s22+$0x103F0];
	v14 =	vunpack.i.u.bf16.f32 v13;
	v15 =	vunpack.i.l.bf16.f32 v13;
	v12 =	vadd.bf16 v12, v8;
	(pc) =	sbr.rel @p0 .LBB2_13-.Ltmp5, $4  }
0xd5: {  	v13 =	vld [tilespmem:s22+$0x10CF0];
	v7 =	vadd.f32 v15, v7;
	v5 =	vadd.f32 v14, v5  }
0xd6: {  	v8 =	vld [tilespmem:s22+$0x10400];
	v14 =	vadd.bf16 v16, v10;
	v10 =	vunpack.i.u.bf16.f32 v12;
	v15 =	vunpack.i.l.bf16.f32 v12  }
0xd7: {  	v12 =	vld [tilespmem:s22+$0x10D00];
	s22 =	sshra.s32 s0, $0x2;
	v3 =	vadd.f32 v15, v3;
	v2 =	vadd.f32 v10, v2  }
0xd8: {  	s0 =	sadd.s32 $0x100, s0;
	v10 =	vld [tilespmem:s22+$0x10410];
	v15 =	vadd.bf16 v17, v11;
	v11 =	vunpack.i.u.bf16.f32 v14;
	v14 =	vunpack.i.l.bf16.f32 v14  }
0xd9: {  	v16 =	vld [tilespmem:s22+$0x103E0]  }
0xda: {  	v17 =	vld [tilespmem:s22+$0x10CE0]  }
0xdb: {  	v18 =	vld [tilespmem:s22+$0x10D10]  }
0xdc: {  	v19 =	vld [tilespmem:s22+$0x103F0]  }
0xdd: {  	v20 =	vunpack.i.l.bf16.f32 v15;
	v9 =	vadd.bf16 v13, v9;
	v13 =	vld [tilespmem:s22+$0x10CF0]  }
0xde: {  	v63 =	vld [tilespmem:s22+$0x10400];
	v15 =	vunpack.i.u.bf16.f32 v15;
	v6 =	vadd.f32 v20, v6  }
0xdf: {  	v4 =	vadd.f32 v15, v4;
	v15 =	vunpack.i.l.bf16.f32 v9;
	v16 =	vadd.bf16 v17, v16;
	v17 =	vld [tilespmem:s22+$0x10D00]  }
0xe0: {  	v8 =	vadd.bf16 v12, v8;
	v9 =	vunpack.i.u.bf16.f32 v9;
	v7 =	vadd.f32 v15, v7  }
0xe1: {  	v5 =	vadd.f32 v9, v5;
	v9 =	vadd.bf16 v18, v10  }
0xe2: {  	v12 =	vadd.bf16 v13, v19;
	v10 =	vunpack.i.l.bf16.f32 v16;
	v13 =	vunpack.i.u.bf16.f32 v16  }
0xe3: {  	s0 =	sadd.s32 $0x530, s20;
	v6 =	vadd.f32 v10, v6;
	v10 =	vunpack.i.u.bf16.f32 v8;
	v8 =	vunpack.i.l.bf16.f32 v8  }
0xe4: {  	[tilespmem:s19], [sflag:$0x6] =	stream.indirect.gather [hbm4b:s3+s10], $0x40, s0, s10, $0xb8;
	v4 =	vadd.f32 v13, v4;
	v13 =	vunpack.i.l.bf16.f32 v12;
	v15 =	vadd.bf16 v17, v63;
	[tilespmem:$0x1A400] =	vst v63  }
0xe5: {  	v3 =	vadd.f32 v8, v3;
	v8 =	vunpack.i.u.bf16.f32 v12;
	v7 =	vadd.f32 v13, v7;
	[tilespmem:s16+$0x16500] =	vst v6  }
0xe6: {  	v2 =	vadd.f32 v10, v2;
	v5 =	vadd.f32 v8, v5;
	[tilespmem:s16+$0x16510] =	vst v4;
	v6 =	vunpack.i.l.bf16.f32 v15  }
0xe7: {  	v1 =	vadd.f32 v14, v1;
	[tilespmem:s16+$0x16520] =	vst v7;
	v4 =	vunpack.i.u.bf16.f32 v15;
	v3 =	vadd.f32 v6, v3  }
0xe8: {  	v0 =	vadd.f32 v11, v0;
	[tilespmem:s16+$0x16530] =	vst v5;
	v6 =	vunpack.i.l.bf16.f32 v9;
	v2 =	vadd.f32 v4, v2  }
0xe9: {  	v4 =	vunpack.i.u.bf16.f32 v9;
	v1 =	vadd.f32 v6, v1;
	[tilespmem:s16+$0x16540] =	vst v3  }
0xea: {  	v0 =	vadd.f32 v4, v0;
	[tilespmem:s16+$0x16550] =	vst v2  }
0xeb: {  	[tilespmem:s16+$0x16560] =	vst v1  }
0xec: {  	[tilespmem:s16+$0x16570] =	vst v0  }
0xed: {  	_ =	swait.ge [sflag:s31], $0x2000  }
0xee: {  	[sflag:s31] =	ssyncset.done $0x0  }
0xef: {  	s22 =	simm.s32 $0x20;
	[sflag:s31] =	ssyncadd.s32 $0xFFFFE000  }
0xf0: {  	v0 =	vld [tilespmem:s22+$0x12410]  }
0xf1: {  	v1 =	vld [tilespmem:s22+$0x13410]  }
0xf2: {  	v2 =	vld [tilespmem:s22+$0x123E0]  }
0xf3: {  	v3 =	vld [tilespmem:s22+$0x133E0];
	_ =	sdelay $0x1  }
0xf4: {  	v5 =	vld [tilespmem:s22+$0x123F0]  }
0xf5: {  	v10 =	vimm.f32 $0.0e+00;
	v8 =	vimm.f32 $0.0e+00;
	v7 =	vimm.f32 $0.0e+00;
	v12 =	vld [tilespmem:s22+$0x133F0]  }
0xf6: {  	v6 =	vimm.f32 $0.0e+00;
	v4 =	vimm.f32 $0.0e+00;
	v11 =	vld [tilespmem:s22+$0x13400];
	v0 =	vadd.bf16 v1, v0  }
0xf7: {  	s20 =	simm.s32 $0x60;
	v13 =	vadd.bf16 v3, v2;
	v3 =	vld [tilespmem:s22+$0x12400];
	v2 =	vimm.f32 $0.0e+00;
	v1 =	vimm.f32 $0.0e+00  }
0xf8: {  	s0 =	simm.s32 $0x280;
	v9 =	vld [tilespmem:s20+$0x12410];
	v14 =	vunpack.i.u.bf16.f32 v0;
	v15 =	vunpack.i.l.bf16.f32 v0;
	v0 =	vimm.f32 $0.0e+00  }
.LBB2_15:
0xf9: {  	p0 =	sne.s32 s0, $0x3F80;
	v16 =	vld [tilespmem:s20+$0x13410];
	v6 =	vadd.f32 v15, v6;
	v10 =	vadd.f32 v14, v10  }
0xfa: {  	v14 =	vld [tilespmem:s20+$0x123E0];
	v15 =	vunpack.i.u.bf16.f32 v13;
	v13 =	vunpack.i.l.bf16.f32 v13;
	v12 =	vadd.bf16 v12, v5  }
0xfb: {  	v17 =	vld [tilespmem:s20+$0x133E0];
	v7 =	vadd.f32 v13, v7;
	v8 =	vadd.f32 v15, v8  }
.Ltmp6:
0xfc: {  	v5 =	vld [tilespmem:s20+$0x123F0];
	v13 =	vunpack.i.u.bf16.f32 v12;
	v15 =	vunpack.i.l.bf16.f32 v12;
	v11 =	vadd.bf16 v11, v3;
	(pc) =	sbr.rel @p0 .LBB2_15-.Ltmp6, $4  }
0xfd: {  	v12 =	vld [tilespmem:s20+$0x133F0];
	v2 =	vadd.f32 v15, v2;
	v4 =	vadd.f32 v13, v4  }
0xfe: {  	v3 =	vld [tilespmem:s20+$0x12400];
	v15 =	vadd.bf16 v16, v9;
	v9 =	vunpack.i.u.bf16.f32 v11;
	v13 =	vunpack.i.l.bf16.f32 v11  }
0xff: {  	v11 =	vld [tilespmem:s20+$0x13400];
	s20 =	sshra.s32 s0, $0x2;
	v0 =	vadd.f32 v13, v0;
	v1 =	vadd.f32 v9, v1  }
0x100: {  	s0 =	sadd.s32 $0x100, s0;
	v9 =	vld [tilespmem:s20+$0x12410];
	v13 =	vadd.bf16 v17, v14;
	v14 =	vunpack.i.u.bf16.f32 v15;
	v15 =	vunpack.i.l.bf16.f32 v15  }
0x101: {  	v16 =	vld [tilespmem:s20+$0x13410]  }
0x102: {  	v17 =	vld [tilespmem:s20+$0x123E0];
	s0 =	smin.u32 s18, $0x78  }
0x103: {  	v18 =	vld [tilespmem:s20+$0x133E0];
	s0 =	smul.u32 $0x320, s0  }
0x104: {  	v19 =	vld [tilespmem:s20+$0x123F0];
	v6 =	vadd.f32 v15, v6;
	v10 =	vadd.f32 v14, v10  }
0x105: {  	v14 =	vld [tilespmem:s20+$0x133F0];
	v15 =	vunpack.i.u.bf16.f32 v13;
	v13 =	vunpack.i.l.bf16.f32 v13;
	v5 =	vadd.bf16 v12, v5;
	s18 =	sshrl.u32 s0, $0x2  }
0x106: {  	s22 =	simm.s32 $0x80;
	v12 =	vld [tilespmem:s20+$0x12400];
	v7 =	vadd.f32 v13, v7;
	v8 =	vadd.f32 v15, v8;
	s0 =	sadd.s32 $0x578, s18  }
0x107: {  	v13 =	vld [tilespmem:s20+$0x13400];
	v3 =	vadd.bf16 v11, v3;
	v11 =	vunpack.i.u.bf16.f32 v5;
	v5 =	vunpack.i.l.bf16.f32 v5;
	[tilespmem:s21], [sflag:$0x7] =	stream.indirect.gather [hbm4b:s3+s22], $0x40, s0, s22, $0xb8  }
0x108: {  	v2 =	vadd.f32 v5, v2;
	v5 =	vadd.f32 v11, v4;
	_ =	swait.ge [sflag:s1], $0x1200  }
0x109: {  	v4 =	vadd.bf16 v16, v9;
	v9 =	vunpack.i.u.bf16.f32 v3;
	v3 =	vunpack.i.l.bf16.f32 v3;
	[sflag:s1] =	ssyncset.done $0x0  }
0x10a: {  	s22 =	simm.s32 $0x20;
	v3 =	vadd.f32 v3, v0;
	v11 =	vadd.f32 v9, v1;
	[sflag:s1] =	ssyncadd.s32 $0xFFFFEE00  }
0x10b: {  	v9 =	vadd.bf16 v18, v17;
	v0 =	vunpack.i.u.bf16.f32 v4;
	v1 =	vunpack.i.l.bf16.f32 v4;
	v15 =	vld [tilespmem:s22+$0x14410]  }
0x10c: {  	v1 =	vadd.f32 v1, v6;
	v0 =	vadd.f32 v0, v10;
	v10 =	vld [tilespmem:s22+$0x14D10]  }
0x10d: {  	v4 =	vunpack.i.u.bf16.f32 v9;
	v6 =	vunpack.i.l.bf16.f32 v9;
	v9 =	vadd.bf16 v14, v19;
	v14 =	vld [tilespmem:s22+$0x143E0]  }
0x10e: {  	v12 =	vadd.bf16 v13, v12;
	v6 =	vadd.f32 v6, v7;
	v16 =	vld [tilespmem:s22+$0x14CE0]  }
0x10f: {  	v4 =	vadd.f32 v4, v8;
	v13 =	vld [tilespmem:s22+$0x14CF0];
	v8 =	vunpack.i.u.bf16.f32 v9;
	v7 =	vunpack.i.l.bf16.f32 v9  }
0x110: {  	v9 =	vld [tilespmem:s22+$0x143F0];
	v7 =	vadd.f32 v7, v2;
	v5 =	vadd.f32 v8, v5  }
0x111: {  	v2 =	vunpack.i.u.bf16.f32 v12;
	v12 =	vunpack.i.l.bf16.f32 v12;
	v8 =	vld [tilespmem:s22+$0x14400];
	v17 =	vadd.bf16 v10, v15  }
0x112: {  	s20 =	simm.s32 $0x60;
	v3 =	vadd.f32 v12, v3;
	v2 =	vadd.f32 v2, v11;
	v12 =	vld [tilespmem:s22+$0x14D00]  }
0x113: {  	s0 =	simm.s32 $0x280;
	v10 =	vld [tilespmem:s20+$0x14410];
	v15 =	vadd.bf16 v16, v14;
	v11 =	vunpack.i.u.bf16.f32 v17;
	v14 =	vunpack.i.l.bf16.f32 v17  }
.LBB2_17:
0x114: {  	p0 =	sne.s32 s0, $0x2380;
	v16 =	vld [tilespmem:s20+$0x14D10];
	v1 =	vadd.f32 v14, v1;
	v0 =	vadd.f32 v11, v0  }
0x115: {  	v11 =	vld [tilespmem:s20+$0x143E0];
	v14 =	vunpack.i.u.bf16.f32 v15;
	v15 =	vunpack.i.l.bf16.f32 v15;
	v13 =	vadd.bf16 v13, v9  }
0x116: {  	v17 =	vld [tilespmem:s20+$0x14CE0];
	v6 =	vadd.f32 v15, v6;
	v4 =	vadd.f32 v14, v4  }
.Ltmp7:
0x117: {  	v9 =	vld [tilespmem:s20+$0x143F0];
	v14 =	vunpack.i.u.bf16.f32 v13;
	v15 =	vunpack.i.l.bf16.f32 v13;
	v12 =	vadd.bf16 v12, v8;
	(pc) =	sbr.rel @p0 .LBB2_17-.Ltmp7, $4  }
0x118: {  	v13 =	vld [tilespmem:s20+$0x14CF0];
	v7 =	vadd.f32 v15, v7;
	v5 =	vadd.f32 v14, v5  }
0x119: {  	v8 =	vld [tilespmem:s20+$0x14400];
	v14 =	vadd.bf16 v16, v10;
	v10 =	vunpack.i.u.bf16.f32 v12;
	v15 =	vunpack.i.l.bf16.f32 v12  }
0x11a: {  	v12 =	vld [tilespmem:s20+$0x14D00];
	s20 =	sshra.s32 s0, $0x2;
	v3 =	vadd.f32 v15, v3;
	v2 =	vadd.f32 v10, v2  }
0x11b: {  	s0 =	sadd.s32 $0x100, s0;
	v10 =	vld [tilespmem:s20+$0x14410];
	v15 =	vadd.bf16 v17, v11;
	v11 =	vunpack.i.u.bf16.f32 v14;
	v14 =	vunpack.i.l.bf16.f32 v14  }
0x11c: {  	v16 =	vld [tilespmem:s20+$0x143E0]  }
0x11d: {  	v17 =	vld [tilespmem:s20+$0x14CE0]  }
0x11e: {  	v18 =	vld [tilespmem:s20+$0x14D10]  }
0x11f: {  	v19 =	vld [tilespmem:s20+$0x143F0]  }
0x120: {  	v47 =	vld [tilespmem:s20+$0x14CF0];
	v20 =	vunpack.i.l.bf16.f32 v15;
	v9 =	vadd.bf16 v13, v9  }
0x121: {  	v49 =	vld [tilespmem:s20+$0x14400];
	v48 =	vunpack.i.u.bf16.f32 v15;
	v6 =	vadd.f32 v20, v6  }
0x122: {  	v51 =	vld [tilespmem:s20+$0x14D00];
	v4 =	vadd.f32 v48, v4;
	v50 =	vunpack.i.l.bf16.f32 v9;
	v8 =	vadd.bf16 v12, v8  }
0x123: {  	v9 =	vunpack.i.u.bf16.f32 v9;
	v7 =	vadd.f32 v50, v7;
	v16 =	vadd.bf16 v17, v16  }
0x124: {  	v5 =	vadd.f32 v9, v5;
	v52 =	vadd.bf16 v18, v10  }
0x125: {  	v54 =	vadd.bf16 v47, v19;
	v55 =	vunpack.i.u.bf16.f32 v8;
	v53 =	vunpack.i.l.bf16.f32 v16  }
0x126: {  	s0 =	sadd.s32 $0x5F8, s18;
	v8 =	vunpack.i.l.bf16.f32 v8;
	v56 =	vunpack.i.u.bf16.f32 v16;
	v6 =	vadd.f32 v53, v6  }
0x127: {  	[tilespmem:s23], [sflag:$0x8] =	stream.indirect.gather [hbm4b:s3+s10], $0x40, s0, s10, $0xb8;
	v58 =	vadd.bf16 v51, v49;
	v57 =	vunpack.i.l.bf16.f32 v54;
	v4 =	vadd.f32 v56, v4;
	[tilespmem:$0x1A400] =	vst v63  }
0x128: {  	v3 =	vadd.f32 v8, v3;
	v59 =	vunpack.i.u.bf16.f32 v54;
	v7 =	vadd.f32 v57, v7;
	[tilespmem:s16+$0x16580] =	vst v6  }
0x129: {  	s14 =	sadd.s32 $0x1, s14;
	v2 =	vadd.f32 v55, v2;
	v60 =	vunpack.i.l.bf16.f32 v58;
	v5 =	vadd.f32 v59, v5;
	[tilespmem:s16+$0x16590] =	vst v4  }
0x12a: {  	v1 =	vadd.f32 v14, v1;
	p0 =	sne.s32 s14, $0x20;
	v61 =	vunpack.i.u.bf16.f32 v58;
	v3 =	vadd.f32 v60, v3;
	[tilespmem:s16+$0x165A0] =	vst v7  }
.Ltmp8:
0x12b: {  	v0 =	vadd.f32 v11, v0;
	v62 =	vunpack.i.l.bf16.f32 v52;
	v2 =	vadd.f32 v61, v2;
	[tilespmem:s16+$0x165B0] =	vst v5;
	(pc) =	sbr.rel @p0 .LBB2_2-.Ltmp8, $4  }
0x12c: {  	v63 =	vunpack.i.u.bf16.f32 v52;
	v1 =	vadd.f32 v62, v1;
	[tilespmem:s16+$0x165C0] =	vst v3  }
0x12d: {  	v0 =	vadd.f32 v63, v0;
	[tilespmem:s16+$0x165D0] =	vst v2  }
0x12e: {  	[tilespmem:s16+$0x165E0] =	vst v1  }
0x12f: {  	[tilespmem:s16+$0x165F0] =	vst v0  }
0x130: {  	_ =	swait.ge [sflag:s24], $0x2000  }
0x131: {  	[sflag:s24] =	ssyncset.done $0x0  }
0x132: {  	[sflag:s24] =	ssyncadd.s32 $0xFFFFE000  }
0x133: {  	_ =	swait.ge [sflag:s25], $0x1200  }
0x134: {  	[sflag:s25] =	ssyncset.done $0x0  }
0x135: {  	[sflag:s25] =	ssyncadd.s32 $0xFFFFEE00  }
0x136: {  	_ =	swait.ge [sflag:s26], $0x2000  }
0x137: {  	[sflag:s26] =	ssyncset.done $0x0  }
0x138: {  	[sflag:s26] =	ssyncadd.s32 $0xFFFFE000  }
0x139: {  	_ =	swait.ge [sflag:s28], $0x1200  }
0x13a: {  	[sflag:s28] =	ssyncset.done $0x0  }
0x13b: {  	[sflag:s28] =	ssyncadd.s32 $0xFFFFEE00  }
0x13c: {  	_ =	swait.ge [sflag:s29], $0x2000  }
0x13d: {  	[sflag:s29] =	ssyncset.done $0x0  }
0x13e: {  	[sflag:s29] =	ssyncadd.s32 $0xFFFFE000  }
0x13f: {  	_ =	swait.ge [sflag:s30], $0x1200  }
0x140: {  	[sflag:s30] =	ssyncset.done $0x0  }
0x141: {  	[sflag:s30] =	ssyncadd.s32 $0xFFFFEE00  }
0x142: {  	_ =	swait.ge [sflag:s31], $0x2000  }
0x143: {  	[sflag:s31] =	ssyncset.done $0x0  }
0x144: {  	[sflag:s31] =	ssyncadd.s32 $0xFFFFE000  }
0x145: {  	s12 =	sadd.s32 $0x1, s12;
	_ =	swait.ge [sflag:s1], $0x1200  }
0x146: {  	p0 =	sne.s32 s12, s6;
	[sflag:s1] =	ssyncset.done $0x0  }
.Ltmp9:
0x147: {  	s0 =	simm.s32 $0x16400;
	[sflag:s1] =	ssyncadd.s32 $0xFFFFEE00;
	(pc) =	sbr.rel @p0 .LBB2_1-.Ltmp9, $4  }
0x148: {  	[hbm4b:s5+s2] =	stream.linear.scatter [tilespmem:s0], [sflag:$0x9], $0x4000, $0x38;
	[tilespmem:$0x1A400] =	vst v63  }
0x149: {  	_ =	swait.ge [sflag:s7], $0x4000  }
0x14a: {  	[sflag:s7] =	ssyncset.done $0x0  }
0x14b: {  	[sflag:s7] =	ssyncadd.s32 $0xFFFFC000  }
0x14c: {  	_ =	sfence.sel $0x180000  }
0x14d: {  	[bflag:$0x0] =	sbarrier.arrive $0xFFFF  }
0x14e: {  	_ =	strace $0x9000004A  }
0x14f: {  	s0 =	stileid.u32;
	[bflag:$0x2] =	sbarrier.arrive $0xFFFF  }
0x150: {  	p0 =	sne.s32 s0, $0x0;
	s0 =	rddreg [dreg:$0x2]  }
0x151: {  	s0 =	sadd.s32 @!p0 $0x100000, s0  }
0x152: {  	[sflag:s0] =	ssyncadd.tile.s32 @!p0 $0x1;
	_ =	shalt  }
.Lfunc_end2:
_tile_overlayer_lowered:
.L_overlay_start_2:
0x153: {  	(tag) =	ssettag $0x2  }
0x154: {  	s0 =	rddreg [dreg:$0x0];
	s2 =	stileid.u32  }
0x155: {  	s1 =	rddreg [dreg:$0x1];
	p0 =	sne.s32 s2, $0x0  }
0x156: {  	s3 =	rddreg [dreg:$0x2];
	[bflag:$0x3] =	sbarrier.arrive $0xFFFF;
	s2 =	simm.s32 @!p0 $0x1C09  }
0x157: {  	[timem:s3], [sflag:s2] =	dma.local @!p0 [hbm:s0], s1  }
0x158: {  	s0 =	simm.s32 @!p0 $0x9  }
0x159: {  	_ =	swait.ge @!p0 [sflag:s0], s1  }
0x15a: {  	s1 =	ssub.s32 @!p0 $0x0, s1;
	[sflag:s0] =	ssyncset.done @!p0 $0x0  }
0x15b: {  	[sflag:s0] =	ssyncadd.s32 @!p0 s1  }
0x15c: {  	[bflag:$0x3] =	sbarrier.arrive $0xFFFF  }
0x15d: {  	_ =	shalt  }

</sc_bundles>
